<compile_context>
chip_gen: v7x
topology: tpu7x:2x2x1
jax: 0.10.2.dev20260603
libtpu: 0.0.44.dev20260713+nightly
codegen_flags: <defaults>
</compile_context>

<pallas_src>
import functools

import jax
import jax.numpy as jnp
from jax import lax
from jax.experimental import pallas as pl
from jax.experimental.pallas import tpu as pltpu
from jax.experimental.pallas import tpu_sc as plsc

N = 10000
D = 128
G = 16
NC = 2
NS = 16
NW = NC * NS
CH = 112
NPAD = 10112
RPS = NPAD // NS
BR = 1000
PREC = lax.Precision.HIGHEST
RING = 3
RI = 4
DEGQ = 6
DEGW = 128
DNP = 10240
DRPS = DNP // NS

_mesh = plsc.VectorSubcoreMesh(core_axis_name="c", subcore_axis_name="s")



def _sc_deg_body(dst_hbm, ones_hbm, zeros_hbm, out_hbm, dstv, onesv, acc, sem):
    c = lax.axis_index("c")
    s = lax.axis_index("s")
    w = c * NS + s
    cpt = dst_hbm.shape[0] // NW
    pltpu.sync_copy(zeros_hbm, acc.at[pl.ds(s * DRPS, DRPS)])
    pltpu.sync_copy(dst_hbm.at[pl.ds(w * cpt, cpt)], dstv)
    pltpu.sync_copy(ones_hbm, onesv)
    plsc.subcore_barrier()

    def body(j, carry):
        pltpu.async_copy(onesv, acc.at[dstv.at[j, 0]], sem, add=True)

        @pl.when(j >= DEGQ)
        def _():
            pltpu.make_async_copy(ones_hbm, onesv, sem).wait()
        return carry

    lax.fori_loop(0, cpt, body, 0)
    for _ in range(DEGQ):
        pltpu.make_async_copy(ones_hbm, onesv, sem).wait()
    plsc.subcore_barrier()
    pltpu.sync_copy(acc.at[pl.ds(s * DRPS, DRPS)],
                    out_hbm.at[c, pl.ds(s * DRPS, DRPS)])


def _sc_apply_body(mp_hbm, src_hbm, dst_hbm, zeros_hbm, out_hbm,
                   srcv, dstv, rowsv, acc, gsem, ssem, isem):
    c = lax.axis_index("c")
    s = lax.axis_index("s")
    w = c * NS + s
    cpt = src_hbm.shape[0] // NW
    base = w * cpt
    pltpu.sync_copy(zeros_hbm, acc.at[pl.ds(s * RPS, RPS)])
    plsc.subcore_barrier()

    def load_idx(j):
        slot = lax.rem(j, RI)
        pltpu.async_copy(src_hbm.at[base + j], srcv.at[slot], isem)
        pltpu.async_copy(dst_hbm.at[base + j], dstv.at[slot], isem)

    def drain_idx_pair():
        pltpu.make_async_copy(src_hbm.at[base], srcv.at[0], isem).wait()
        pltpu.make_async_copy(src_hbm.at[base], dstv.at[0], isem).wait()

    def gather(j):
        pltpu.async_copy(mp_hbm.at[srcv.at[lax.rem(j, RI), 0]],
                         rowsv.at[lax.rem(j, RING)], gsem)

    def wait_gather():
        pltpu.make_async_copy(mp_hbm.at[pl.ds(0, CH)],
                              rowsv.at[0], gsem).wait()

    def scatter(j):
        pltpu.async_copy(rowsv.at[lax.rem(j, RING)],
                         acc.at[dstv.at[lax.rem(j, RI), 0]], ssem, add=True)

    def drain_scatter():
        pltpu.make_async_copy(mp_hbm.at[pl.ds(0, CH)],
                              rowsv.at[0], ssem).wait()

    load_idx(0)
    load_idx(1)
    load_idx(2)
    drain_idx_pair()
    gather(0)
    drain_idx_pair()
    gather(1)

    def body(j, carry):
        wait_gather()
        scatter(j)

        @pl.when(j >= 1)
        def _():
            drain_scatter()

        @pl.when(j + 3 < cpt)
        def _():
            load_idx(j + 3)

        @pl.when(j + 2 < cpt)
        def _():
            drain_idx_pair()
            gather(j + 2)
        return carry

    lax.fori_loop(0, cpt, body, 0)
    drain_scatter()
    plsc.subcore_barrier()
    pltpu.sync_copy(acc.at[pl.ds(s * RPS, RPS)],
                    out_hbm.at[c, pl.ds(s * RPS, RPS)])


def _make_sc_deg(cpt):
    return functools.partial(
        pl.kernel,
        out_type=jax.ShapeDtypeStruct((NC, DNP, DEGW), jnp.float32),
        mesh=_mesh,
        scratch_types=[
            pltpu.VMEM((cpt, 1, CH), jnp.int32),
            pltpu.VMEM((CH, DEGW), jnp.float32),
            pltpu.VMEM_SHARED((DNP, DEGW), jnp.float32),
            pltpu.SemaphoreType.DMA,
        ],
    )(_sc_deg_body)


def _make_sc_apply(cpt):
    return functools.partial(
        pl.kernel,
        out_type=jax.ShapeDtypeStruct((NC, NPAD, D), jnp.float32),
        mesh=_mesh,
        scratch_types=[
            pltpu.VMEM((RI, 1, CH), jnp.int32),
            pltpu.VMEM((RI, 1, CH), jnp.int32),
            pltpu.VMEM((RING, CH, D), jnp.float32),
            pltpu.VMEM_SHARED((NPAD, D), jnp.float32),
            pltpu.SemaphoreType.DMA,
            pltpu.SemaphoreType.DMA,
            pltpu.SemaphoreType.DMA,
        ],
    )(_sc_apply_body)



def _dinv_from(degp_ref):
    degsum = degp_ref[0, :, 0:1] + degp_ref[1, :, 0:1]
    deg = degsum + 1.0
    return lax.rsqrt(jnp.maximum(deg, 1.0))


def _mm_body(x_ref, w_ref, b_ref, out_ref):
    out_ref[...] = jnp.dot(x_ref[...], w_ref[...],
                           preferred_element_type=jnp.float32,
                           precision=PREC) + b_ref[...]


def _tk1_body(mu_ref, degp_ref, bias_ref, mp_ref, base_ref):
    dinv = _dinv_from(degp_ref)
    mu = mu_ref[...]
    mp_ref[...] = dinv * mu
    base_ref[...] = (dinv * dinv) * mu + bias_ref[...]


def _tk2_body(mu1_ref, r_ref, basea_ref, wb2_ref, bias_ref,
              degp_ref, mp_ref, base_ref):
    dinv = _dinv_from(degp_ref)
    a = dinv * (r_ref[0] + r_ref[1]) + basea_ref[...]
    mu = (mu1_ref[...]
          + jnp.dot(a, wb2_ref[...],
                    preferred_element_type=jnp.float32, precision=PREC))
    mp_ref[...] = dinv * mu
    base_ref[...] = (dinv * dinv) * mu + bias_ref[...]


def _tk3_body(r_ref, baseb_ref, degp_ref, oneh_ref, clsw_ref, clsb_ref,
              out_ref, sums, maxs, cnts):
    i = pl.program_id(0)

    @pl.when(i == 0)
    def _init():
        sums[...] = jnp.zeros_like(sums)
        maxs[...] = jnp.full_like(maxs, -jnp.inf)
        cnts[...] = jnp.zeros_like(cnts)

    dinv = _dinv_from(degp_ref)
    b = dinv * (r_ref[0] + r_ref[1]) + baseb_ref[...]
    oh = oneh_ref[...]
    dn = (((0,), (0,)), ((), ()))
    sums[...] += lax.dot_general(oh, b, dn,
                                 preferred_element_type=jnp.float32,
                                 precision=PREC)
    cnts[...] += lax.dot_general(oh, jnp.ones_like(b), dn,
                                 preferred_element_type=jnp.float32,
                                 precision=PREC)
    for g in range(G):
        col = oh[:, g:g + 1]
        masked = jnp.where(col > 0.5, b, -jnp.inf)
        mg = jnp.max(masked, axis=0, keepdims=True)
        maxs[g:g + 1, :] = jnp.maximum(maxs[g:g + 1, :], mg)

    @pl.when(i == pl.num_programs(0) - 1)
    def _fin():
        mean = sums[...] / jnp.maximum(cnts[...], 1.0)
        pooled = mean + maxs[...]
        out_ref[...] = (jnp.dot(pooled, clsw_ref[...],
                                preferred_element_type=jnp.float32,
                                precision=PREC)
                        + clsb_ref[...])


def _row_spec():
    return pl.BlockSpec((BR, D), lambda i: (i, 0))


def _full_spec(shape):
    nd = len(shape)
    return pl.BlockSpec(shape, lambda i, _n=nd: (0,) * _n)


def _dinv_spec():
    return pl.BlockSpec((NC, BR, DEGW), lambda i: (0, i, 0))


def _r_spec():
    return pl.BlockSpec((NC, BR, D), lambda i: (0, i, 0))


_GRID = (N // BR,)

_mmk = pl.pallas_call(
    _mm_body,
    grid=_GRID,
    in_specs=[_row_spec(), _full_spec((D, D)), _full_spec((1, D))],
    out_specs=_row_spec(),
    out_shape=jax.ShapeDtypeStruct((N, D), jnp.float32),
)

_tk1 = pl.pallas_call(
    _tk1_body,
    grid=_GRID,
    in_specs=[_row_spec(), _dinv_spec(), _full_spec((1, D))],
    out_specs=[_row_spec(), _row_spec()],
    out_shape=[jax.ShapeDtypeStruct((N, D), jnp.float32),
               jax.ShapeDtypeStruct((N, D), jnp.float32)],
)

_tk2 = pl.pallas_call(
    _tk2_body,
    grid=_GRID,
    in_specs=[_row_spec(), _r_spec(), _row_spec(), _full_spec((D, D)),
              _full_spec((1, D)), _dinv_spec()],
    out_specs=[_row_spec(), _row_spec()],
    out_shape=[jax.ShapeDtypeStruct((N, D), jnp.float32),
               jax.ShapeDtypeStruct((N, D), jnp.float32)],
)

_tk3 = pl.pallas_call(
    _tk3_body,
    grid=_GRID,
    in_specs=[_r_spec(), _row_spec(), _dinv_spec(),
              pl.BlockSpec((BR, G), lambda i: (i, 0)),
              _full_spec((D, 10)), _full_spec((1, 10))],
    out_specs=pl.BlockSpec((G, 10), lambda i: (0, 0)),
    out_shape=jax.ShapeDtypeStruct((G, 10), jnp.float32),
    scratch_shapes=[pltpu.VMEM((G, D), jnp.float32),
                    pltpu.VMEM((G, D), jnp.float32),
                    pltpu.VMEM((G, D), jnp.float32)],
)



def kernel(x, edge_index, edge_attr, batch,
           c0_pre0_W, c0_pre0_b, c0_pre1_W, c0_pre1_b,
           c0_g0_W, c0_g0_b, c0_g1_W, c0_g1_b,
           c1_pre0_W, c1_pre0_b, c1_pre1_W, c1_pre1_b,
           c1_g0_W, c1_g0_b, c1_g1_W, c1_g1_b,
           cls_W, cls_b):
    f32 = jnp.float32
    e = edge_index.shape[1]
    pt = e // NW
    cpt = -(-pt // CH)
    ptp = cpt * CH

    src = edge_index[0].reshape(NW, pt)
    dst = edge_index[1].reshape(NW, pt)
    pad = ptp - pt
    dst_p = jnp.concatenate([dst, jnp.full((NW, pad), N, jnp.int32)], axis=1)
    src_pad = jnp.concatenate(
        [src, jnp.zeros((NW, pad), jnp.int32)],
        axis=1).reshape(NW * cpt, 1, CH)
    dst_pad = dst_p.reshape(NW * cpt, 1, CH)

    def mm(a, b):
        return jnp.dot(a, b, preferred_element_type=f32, precision=PREC)

    w_a = 2.0 * mm(c0_pre0_W, c0_g0_W) + mm(c0_pre1_W, c0_g1_W)
    bpre_a = 2.0 * mm(c0_pre0_b[None], c0_g0_W) + mm(c0_pre1_b[None], c0_g1_W)
    bias_a = (2.0 * c0_g0_b + c0_g1_b)[None]
    w_b1 = 2.0 * mm(c1_pre0_W, c1_g0_W)
    w_b2 = mm(c1_pre1_W, c1_g1_W)
    bpre_b = 2.0 * mm(c1_pre0_b[None], c1_g0_W) + mm(c1_pre1_b[None], c1_g1_W)
    bias_b = (2.0 * c1_g0_b + c1_g1_b)[None]

    onesw = jnp.ones((CH, DEGW), f32)
    zerosw = jnp.zeros((DRPS, DEGW), f32)
    zeros128 = jnp.zeros((RPS, D), f32)

    sc_deg = _make_sc_deg(cpt)
    sc_apply = _make_sc_apply(cpt)

    degp = sc_deg(dst_pad, onesw, zerosw)
    mu_a = _mmk(x, w_a, bpre_a)
    mu_b1 = _mmk(x, w_b1, bpre_b)
    mp_a, base_a = _tk1(mu_a, degp, bias_a)
    r_a = sc_apply(mp_a, src_pad, dst_pad, zeros128)
    mp_b, base_b = _tk2(mu_b1, r_a, base_a, w_b2, bias_b, degp)
    r_b = sc_apply(mp_b, src_pad, dst_pad, zeros128)

    oneh = (batch[:, None] == jnp.arange(G, dtype=batch.dtype)).astype(f32)
    scores = _tk3(r_b, base_b, degp, oneh, cls_W, cls_b[None])
    return scores

# --- scband reference (transcript-rebuilt; emitter-appended) ---
"""Pipeline reference for scband-in-daglayer-70111046140283 (READ-ONLY COPY).

The authoritative reference and input builder live on the scoring server;
editing this copy changes nothing except your own understanding.
"""

import jax, jax.numpy as jnp
import numpy as np

N = 10000
E = 320000
D = 128
H = 128
C = 10
G = 16


def _lin_init(k, din, dout):
    kw, kb = jax.random.split(k)
    W = jax.random.normal(kw, (din, dout), dtype=jnp.float32) * (1.0 / np.sqrt(din))
    b = jax.random.normal(kb, (dout,), dtype=jnp.float32) * 0.01
    return W, b


def setup_inputs(seed: int = 0) -> dict:
    key = jax.random.key(seed)
    ks = jax.random.split(key, 24)
    inp = {}
    inp['x'] = jax.random.normal(ks[0], (N, D), dtype=jnp.float32)
    inp['edge_index'] = jax.random.randint(ks[1], (2, E), 0, N, dtype=jnp.int32)
    inp['edge_attr'] = jax.random.normal(ks[2], (E, 4), dtype=jnp.float32)
    inp['batch'] = jnp.sort(jax.random.randint(ks[3], (N,), 0, G, dtype=jnp.int32))
    # parameters: 2 cells x (preprocess0, preprocess1, gnn0, gnn1) + classifier
    idx = 4
    for c in range(2):
        for nm in ['pre0', 'pre1', 'g0', 'g1']:
            W, b = _lin_init(ks[idx], H if not (c == 0 and nm in ('pre0', 'pre1')) else D, H)
            inp['c%d_%s_W' % (c, nm)] = W
            inp['c%d_%s_b' % (c, nm)] = b
            idx += 1
    Wc, bc = _lin_init(ks[idx], H, C)
    inp['cls_W'] = Wc
    inp['cls_b'] = bc
    return inp


def _gcn(x, edge_index, W, b):
    n = x.shape[0]
    loop = jnp.arange(n, dtype=edge_index.dtype)
    src = jnp.concatenate([edge_index[0], loop])
    dst = jnp.concatenate([edge_index[1], loop])
    deg = jax.ops.segment_sum(jnp.ones_like(dst, dtype=x.dtype), dst, num_segments=n)
    dinv = jax.lax.rsqrt(jnp.maximum(deg, 1.0))
    h = x @ W
    norm = (dinv[src] * dinv[dst])[:, None]
    msg = jnp.take(h, src, axis=0) * norm
    out = jax.ops.segment_sum(msg, dst, num_segments=n)
    return out + b


def _cell(s0, s1, edge_index, p0W, p0b, p1W, p1b, g0W, g0b, g1W, g1b):
    s0 = s0 @ p0W + p0b
    s1 = s1 @ p1W + p1b
    states = [s0, s1]
    # step 0: index 0 -> gnn0 ; step 1: index 1 -> gnn1 (dropout is identity in eval)
    states.append(_gcn(states[0], edge_index, g0W, g0b))
    states.append(_gcn(states[1], edge_index, g1W, g1b))
    # concat type 'add' (faithful: tmp starts at states[2], loop re-adds it)
    tmp = states[2]
    for i in range(2, len(states)):
        tmp = tmp + states[i]
    return tmp


def reference(x, edge_index, edge_attr, batch,
              c0_pre0_W, c0_pre0_b, c0_pre1_W, c0_pre1_b,
              c0_g0_W, c0_g0_b, c0_g1_W, c0_g1_b,
              c1_pre0_W, c1_pre0_b, c1_pre1_W, c1_pre1_b,
              c1_g0_W, c1_g0_b, c1_g1_W, c1_g1_b,
              cls_W, cls_b):
    s0 = s1 = x
    s0, s1 = s1, _cell(s0, s1, edge_index, c0_pre0_W, c0_pre0_b, c0_pre1_W, c0_pre1_b,
                       c0_g0_W, c0_g0_b, c0_g1_W, c0_g1_b)
    s0, s1 = s1, _cell(s0, s1, edge_index, c1_pre0_W, c1_pre0_b, c1_pre1_W, c1_pre1_b,
                       c1_g0_W, c1_g0_b, c1_g1_W, c1_g1_b)
    out = s1
    cnt = jax.ops.segment_sum(jnp.ones((out.shape[0],), dtype=out.dtype), batch, num_segments=G)
    mean_pool = jax.ops.segment_sum(out, batch, num_segments=G) / jnp.maximum(cnt, 1.0)[:, None]
    max_pool = jax.ops.segment_max(out, batch, num_segments=G)
    pooled = mean_pool + max_pool
    scores = pooled @ cls_W + cls_b
    return scores

if __name__ == "__main__":
    import jax
    _d = setup_inputs()
    print(jax.jit(kernel)(*tuple(_d.values())))

</pallas_src>

<mosaic_0001>
#map = affine_map<(d0, d1) -> (0, 0, 0)>
#map1 = affine_map<(d0, d1) -> (0, 0)>
module attributes {stable_mosaic.version = 14 : i64} {
  func.func @_sc_deg_body(%arg0: i32, %arg1: i32, %arg2: memref<2880x1x112xi32, #tpu.memory_space<hbm>>, %arg3: memref<112x128xf32, #tpu.memory_space<hbm>>, %arg4: memref<640x128xf32, #tpu.memory_space<hbm>>, %arg5: memref<2x10240x128xf32, #tpu.memory_space<hbm>>, %arg6: memref<90x1x112xi32, #tpu.memory_space<vmem>>, %arg7: memref<112x128xf32, #tpu.memory_space<vmem>>, %arg8: memref<10240x128xf32, #tpu.memory_space<vmem_shared>>, %arg9: memref<!tpu.dma_semaphore, #tpu.memory_space<semaphore_mem>>) attributes {dimension_semantics = [#tpu.dimension_semantics<core_parallel>, #tpu.dimension_semantics<subcore_parallel>], iteration_bounds = array<i64: 2, 16>, scalar_prefetch = 0 : i64, scratch_operands = 4 : i64, tpu.core_type = #tpu.core_type<sc_vector_subcore>, window_params = [{transform_indices = #map}, {transform_indices = #map1}, {transform_indices = #map1}, {transform_indices = #map}]} {
    %mul3A = arith.constant 16 : i32
    %mul3A_0 = arith.muli %arg0, %mul3A : i32
    %add3A = arith.addi %mul3A_0, %arg1 : i32
    %mul3A_1 = arith.constant 640 : i32
    %mul3A_2 = arith.muli %arg1, %mul3A_1 : i32
    "tpu.region"() ({
      %run_scoped3A = tpu.sem_alloc : memref<!tpu.dma_semaphore, #tpu.memory_space<semaphore_mem>>
      %dma_start3A = arith.constant 0 : i32
      %dma_start3A_15 = tpu.memref_slice %arg8[%mul3A_2, %dma_start3A] : memref<10240x128xf32, #tpu.memory_space<vmem_shared>> -> memref<640x128xf32, #tpu.memory_space<vmem_shared>>
      tpu.enqueue_dma source(%arg4 : memref<640x128xf32, #tpu.memory_space<hbm>>) target(%dma_start3A_15 : memref<640x128xf32, #tpu.memory_space<vmem_shared>>) target_semaphore(%run_scoped3A : memref<!tpu.dma_semaphore, #tpu.memory_space<semaphore_mem>>)
      %dma_wait3A = arith.constant 0 : i32
      %dma_wait3A_16 = tpu.memref_slice %arg8[%mul3A_2, %dma_wait3A] : memref<10240x128xf32, #tpu.memory_space<vmem_shared>> -> memref<640x128xf32, #tpu.memory_space<vmem_shared>>
      tpu.wait_dma2 semaphore(%run_scoped3A : memref<!tpu.dma_semaphore, #tpu.memory_space<semaphore_mem>>) src(%arg4 : memref<640x128xf32, #tpu.memory_space<hbm>>) dst(%dma_wait3A_16 : memref<640x128xf32, #tpu.memory_space<vmem_shared>>)
      tpu.yield
    }) : () -> ()
    %mul3A_3 = arith.constant 90 : i32
    %mul3A_4 = arith.muli %add3A, %mul3A_3 : i32
    "tpu.region"() ({
      %run_scoped3A = tpu.sem_alloc : memref<!tpu.dma_semaphore, #tpu.memory_space<semaphore_mem>>
      %dma_start3A = arith.constant 0 : i32
      %dma_start3A_15 = arith.constant 0 : i32
      %dma_start3A_16 = tpu.memref_slice %arg2[%mul3A_4, %dma_start3A, %dma_start3A_15] : memref<2880x1x112xi32, #tpu.memory_space<hbm>> -> memref<90x1x112xi32, #tpu.memory_space<hbm>>
      %dma_start3A_17 = arith.constant 0 : i32
      %dma_start3A_18 = arith.constant 0 : i32
      %dma_start3A_19 = tpu.memref_slice %arg2[%mul3A_4, %dma_start3A_17, %dma_start3A_18] : memref<2880x1x112xi32, #tpu.memory_space<hbm>> -> memref<90x1x112xi32, #tpu.memory_space<hbm>>
      tpu.enqueue_dma source(%dma_start3A_19 : memref<90x1x112xi32, #tpu.memory_space<hbm>>) target(%arg6 : memref<90x1x112xi32, #tpu.memory_space<vmem>>) target_semaphore(%run_scoped3A : memref<!tpu.dma_semaphore, #tpu.memory_space<semaphore_mem>>)
      %dma_wait3A = arith.constant 0 : i32
      %dma_wait3A_20 = arith.constant 0 : i32
      %dma_wait3A_21 = tpu.memref_slice %arg2[%mul3A_4, %dma_wait3A, %dma_wait3A_20] : memref<2880x1x112xi32, #tpu.memory_space<hbm>> -> memref<90x1x112xi32, #tpu.memory_space<hbm>>
      %dma_wait3A_22 = arith.constant 0 : i32
      %dma_wait3A_23 = arith.constant 0 : i32
      %dma_wait3A_24 = tpu.memref_slice %arg2[%mul3A_4, %dma_wait3A_22, %dma_wait3A_23] : memref<2880x1x112xi32, #tpu.memory_space<hbm>> -> memref<90x1x112xi32, #tpu.memory_space<hbm>>
      tpu.wait_dma2 semaphore(%run_scoped3A : memref<!tpu.dma_semaphore, #tpu.memory_space<semaphore_mem>>) src(%dma_wait3A_24 : memref<90x1x112xi32, #tpu.memory_space<hbm>>) dst(%arg6 : memref<90x1x112xi32, #tpu.memory_space<vmem>>)
      tpu.yield
    }) : () -> ()
    "tpu.region"() ({
      %run_scoped3A = tpu.sem_alloc : memref<!tpu.dma_semaphore, #tpu.memory_space<semaphore_mem>>
      tpu.enqueue_dma source(%arg3 : memref<112x128xf32, #tpu.memory_space<hbm>>) target(%arg7 : memref<112x128xf32, #tpu.memory_space<vmem>>) target_semaphore(%run_scoped3A : memref<!tpu.dma_semaphore, #tpu.memory_space<semaphore_mem>>)
      tpu.wait_dma2 semaphore(%run_scoped3A : memref<!tpu.dma_semaphore, #tpu.memory_space<semaphore_mem>>) src(%arg3 : memref<112x128xf32, #tpu.memory_space<hbm>>) dst(%arg7 : memref<112x128xf32, #tpu.memory_space<vmem>>)
      tpu.yield
    }) : () -> ()
    %barrier3A = arith.constant 0 : index
    tpu.barrier barrier_id(%barrier3A)
    %scan3A = arith.constant 0 : i32
    %scan3A_5 = arith.constant 0 : i32
    %scan3A_6 = arith.constant 90 : i32
    %scan3A_7 = arith.addi %scan3A_5, %scan3A_6 : i32
    %scan3A_8 = arith.constant 1 : i32
    scf.for %scan3A_15 = %scan3A_5 to %scan3A_7 step %scan3A_8  : i32 {
      %dma_start3A = arith.constant 0 : i32
      %dma_start3A_16 = arith.constant 0 : i32
      %dma_start3A_17 = tpu.memref_slice %arg6[%scan3A_15, %dma_start3A, %dma_start3A_16] : memref<90x1x112xi32, #tpu.memory_space<vmem>> -> memref<1x1x112xi32, #tpu.memory_space<vmem>>
      %dma_start3A_18 = tpu.memref_squeeze %dma_start3A_17 : memref<1x1x112xi32, #tpu.memory_space<vmem>> -> memref<112xi32, #tpu.memory_space<vmem>>
      %dma_start3A_19 = arith.constant 0 : i32
      %dma_start3A_20 = arith.constant 0 : i32
      %dma_start3A_21 = tpu.memref_slice %arg8[%dma_start3A_19, %dma_start3A_20] : memref<10240x128xf32, #tpu.memory_space<vmem_shared>> -> memref<10240x128xf32, #tpu.memory_space<vmem_shared>>
      tpu.enqueue_indirect_dma source(%arg7 : memref<112x128xf32, #tpu.memory_space<vmem>>) target(%dma_start3A_21 : memref<10240x128xf32, #tpu.memory_space<vmem_shared>>) offsets(%dma_start3A_18 : memref<112xi32, #tpu.memory_space<vmem>>) semaphore(%arg9 : memref<!tpu.dma_semaphore, #tpu.memory_space<semaphore_mem>>) {add = true}
      %ge3A = arith.constant 6 : i32
      %ge3A_22 = arith.cmpi sge, %scan3A_15, %ge3A : i32
      %convert_element_type3A = arith.extui %ge3A_22 : i1 to i32
      %cond3A = arith.constant 0 : i32
      %cond3A_23 = arith.cmpi ne, %convert_element_type3A, %cond3A : i32
      scf.if %cond3A_23 {
        tpu.wait_dma2 semaphore(%arg9 : memref<!tpu.dma_semaphore, #tpu.memory_space<semaphore_mem>>) src(%arg3 : memref<112x128xf32, #tpu.memory_space<hbm>>) dst(%arg7 : memref<112x128xf32, #tpu.memory_space<vmem>>)
      } else {
      }
    }
    %scan3A_9 = arith.constant 90 : i32
    tpu.wait_dma2 semaphore(%arg9 : memref<!tpu.dma_semaphore, #tpu.memory_space<semaphore_mem>>) src(%arg3 : memref<112x128xf32, #tpu.memory_space<hbm>>) dst(%arg7 : memref<112x128xf32, #tpu.memory_space<vmem>>)
    tpu.wait_dma2 semaphore(%arg9 : memref<!tpu.dma_semaphore, #tpu.memory_space<semaphore_mem>>) src(%arg3 : memref<112x128xf32, #tpu.memory_space<hbm>>) dst(%arg7 : memref<112x128xf32, #tpu.memory_space<vmem>>)
    tpu.wait_dma2 semaphore(%arg9 : memref<!tpu.dma_semaphore, #tpu.memory_space<semaphore_mem>>) src(%arg3 : memref<112x128xf32, #tpu.memory_space<hbm>>) dst(%arg7 : memref<112x128xf32, #tpu.memory_space<vmem>>)
    tpu.wait_dma2 semaphore(%arg9 : memref<!tpu.dma_semaphore, #tpu.memory_space<semaphore_mem>>) src(%arg3 : memref<112x128xf32, #tpu.memory_space<hbm>>) dst(%arg7 : memref<112x128xf32, #tpu.memory_space<vmem>>)
    tpu.wait_dma2 semaphore(%arg9 : memref<!tpu.dma_semaphore, #tpu.memory_space<semaphore_mem>>) src(%arg3 : memref<112x128xf32, #tpu.memory_space<hbm>>) dst(%arg7 : memref<112x128xf32, #tpu.memory_space<vmem>>)
    tpu.wait_dma2 semaphore(%arg9 : memref<!tpu.dma_semaphore, #tpu.memory_space<semaphore_mem>>) src(%arg3 : memref<112x128xf32, #tpu.memory_space<hbm>>) dst(%arg7 : memref<112x128xf32, #tpu.memory_space<vmem>>)
    %barrier3A_10 = arith.constant 0 : index
    tpu.barrier barrier_id(%barrier3A_10)
    %mul3A_11 = arith.constant 640 : i32
    %mul3A_12 = arith.muli %arg1, %mul3A_11 : i32
    %mul3A_13 = arith.constant 640 : i32
    %mul3A_14 = arith.muli %arg1, %mul3A_13 : i32
    "tpu.region"() ({
      %run_scoped3A = tpu.sem_alloc : memref<!tpu.dma_semaphore, #tpu.memory_space<semaphore_mem>>
      %dma_start3A = arith.constant 0 : i32
      %dma_start3A_15 = tpu.memref_slice %arg5[%arg0, %mul3A_14, %dma_start3A] : memref<2x10240x128xf32, #tpu.memory_space<hbm>> -> memref<1x640x128xf32, #tpu.memory_space<hbm>>
      %dma_start3A_16 = tpu.memref_squeeze %dma_start3A_15 : memref<1x640x128xf32, #tpu.memory_space<hbm>> -> memref<640x128xf32, #tpu.memory_space<hbm>>
      %dma_start3A_17 = arith.constant 0 : i32
      %dma_start3A_18 = tpu.memref_slice %arg8[%mul3A_12, %dma_start3A_17] : memref<10240x128xf32, #tpu.memory_space<vmem_shared>> -> memref<640x128xf32, #tpu.memory_space<vmem_shared>>
      tpu.enqueue_dma source(%dma_start3A_18 : memref<640x128xf32, #tpu.memory_space<vmem_shared>>) target(%dma_start3A_16 : memref<640x128xf32, #tpu.memory_space<hbm>>) target_semaphore(%run_scoped3A : memref<!tpu.dma_semaphore, #tpu.memory_space<semaphore_mem>>)
      %dma_wait3A = arith.constant 0 : i32
      %dma_wait3A_19 = tpu.memref_slice %arg5[%arg0, %mul3A_14, %dma_wait3A] : memref<2x10240x128xf32, #tpu.memory_space<hbm>> -> memref<1x640x128xf32, #tpu.memory_space<hbm>>
      %dma_wait3A_20 = tpu.memref_squeeze %dma_wait3A_19 : memref<1x640x128xf32, #tpu.memory_space<hbm>> -> memref<640x128xf32, #tpu.memory_space<hbm>>
      %dma_wait3A_21 = arith.constant 0 : i32
      %dma_wait3A_22 = tpu.memref_slice %arg8[%mul3A_12, %dma_wait3A_21] : memref<10240x128xf32, #tpu.memory_space<vmem_shared>> -> memref<640x128xf32, #tpu.memory_space<vmem_shared>>
      tpu.wait_dma2 semaphore(%run_scoped3A : memref<!tpu.dma_semaphore, #tpu.memory_space<semaphore_mem>>) src(%dma_wait3A_22 : memref<640x128xf32, #tpu.memory_space<vmem_shared>>) dst(%dma_wait3A_20 : memref<640x128xf32, #tpu.memory_space<hbm>>)
      tpu.yield
    }) : () -> ()
    return
  }
}

#map = affine_map<(d0, d1) -> (0, 0)>
#map1 = affine_map<(d0, d1) -> (0, 0, 0)>
module attributes {stable_mosaic.version = 14 : i64} {
  func.func @_sc_apply_body(%arg0: i32, %arg1: i32, %arg2: memref<10000x128xf32, #tpu.memory_space<hbm>>, %arg3: memref<2880x1x112xi32, #tpu.memory_space<hbm>>, %arg4: memref<2880x1x112xi32, #tpu.memory_space<hbm>>, %arg5: memref<632x128xf32, #tpu.memory_space<hbm>>, %arg6: memref<2x10112x128xf32, #tpu.memory_space<hbm>>, %arg7: memref<4x1x112xi32, #tpu.memory_space<vmem>>, %arg8: memref<4x1x112xi32, #tpu.memory_space<vmem>>, %arg9: memref<3x112x128xf32, #tpu.memory_space<vmem>>, %arg10: memref<10112x128xf32, #tpu.memory_space<vmem_shared>>, %arg11: memref<!tpu.dma_semaphore, #tpu.memory_space<semaphore_mem>>, %arg12: memref<!tpu.dma_semaphore, #tpu.memory_space<semaphore_mem>>, %arg13: memref<!tpu.dma_semaphore, #tpu.memory_space<semaphore_mem>>) attributes {dimension_semantics = [#tpu.dimension_semantics<core_parallel>, #tpu.dimension_semantics<subcore_parallel>], iteration_bounds = array<i64: 2, 16>, scalar_prefetch = 0 : i64, scratch_operands = 7 : i64, tpu.core_type = #tpu.core_type<sc_vector_subcore>, window_params = [{transform_indices = #map}, {transform_indices = #map1}, {transform_indices = #map1}, {transform_indices = #map}, {transform_indices = #map1}]} {
    %mul3A = arith.constant 16 : i32
    %mul3A_0 = arith.muli %arg0, %mul3A : i32
    %add3A = arith.addi %mul3A_0, %arg1 : i32
    %mul3A_1 = arith.constant 90 : i32
    %mul3A_2 = arith.muli %add3A, %mul3A_1 : i32
    %mul3A_3 = arith.constant 632 : i32
    %mul3A_4 = arith.muli %arg1, %mul3A_3 : i32
    "tpu.region"() ({
      %run_scoped3A = tpu.sem_alloc : memref<!tpu.dma_semaphore, #tpu.memory_space<semaphore_mem>>
      %dma_start3A_246 = arith.constant 0 : i32
      %dma_start3A_247 = tpu.memref_slice %arg10[%mul3A_4, %dma_start3A_246] : memref<10112x128xf32, #tpu.memory_space<vmem_shared>> -> memref<632x128xf32, #tpu.memory_space<vmem_shared>>
      tpu.enqueue_dma source(%arg5 : memref<632x128xf32, #tpu.memory_space<hbm>>) target(%dma_start3A_247 : memref<632x128xf32, #tpu.memory_space<vmem_shared>>) target_semaphore(%run_scoped3A : memref<!tpu.dma_semaphore, #tpu.memory_space<semaphore_mem>>)
      %dma_wait3A_248 = arith.constant 0 : i32
      %dma_wait3A_249 = tpu.memref_slice %arg10[%mul3A_4, %dma_wait3A_248] : memref<10112x128xf32, #tpu.memory_space<vmem_shared>> -> memref<632x128xf32, #tpu.memory_space<vmem_shared>>
      tpu.wait_dma2 semaphore(%run_scoped3A : memref<!tpu.dma_semaphore, #tpu.memory_space<semaphore_mem>>) src(%arg5 : memref<632x128xf32, #tpu.memory_space<hbm>>) dst(%dma_wait3A_249 : memref<632x128xf32, #tpu.memory_space<vmem_shared>>)
      tpu.yield
    }) : () -> ()
    %barrier3A = arith.constant 0 : index
    tpu.barrier barrier_id(%barrier3A)
    %rem3A = arith.constant 0 : i32
    %rem3A_5 = arith.constant 4 : i32
    %rem3A_6 = arith.remsi %rem3A, %rem3A_5 : i32
    %add3A_7 = arith.constant 0 : i32
    %add3A_8 = arith.addi %mul3A_2, %add3A_7 : i32
    %dma_start3A = arith.constant 0 : i32
    %dma_start3A_9 = arith.constant 0 : i32
    %dma_start3A_10 = tpu.memref_slice %arg7[%rem3A_6, %dma_start3A, %dma_start3A_9] : memref<4x1x112xi32, #tpu.memory_space<vmem>> -> memref<1x1x112xi32, #tpu.memory_space<vmem>>
    %dma_start3A_11 = tpu.memref_squeeze %dma_start3A_10 : memref<1x1x112xi32, #tpu.memory_space<vmem>> -> memref<1x112xi32, #tpu.memory_space<vmem>>
    %dma_start3A_12 = arith.constant 0 : i32
    %dma_start3A_13 = arith.constant 0 : i32
    %dma_start3A_14 = tpu.memref_slice %arg3[%add3A_8, %dma_start3A_12, %dma_start3A_13] : memref<2880x1x112xi32, #tpu.memory_space<hbm>> -> memref<1x1x112xi32, #tpu.memory_space<hbm>>
    %dma_start3A_15 = tpu.memref_squeeze %dma_start3A_14 : memref<1x1x112xi32, #tpu.memory_space<hbm>> -> memref<1x112xi32, #tpu.memory_space<hbm>>
    %dma_start3A_16 = arith.constant 0 : i32
    %dma_start3A_17 = arith.constant 0 : i32
    %dma_start3A_18 = tpu.memref_slice %arg7[%rem3A_6, %dma_start3A_16, %dma_start3A_17] : memref<4x1x112xi32, #tpu.memory_space<vmem>> -> memref<1x1x112xi32, #tpu.memory_space<vmem>>
    %dma_start3A_19 = tpu.memref_squeeze %dma_start3A_18 : memref<1x1x112xi32, #tpu.memory_space<vmem>> -> memref<1x112xi32, #tpu.memory_space<vmem>>
    %dma_start3A_20 = arith.constant 0 : i32
    %dma_start3A_21 = arith.constant 0 : i32
    %dma_start3A_22 = tpu.memref_slice %arg3[%add3A_8, %dma_start3A_20, %dma_start3A_21] : memref<2880x1x112xi32, #tpu.memory_space<hbm>> -> memref<1x1x112xi32, #tpu.memory_space<hbm>>
    %dma_start3A_23 = tpu.memref_squeeze %dma_start3A_22 : memref<1x1x112xi32, #tpu.memory_space<hbm>> -> memref<1x112xi32, #tpu.memory_space<hbm>>
    tpu.enqueue_dma source(%dma_start3A_23 : memref<1x112xi32, #tpu.memory_space<hbm>>) target(%dma_start3A_19 : memref<1x112xi32, #tpu.memory_space<vmem>>) target_semaphore(%arg13 : memref<!tpu.dma_semaphore, #tpu.memory_space<semaphore_mem>>)
    %add3A_24 = arith.constant 0 : i32
    %add3A_25 = arith.addi %mul3A_2, %add3A_24 : i32
    %dma_start3A_26 = arith.constant 0 : i32
    %dma_start3A_27 = arith.constant 0 : i32
    %dma_start3A_28 = tpu.memref_slice %arg8[%rem3A_6, %dma_start3A_26, %dma_start3A_27] : memref<4x1x112xi32, #tpu.memory_space<vmem>> -> memref<1x1x112xi32, #tpu.memory_space<vmem>>
    %dma_start3A_29 = tpu.memref_squeeze %dma_start3A_28 : memref<1x1x112xi32, #tpu.memory_space<vmem>> -> memref<1x112xi32, #tpu.memory_space<vmem>>
    %dma_start3A_30 = arith.constant 0 : i32
    %dma_start3A_31 = arith.constant 0 : i32
    %dma_start3A_32 = tpu.memref_slice %arg4[%add3A_25, %dma_start3A_30, %dma_start3A_31] : memref<2880x1x112xi32, #tpu.memory_space<hbm>> -> memref<1x1x112xi32, #tpu.memory_space<hbm>>
    %dma_start3A_33 = tpu.memref_squeeze %dma_start3A_32 : memref<1x1x112xi32, #tpu.memory_space<hbm>> -> memref<1x112xi32, #tpu.memory_space<hbm>>
    %dma_start3A_34 = arith.constant 0 : i32
    %dma_start3A_35 = arith.constant 0 : i32
    %dma_start3A_36 = tpu.memref_slice %arg8[%rem3A_6, %dma_start3A_34, %dma_start3A_35] : memref<4x1x112xi32, #tpu.memory_space<vmem>> -> memref<1x1x112xi32, #tpu.memory_space<vmem>>
    %dma_start3A_37 = tpu.memref_squeeze %dma_start3A_36 : memref<1x1x112xi32, #tpu.memory_space<vmem>> -> memref<1x112xi32, #tpu.memory_space<vmem>>
    %dma_start3A_38 = arith.constant 0 : i32
    %dma_start3A_39 = arith.constant 0 : i32
    %dma_start3A_40 = tpu.memref_slice %arg4[%add3A_25, %dma_start3A_38, %dma_start3A_39] : memref<2880x1x112xi32, #tpu.memory_space<hbm>> -> memref<1x1x112xi32, #tpu.memory_space<hbm>>
    %dma_start3A_41 = tpu.memref_squeeze %dma_start3A_40 : memref<1x1x112xi32, #tpu.memory_space<hbm>> -> memref<1x112xi32, #tpu.memory_space<hbm>>
    tpu.enqueue_dma source(%dma_start3A_41 : memref<1x112xi32, #tpu.memory_space<hbm>>) target(%dma_start3A_37 : memref<1x112xi32, #tpu.memory_space<vmem>>) target_semaphore(%arg13 : memref<!tpu.dma_semaphore, #tpu.memory_space<semaphore_mem>>)
    %rem3A_42 = arith.constant 1 : i32
    %rem3A_43 = arith.constant 4 : i32
    %rem3A_44 = arith.remsi %rem3A_42, %rem3A_43 : i32
    %add3A_45 = arith.constant 1 : i32
    %add3A_46 = arith.addi %mul3A_2, %add3A_45 : i32
    %dma_start3A_47 = arith.constant 0 : i32
    %dma_start3A_48 = arith.constant 0 : i32
    %dma_start3A_49 = tpu.memref_slice %arg7[%rem3A_44, %dma_start3A_47, %dma_start3A_48] : memref<4x1x112xi32, #tpu.memory_space<vmem>> -> memref<1x1x112xi32, #tpu.memory_space<vmem>>
    %dma_start3A_50 = tpu.memref_squeeze %dma_start3A_49 : memref<1x1x112xi32, #tpu.memory_space<vmem>> -> memref<1x112xi32, #tpu.memory_space<vmem>>
    %dma_start3A_51 = arith.constant 0 : i32
    %dma_start3A_52 = arith.constant 0 : i32
    %dma_start3A_53 = tpu.memref_slice %arg3[%add3A_46, %dma_start3A_51, %dma_start3A_52] : memref<2880x1x112xi32, #tpu.memory_space<hbm>> -> memref<1x1x112xi32, #tpu.memory_space<hbm>>
    %dma_start3A_54 = tpu.memref_squeeze %dma_start3A_53 : memref<1x1x112xi32, #tpu.memory_space<hbm>> -> memref<1x112xi32, #tpu.memory_space<hbm>>
    %dma_start3A_55 = arith.constant 0 : i32
    %dma_start3A_56 = arith.constant 0 : i32
    %dma_start3A_57 = tpu.memref_slice %arg7[%rem3A_44, %dma_start3A_55, %dma_start3A_56] : memref<4x1x112xi32, #tpu.memory_space<vmem>> -> memref<1x1x112xi32, #tpu.memory_space<vmem>>
    %dma_start3A_58 = tpu.memref_squeeze %dma_start3A_57 : memref<1x1x112xi32, #tpu.memory_space<vmem>> -> memref<1x112xi32, #tpu.memory_space<vmem>>
    %dma_start3A_59 = arith.constant 0 : i32
    %dma_start3A_60 = arith.constant 0 : i32
    %dma_start3A_61 = tpu.memref_slice %arg3[%add3A_46, %dma_start3A_59, %dma_start3A_60] : memref<2880x1x112xi32, #tpu.memory_space<hbm>> -> memref<1x1x112xi32, #tpu.memory_space<hbm>>
    %dma_start3A_62 = tpu.memref_squeeze %dma_start3A_61 : memref<1x1x112xi32, #tpu.memory_space<hbm>> -> memref<1x112xi32, #tpu.memory_space<hbm>>
    tpu.enqueue_dma source(%dma_start3A_62 : memref<1x112xi32, #tpu.memory_space<hbm>>) target(%dma_start3A_58 : memref<1x112xi32, #tpu.memory_space<vmem>>) target_semaphore(%arg13 : memref<!tpu.dma_semaphore, #tpu.memory_space<semaphore_mem>>)
    %add3A_63 = arith.constant 1 : i32
    %add3A_64 = arith.addi %mul3A_2, %add3A_63 : i32
    %dma_start3A_65 = arith.constant 0 : i32
    %dma_start3A_66 = arith.constant 0 : i32
    %dma_start3A_67 = tpu.memref_slice %arg8[%rem3A_44, %dma_start3A_65, %dma_start3A_66] : memref<4x1x112xi32, #tpu.memory_space<vmem>> -> memref<1x1x112xi32, #tpu.memory_space<vmem>>
    %dma_start3A_68 = tpu.memref_squeeze %dma_start3A_67 : memref<1x1x112xi32, #tpu.memory_space<vmem>> -> memref<1x112xi32, #tpu.memory_space<vmem>>
    %dma_start3A_69 = arith.constant 0 : i32
    %dma_start3A_70 = arith.constant 0 : i32
    %dma_start3A_71 = tpu.memref_slice %arg4[%add3A_64, %dma_start3A_69, %dma_start3A_70] : memref<2880x1x112xi32, #tpu.memory_space<hbm>> -> memref<1x1x112xi32, #tpu.memory_space<hbm>>
    %dma_start3A_72 = tpu.memref_squeeze %dma_start3A_71 : memref<1x1x112xi32, #tpu.memory_space<hbm>> -> memref<1x112xi32, #tpu.memory_space<hbm>>
    %dma_start3A_73 = arith.constant 0 : i32
    %dma_start3A_74 = arith.constant 0 : i32
    %dma_start3A_75 = tpu.memref_slice %arg8[%rem3A_44, %dma_start3A_73, %dma_start3A_74] : memref<4x1x112xi32, #tpu.memory_space<vmem>> -> memref<1x1x112xi32, #tpu.memory_space<vmem>>
    %dma_start3A_76 = tpu.memref_squeeze %dma_start3A_75 : memref<1x1x112xi32, #tpu.memory_space<vmem>> -> memref<1x112xi32, #tpu.memory_space<vmem>>
    %dma_start3A_77 = arith.constant 0 : i32
    %dma_start3A_78 = arith.constant 0 : i32
    %dma_start3A_79 = tpu.memref_slice %arg4[%add3A_64, %dma_start3A_77, %dma_start3A_78] : memref<2880x1x112xi32, #tpu.memory_space<hbm>> -> memref<1x1x112xi32, #tpu.memory_space<hbm>>
    %dma_start3A_80 = tpu.memref_squeeze %dma_start3A_79 : memref<1x1x112xi32, #tpu.memory_space<hbm>> -> memref<1x112xi32, #tpu.memory_space<hbm>>
    tpu.enqueue_dma source(%dma_start3A_80 : memref<1x112xi32, #tpu.memory_space<hbm>>) target(%dma_start3A_76 : memref<1x112xi32, #tpu.memory_space<vmem>>) target_semaphore(%arg13 : memref<!tpu.dma_semaphore, #tpu.memory_space<semaphore_mem>>)
    %rem3A_81 = arith.constant 2 : i32
    %rem3A_82 = arith.constant 4 : i32
    %rem3A_83 = arith.remsi %rem3A_81, %rem3A_82 : i32
    %add3A_84 = arith.constant 2 : i32
    %add3A_85 = arith.addi %mul3A_2, %add3A_84 : i32
    %dma_start3A_86 = arith.constant 0 : i32
    %dma_start3A_87 = arith.constant 0 : i32
    %dma_start3A_88 = tpu.memref_slice %arg7[%rem3A_83, %dma_start3A_86, %dma_start3A_87] : memref<4x1x112xi32, #tpu.memory_space<vmem>> -> memref<1x1x112xi32, #tpu.memory_space<vmem>>
    %dma_start3A_89 = tpu.memref_squeeze %dma_start3A_88 : memref<1x1x112xi32, #tpu.memory_space<vmem>> -> memref<1x112xi32, #tpu.memory_space<vmem>>
    %dma_start3A_90 = arith.constant 0 : i32
    %dma_start3A_91 = arith.constant 0 : i32
    %dma_start3A_92 = tpu.memref_slice %arg3[%add3A_85, %dma_start3A_90, %dma_start3A_91] : memref<2880x1x112xi32, #tpu.memory_space<hbm>> -> memref<1x1x112xi32, #tpu.memory_space<hbm>>
    %dma_start3A_93 = tpu.memref_squeeze %dma_start3A_92 : memref<1x1x112xi32, #tpu.memory_space<hbm>> -> memref<1x112xi32, #tpu.memory_space<hbm>>
    %dma_start3A_94 = arith.constant 0 : i32
    %dma_start3A_95 = arith.constant 0 : i32
    %dma_start3A_96 = tpu.memref_slice %arg7[%rem3A_83, %dma_start3A_94, %dma_start3A_95] : memref<4x1x112xi32, #tpu.memory_space<vmem>> -> memref<1x1x112xi32, #tpu.memory_space<vmem>>
    %dma_start3A_97 = tpu.memref_squeeze %dma_start3A_96 : memref<1x1x112xi32, #tpu.memory_space<vmem>> -> memref<1x112xi32, #tpu.memory_space<vmem>>
    %dma_start3A_98 = arith.constant 0 : i32
    %dma_start3A_99 = arith.constant 0 : i32
    %dma_start3A_100 = tpu.memref_slice %arg3[%add3A_85, %dma_start3A_98, %dma_start3A_99] : memref<2880x1x112xi32, #tpu.memory_space<hbm>> -> memref<1x1x112xi32, #tpu.memory_space<hbm>>
    %dma_start3A_101 = tpu.memref_squeeze %dma_start3A_100 : memref<1x1x112xi32, #tpu.memory_space<hbm>> -> memref<1x112xi32, #tpu.memory_space<hbm>>
    tpu.enqueue_dma source(%dma_start3A_101 : memref<1x112xi32, #tpu.memory_space<hbm>>) target(%dma_start3A_97 : memref<1x112xi32, #tpu.memory_space<vmem>>) target_semaphore(%arg13 : memref<!tpu.dma_semaphore, #tpu.memory_space<semaphore_mem>>)
    %add3A_102 = arith.constant 2 : i32
    %add3A_103 = arith.addi %mul3A_2, %add3A_102 : i32
    %dma_start3A_104 = arith.constant 0 : i32
    %dma_start3A_105 = arith.constant 0 : i32
    %dma_start3A_106 = tpu.memref_slice %arg8[%rem3A_83, %dma_start3A_104, %dma_start3A_105] : memref<4x1x112xi32, #tpu.memory_space<vmem>> -> memref<1x1x112xi32, #tpu.memory_space<vmem>>
    %dma_start3A_107 = tpu.memref_squeeze %dma_start3A_106 : memref<1x1x112xi32, #tpu.memory_space<vmem>> -> memref<1x112xi32, #tpu.memory_space<vmem>>
    %dma_start3A_108 = arith.constant 0 : i32
    %dma_start3A_109 = arith.constant 0 : i32
    %dma_start3A_110 = tpu.memref_slice %arg4[%add3A_103, %dma_start3A_108, %dma_start3A_109] : memref<2880x1x112xi32, #tpu.memory_space<hbm>> -> memref<1x1x112xi32, #tpu.memory_space<hbm>>
    %dma_start3A_111 = tpu.memref_squeeze %dma_start3A_110 : memref<1x1x112xi32, #tpu.memory_space<hbm>> -> memref<1x112xi32, #tpu.memory_space<hbm>>
    %dma_start3A_112 = arith.constant 0 : i32
    %dma_start3A_113 = arith.constant 0 : i32
    %dma_start3A_114 = tpu.memref_slice %arg8[%rem3A_83, %dma_start3A_112, %dma_start3A_113] : memref<4x1x112xi32, #tpu.memory_space<vmem>> -> memref<1x1x112xi32, #tpu.memory_space<vmem>>
    %dma_start3A_115 = tpu.memref_squeeze %dma_start3A_114 : memref<1x1x112xi32, #tpu.memory_space<vmem>> -> memref<1x112xi32, #tpu.memory_space<vmem>>
    %dma_start3A_116 = arith.constant 0 : i32
    %dma_start3A_117 = arith.constant 0 : i32
    %dma_start3A_118 = tpu.memref_slice %arg4[%add3A_103, %dma_start3A_116, %dma_start3A_117] : memref<2880x1x112xi32, #tpu.memory_space<hbm>> -> memref<1x1x112xi32, #tpu.memory_space<hbm>>
    %dma_start3A_119 = tpu.memref_squeeze %dma_start3A_118 : memref<1x1x112xi32, #tpu.memory_space<hbm>> -> memref<1x112xi32, #tpu.memory_space<hbm>>
    tpu.enqueue_dma source(%dma_start3A_119 : memref<1x112xi32, #tpu.memory_space<hbm>>) target(%dma_start3A_115 : memref<1x112xi32, #tpu.memory_space<vmem>>) target_semaphore(%arg13 : memref<!tpu.dma_semaphore, #tpu.memory_space<semaphore_mem>>)
    %dma_wait3A = arith.constant 0 : i32
    %dma_wait3A_120 = arith.constant 0 : i32
    %dma_wait3A_121 = arith.constant 0 : i32
    %dma_wait3A_122 = tpu.memref_slice %arg7[%dma_wait3A, %dma_wait3A_120, %dma_wait3A_121] : memref<4x1x112xi32, #tpu.memory_space<vmem>> -> memref<1x1x112xi32, #tpu.memory_space<vmem>>
    %dma_wait3A_123 = tpu.memref_squeeze %dma_wait3A_122 : memref<1x1x112xi32, #tpu.memory_space<vmem>> -> memref<1x112xi32, #tpu.memory_space<vmem>>
    %dma_wait3A_124 = arith.constant 0 : i32
    %dma_wait3A_125 = arith.constant 0 : i32
    %dma_wait3A_126 = tpu.memref_slice %arg3[%mul3A_2, %dma_wait3A_124, %dma_wait3A_125] : memref<2880x1x112xi32, #tpu.memory_space<hbm>> -> memref<1x1x112xi32, #tpu.memory_space<hbm>>
    %dma_wait3A_127 = tpu.memref_squeeze %dma_wait3A_126 : memref<1x1x112xi32, #tpu.memory_space<hbm>> -> memref<1x112xi32, #tpu.memory_space<hbm>>
    %dma_wait3A_128 = arith.constant 0 : i32
    %dma_wait3A_129 = arith.constant 0 : i32
    %dma_wait3A_130 = tpu.memref_slice %arg7[%dma_wait3A, %dma_wait3A_128, %dma_wait3A_129] : memref<4x1x112xi32, #tpu.memory_space<vmem>> -> memref<1x1x112xi32, #tpu.memory_space<vmem>>
    %dma_wait3A_131 = tpu.memref_squeeze %dma_wait3A_130 : memref<1x1x112xi32, #tpu.memory_space<vmem>> -> memref<1x112xi32, #tpu.memory_space<vmem>>
    %dma_wait3A_132 = arith.constant 0 : i32
    %dma_wait3A_133 = arith.constant 0 : i32
    %dma_wait3A_134 = tpu.memref_slice %arg3[%mul3A_2, %dma_wait3A_132, %dma_wait3A_133] : memref<2880x1x112xi32, #tpu.memory_space<hbm>> -> memref<1x1x112xi32, #tpu.memory_space<hbm>>
    %dma_wait3A_135 = tpu.memref_squeeze %dma_wait3A_134 : memref<1x1x112xi32, #tpu.memory_space<hbm>> -> memref<1x112xi32, #tpu.memory_space<hbm>>
    tpu.wait_dma2 semaphore(%arg13 : memref<!tpu.dma_semaphore, #tpu.memory_space<semaphore_mem>>) src(%dma_wait3A_135 : memref<1x112xi32, #tpu.memory_space<hbm>>) dst(%dma_wait3A_131 : memref<1x112xi32, #tpu.memory_space<vmem>>)
    %dma_wait3A_136 = arith.constant 0 : i32
    %dma_wait3A_137 = arith.constant 0 : i32
    %dma_wait3A_138 = arith.constant 0 : i32
    %dma_wait3A_139 = tpu.memref_slice %arg8[%dma_wait3A_136, %dma_wait3A_137, %dma_wait3A_138] : memref<4x1x112xi32, #tpu.memory_space<vmem>> -> memref<1x1x112xi32, #tpu.memory_space<vmem>>
    %dma_wait3A_140 = tpu.memref_squeeze %dma_wait3A_139 : memref<1x1x112xi32, #tpu.memory_space<vmem>> -> memref<1x112xi32, #tpu.memory_space<vmem>>
    %dma_wait3A_141 = arith.constant 0 : i32
    %dma_wait3A_142 = arith.constant 0 : i32
    %dma_wait3A_143 = tpu.memref_slice %arg3[%mul3A_2, %dma_wait3A_141, %dma_wait3A_142] : memref<2880x1x112xi32, #tpu.memory_space<hbm>> -> memref<1x1x112xi32, #tpu.memory_space<hbm>>
    %dma_wait3A_144 = tpu.memref_squeeze %dma_wait3A_143 : memref<1x1x112xi32, #tpu.memory_space<hbm>> -> memref<1x112xi32, #tpu.memory_space<hbm>>
    %dma_wait3A_145 = arith.constant 0 : i32
    %dma_wait3A_146 = arith.constant 0 : i32
    %dma_wait3A_147 = tpu.memref_slice %arg8[%dma_wait3A_136, %dma_wait3A_145, %dma_wait3A_146] : memref<4x1x112xi32, #tpu.memory_space<vmem>> -> memref<1x1x112xi32, #tpu.memory_space<vmem>>
    %dma_wait3A_148 = tpu.memref_squeeze %dma_wait3A_147 : memref<1x1x112xi32, #tpu.memory_space<vmem>> -> memref<1x112xi32, #tpu.memory_space<vmem>>
    %dma_wait3A_149 = arith.constant 0 : i32
    %dma_wait3A_150 = arith.constant 0 : i32
    %dma_wait3A_151 = tpu.memref_slice %arg3[%mul3A_2, %dma_wait3A_149, %dma_wait3A_150] : memref<2880x1x112xi32, #tpu.memory_space<hbm>> -> memref<1x1x112xi32, #tpu.memory_space<hbm>>
    %dma_wait3A_152 = tpu.memref_squeeze %dma_wait3A_151 : memref<1x1x112xi32, #tpu.memory_space<hbm>> -> memref<1x112xi32, #tpu.memory_space<hbm>>
    tpu.wait_dma2 semaphore(%arg13 : memref<!tpu.dma_semaphore, #tpu.memory_space<semaphore_mem>>) src(%dma_wait3A_152 : memref<1x112xi32, #tpu.memory_space<hbm>>) dst(%dma_wait3A_148 : memref<1x112xi32, #tpu.memory_space<vmem>>)
    %rem3A_153 = arith.constant 0 : i32
    %rem3A_154 = arith.constant 4 : i32
    %rem3A_155 = arith.remsi %rem3A_153, %rem3A_154 : i32
    %rem3A_156 = arith.constant 0 : i32
    %rem3A_157 = arith.constant 3 : i32
    %rem3A_158 = arith.remsi %rem3A_156, %rem3A_157 : i32
    %dma_start3A_159 = arith.constant 0 : i32
    %dma_start3A_160 = arith.constant 0 : i32
    %dma_start3A_161 = arith.constant 0 : i32
    %dma_start3A_162 = tpu.memref_slice %arg9[%rem3A_158, %dma_start3A_160, %dma_start3A_161] : memref<3x112x128xf32, #tpu.memory_space<vmem>> -> memref<1x112x128xf32, #tpu.memory_space<vmem>>
    %dma_start3A_163 = tpu.memref_squeeze %dma_start3A_162 : memref<1x112x128xf32, #tpu.memory_space<vmem>> -> memref<112x128xf32, #tpu.memory_space<vmem>>
    %dma_start3A_164 = arith.constant 0 : i32
    %dma_start3A_165 = tpu.memref_slice %arg7[%rem3A_155, %dma_start3A_159, %dma_start3A_164] : memref<4x1x112xi32, #tpu.memory_space<vmem>> -> memref<1x1x112xi32, #tpu.memory_space<vmem>>
    %dma_start3A_166 = tpu.memref_squeeze %dma_start3A_165 : memref<1x1x112xi32, #tpu.memory_space<vmem>> -> memref<112xi32, #tpu.memory_space<vmem>>
    %dma_start3A_167 = arith.constant 0 : i32
    %dma_start3A_168 = arith.constant 0 : i32
    %dma_start3A_169 = tpu.memref_slice %arg2[%dma_start3A_167, %dma_start3A_168] : memref<10000x128xf32, #tpu.memory_space<hbm>> -> memref<10000x128xf32, #tpu.memory_space<hbm>>
    tpu.enqueue_indirect_dma source(%dma_start3A_169 : memref<10000x128xf32, #tpu.memory_space<hbm>>) target(%dma_start3A_163 : memref<112x128xf32, #tpu.memory_space<vmem>>) offsets(%dma_start3A_166 : memref<112xi32, #tpu.memory_space<vmem>>) semaphore(%arg11 : memref<!tpu.dma_semaphore, #tpu.memory_space<semaphore_mem>>)
    %dma_wait3A_170 = arith.constant 0 : i32
    %dma_wait3A_171 = arith.constant 0 : i32
    %dma_wait3A_172 = arith.constant 0 : i32
    %dma_wait3A_173 = tpu.memref_slice %arg7[%dma_wait3A_170, %dma_wait3A_171, %dma_wait3A_172] : memref<4x1x112xi32, #tpu.memory_space<vmem>> -> memref<1x1x112xi32, #tpu.memory_space<vmem>>
    %dma_wait3A_174 = tpu.memref_squeeze %dma_wait3A_173 : memref<1x1x112xi32, #tpu.memory_space<vmem>> -> memref<1x112xi32, #tpu.memory_space<vmem>>
    %dma_wait3A_175 = arith.constant 0 : i32
    %dma_wait3A_176 = arith.constant 0 : i32
    %dma_wait3A_177 = tpu.memref_slice %arg3[%mul3A_2, %dma_wait3A_175, %dma_wait3A_176] : memref<2880x1x112xi32, #tpu.memory_space<hbm>> -> memref<1x1x112xi32, #tpu.memory_space<hbm>>
    %dma_wait3A_178 = tpu.memref_squeeze %dma_wait3A_177 : memref<1x1x112xi32, #tpu.memory_space<hbm>> -> memref<1x112xi32, #tpu.memory_space<hbm>>
    %dma_wait3A_179 = arith.constant 0 : i32
    %dma_wait3A_180 = arith.constant 0 : i32
    %dma_wait3A_181 = tpu.memref_slice %arg7[%dma_wait3A_170, %dma_wait3A_179, %dma_wait3A_180] : memref<4x1x112xi32, #tpu.memory_space<vmem>> -> memref<1x1x112xi32, #tpu.memory_space<vmem>>
    %dma_wait3A_182 = tpu.memref_squeeze %dma_wait3A_181 : memref<1x1x112xi32, #tpu.memory_space<vmem>> -> memref<1x112xi32, #tpu.memory_space<vmem>>
    %dma_wait3A_183 = arith.constant 0 : i32
    %dma_wait3A_184 = arith.constant 0 : i32
    %dma_wait3A_185 = tpu.memref_slice %arg3[%mul3A_2, %dma_wait3A_183, %dma_wait3A_184] : memref<2880x1x112xi32, #tpu.memory_space<hbm>> -> memref<1x1x112xi32, #tpu.memory_space<hbm>>
    %dma_wait3A_186 = tpu.memref_squeeze %dma_wait3A_185 : memref<1x1x112xi32, #tpu.memory_space<hbm>> -> memref<1x112xi32, #tpu.memory_space<hbm>>
    tpu.wait_dma2 semaphore(%arg13 : memref<!tpu.dma_semaphore, #tpu.memory_space<semaphore_mem>>) src(%dma_wait3A_186 : memref<1x112xi32, #tpu.memory_space<hbm>>) dst(%dma_wait3A_182 : memref<1x112xi32, #tpu.memory_space<vmem>>)
    %dma_wait3A_187 = arith.constant 0 : i32
    %dma_wait3A_188 = arith.constant 0 : i32
    %dma_wait3A_189 = arith.constant 0 : i32
    %dma_wait3A_190 = tpu.memref_slice %arg8[%dma_wait3A_187, %dma_wait3A_188, %dma_wait3A_189] : memref<4x1x112xi32, #tpu.memory_space<vmem>> -> memref<1x1x112xi32, #tpu.memory_space<vmem>>
    %dma_wait3A_191 = tpu.memref_squeeze %dma_wait3A_190 : memref<1x1x112xi32, #tpu.memory_space<vmem>> -> memref<1x112xi32, #tpu.memory_space<vmem>>
    %dma_wait3A_192 = arith.constant 0 : i32
    %dma_wait3A_193 = arith.constant 0 : i32
    %dma_wait3A_194 = tpu.memref_slice %arg3[%mul3A_2, %dma_wait3A_192, %dma_wait3A_193] : memref<2880x1x112xi32, #tpu.memory_space<hbm>> -> memref<1x1x112xi32, #tpu.memory_space<hbm>>
    %dma_wait3A_195 = tpu.memref_squeeze %dma_wait3A_194 : memref<1x1x112xi32, #tpu.memory_space<hbm>> -> memref<1x112xi32, #tpu.memory_space<hbm>>
    %dma_wait3A_196 = arith.constant 0 : i32
    %dma_wait3A_197 = arith.constant 0 : i32
    %dma_wait3A_198 = tpu.memref_slice %arg8[%dma_wait3A_187, %dma_wait3A_196, %dma_wait3A_197] : memref<4x1x112xi32, #tpu.memory_space<vmem>> -> memref<1x1x112xi32, #tpu.memory_space<vmem>>
    %dma_wait3A_199 = tpu.memref_squeeze %dma_wait3A_198 : memref<1x1x112xi32, #tpu.memory_space<vmem>> -> memref<1x112xi32, #tpu.memory_space<vmem>>
    %dma_wait3A_200 = arith.constant 0 : i32
    %dma_wait3A_201 = arith.constant 0 : i32
    %dma_wait3A_202 = tpu.memref_slice %arg3[%mul3A_2, %dma_wait3A_200, %dma_wait3A_201] : memref<2880x1x112xi32, #tpu.memory_space<hbm>> -> memref<1x1x112xi32, #tpu.memory_space<hbm>>
    %dma_wait3A_203 = tpu.memref_squeeze %dma_wait3A_202 : memref<1x1x112xi32, #tpu.memory_space<hbm>> -> memref<1x112xi32, #tpu.memory_space<hbm>>
    tpu.wait_dma2 semaphore(%arg13 : memref<!tpu.dma_semaphore, #tpu.memory_space<semaphore_mem>>) src(%dma_wait3A_203 : memref<1x112xi32, #tpu.memory_space<hbm>>) dst(%dma_wait3A_199 : memref<1x112xi32, #tpu.memory_space<vmem>>)
    %rem3A_204 = arith.constant 1 : i32
    %rem3A_205 = arith.constant 4 : i32
    %rem3A_206 = arith.remsi %rem3A_204, %rem3A_205 : i32
    %rem3A_207 = arith.constant 1 : i32
    %rem3A_208 = arith.constant 3 : i32
    %rem3A_209 = arith.remsi %rem3A_207, %rem3A_208 : i32
    %dma_start3A_210 = arith.constant 0 : i32
    %dma_start3A_211 = arith.constant 0 : i32
    %dma_start3A_212 = arith.constant 0 : i32
    %dma_start3A_213 = tpu.memref_slice %arg9[%rem3A_209, %dma_start3A_211, %dma_start3A_212] : memref<3x112x128xf32, #tpu.memory_space<vmem>> -> memref<1x112x128xf32, #tpu.memory_space<vmem>>
    %dma_start3A_214 = tpu.memref_squeeze %dma_start3A_213 : memref<1x112x128xf32, #tpu.memory_space<vmem>> -> memref<112x128xf32, #tpu.memory_space<vmem>>
    %dma_start3A_215 = arith.constant 0 : i32
    %dma_start3A_216 = tpu.memref_slice %arg7[%rem3A_206, %dma_start3A_210, %dma_start3A_215] : memref<4x1x112xi32, #tpu.memory_space<vmem>> -> memref<1x1x112xi32, #tpu.memory_space<vmem>>
    %dma_start3A_217 = tpu.memref_squeeze %dma_start3A_216 : memref<1x1x112xi32, #tpu.memory_space<vmem>> -> memref<112xi32, #tpu.memory_space<vmem>>
    %dma_start3A_218 = arith.constant 0 : i32
    %dma_start3A_219 = arith.constant 0 : i32
    %dma_start3A_220 = tpu.memref_slice %arg2[%dma_start3A_218, %dma_start3A_219] : memref<10000x128xf32, #tpu.memory_space<hbm>> -> memref<10000x128xf32, #tpu.memory_space<hbm>>
    tpu.enqueue_indirect_dma source(%dma_start3A_220 : memref<10000x128xf32, #tpu.memory_space<hbm>>) target(%dma_start3A_214 : memref<112x128xf32, #tpu.memory_space<vmem>>) offsets(%dma_start3A_217 : memref<112xi32, #tpu.memory_space<vmem>>) semaphore(%arg11 : memref<!tpu.dma_semaphore, #tpu.memory_space<semaphore_mem>>)
    %scan3A = arith.constant 0 : i32
    %scan3A_221 = arith.constant 0 : i32
    %scan3A_222 = arith.constant 90 : i32
    %scan3A_223 = arith.addi %scan3A_221, %scan3A_222 : i32
    %scan3A_224 = arith.constant 1 : i32
    scf.for %scan3A_246 = %scan3A_221 to %scan3A_223 step %scan3A_224  : i32 {
      %dma_wait3A_247 = arith.constant 0 : i32
      %dma_wait3A_248 = arith.constant 0 : i32
      %dma_wait3A_249 = arith.constant 0 : i32
      %dma_wait3A_250 = tpu.memref_slice %arg9[%dma_wait3A_247, %dma_wait3A_248, %dma_wait3A_249] : memref<3x112x128xf32, #tpu.memory_space<vmem>> -> memref<1x112x128xf32, #tpu.memory_space<vmem>>
      %dma_wait3A_251 = tpu.memref_squeeze %dma_wait3A_250 : memref<1x112x128xf32, #tpu.memory_space<vmem>> -> memref<112x128xf32, #tpu.memory_space<vmem>>
      %dma_wait3A_252 = arith.constant 0 : i32
      %dma_wait3A_253 = arith.constant 0 : i32
      %dma_wait3A_254 = tpu.memref_slice %arg2[%dma_wait3A_252, %dma_wait3A_253] : memref<10000x128xf32, #tpu.memory_space<hbm>> -> memref<112x128xf32, #tpu.memory_space<hbm>>
      %dma_wait3A_255 = arith.constant 0 : i32
      %dma_wait3A_256 = arith.constant 0 : i32
      %dma_wait3A_257 = tpu.memref_slice %arg9[%dma_wait3A_247, %dma_wait3A_255, %dma_wait3A_256] : memref<3x112x128xf32, #tpu.memory_space<vmem>> -> memref<1x112x128xf32, #tpu.memory_space<vmem>>
      %dma_wait3A_258 = tpu.memref_squeeze %dma_wait3A_257 : memref<1x112x128xf32, #tpu.memory_space<vmem>> -> memref<112x128xf32, #tpu.memory_space<vmem>>
      %dma_wait3A_259 = arith.constant 0 : i32
      %dma_wait3A_260 = arith.constant 0 : i32
      %dma_wait3A_261 = tpu.memref_slice %arg2[%dma_wait3A_259, %dma_wait3A_260] : memref<10000x128xf32, #tpu.memory_space<hbm>> -> memref<112x128xf32, #tpu.memory_space<hbm>>
      tpu.wait_dma2 semaphore(%arg11 : memref<!tpu.dma_semaphore, #tpu.memory_space<semaphore_mem>>) src(%dma_wait3A_261 : memref<112x128xf32, #tpu.memory_space<hbm>>) dst(%dma_wait3A_258 : memref<112x128xf32, #tpu.memory_space<vmem>>)
      %rem3A_262 = arith.constant 3 : i32
      %rem3A_263 = arith.remsi %scan3A_246, %rem3A_262 : i32
      %rem3A_264 = arith.constant 4 : i32
      %rem3A_265 = arith.remsi %scan3A_246, %rem3A_264 : i32
      %dma_start3A_266 = arith.constant 0 : i32
      %dma_start3A_267 = arith.constant 0 : i32
      %dma_start3A_268 = arith.constant 0 : i32
      %dma_start3A_269 = tpu.memref_slice %arg9[%rem3A_263, %dma_start3A_267, %dma_start3A_268] : memref<3x112x128xf32, #tpu.memory_space<vmem>> -> memref<1x112x128xf32, #tpu.memory_space<vmem>>
      %dma_start3A_270 = tpu.memref_squeeze %dma_start3A_269 : memref<1x112x128xf32, #tpu.memory_space<vmem>> -> memref<112x128xf32, #tpu.memory_space<vmem>>
      %dma_start3A_271 = arith.constant 0 : i32
      %dma_start3A_272 = tpu.memref_slice %arg8[%rem3A_265, %dma_start3A_266, %dma_start3A_271] : memref<4x1x112xi32, #tpu.memory_space<vmem>> -> memref<1x1x112xi32, #tpu.memory_space<vmem>>
      %dma_start3A_273 = tpu.memref_squeeze %dma_start3A_272 : memref<1x1x112xi32, #tpu.memory_space<vmem>> -> memref<112xi32, #tpu.memory_space<vmem>>
      %dma_start3A_274 = arith.constant 0 : i32
      %dma_start3A_275 = arith.constant 0 : i32
      %dma_start3A_276 = tpu.memref_slice %arg10[%dma_start3A_274, %dma_start3A_275] : memref<10112x128xf32, #tpu.memory_space<vmem_shared>> -> memref<10112x128xf32, #tpu.memory_space<vmem_shared>>
      tpu.enqueue_indirect_dma source(%dma_start3A_270 : memref<112x128xf32, #tpu.memory_space<vmem>>) target(%dma_start3A_276 : memref<10112x128xf32, #tpu.memory_space<vmem_shared>>) offsets(%dma_start3A_273 : memref<112xi32, #tpu.memory_space<vmem>>) semaphore(%arg12 : memref<!tpu.dma_semaphore, #tpu.memory_space<semaphore_mem>>) {add = true}
      %ge3A = arith.constant 1 : i32
      %ge3A_277 = arith.cmpi sge, %scan3A_246, %ge3A : i32
      %convert_element_type3A = arith.extui %ge3A_277 : i1 to i32
      %cond3A = arith.constant 0 : i32
      %cond3A_278 = arith.cmpi ne, %convert_element_type3A, %cond3A : i32
      scf.if %cond3A_278 {
        %dma_wait3A_292 = arith.constant 0 : i32
        %dma_wait3A_293 = arith.constant 0 : i32
        %dma_wait3A_294 = arith.constant 0 : i32
        %dma_wait3A_295 = tpu.memref_slice %arg9[%dma_wait3A_292, %dma_wait3A_293, %dma_wait3A_294] : memref<3x112x128xf32, #tpu.memory_space<vmem>> -> memref<1x112x128xf32, #tpu.memory_space<vmem>>
        %dma_wait3A_296 = tpu.memref_squeeze %dma_wait3A_295 : memref<1x112x128xf32, #tpu.memory_space<vmem>> -> memref<112x128xf32, #tpu.memory_space<vmem>>
        %dma_wait3A_297 = arith.constant 0 : i32
        %dma_wait3A_298 = arith.constant 0 : i32
        %dma_wait3A_299 = tpu.memref_slice %arg2[%dma_wait3A_297, %dma_wait3A_298] : memref<10000x128xf32, #tpu.memory_space<hbm>> -> memref<112x128xf32, #tpu.memory_space<hbm>>
        %dma_wait3A_300 = arith.constant 0 : i32
        %dma_wait3A_301 = arith.constant 0 : i32
        %dma_wait3A_302 = tpu.memref_slice %arg9[%dma_wait3A_292, %dma_wait3A_300, %dma_wait3A_301] : memref<3x112x128xf32, #tpu.memory_space<vmem>> -> memref<1x112x128xf32, #tpu.memory_space<vmem>>
        %dma_wait3A_303 = tpu.memref_squeeze %dma_wait3A_302 : memref<1x112x128xf32, #tpu.memory_space<vmem>> -> memref<112x128xf32, #tpu.memory_space<vmem>>
        %dma_wait3A_304 = arith.constant 0 : i32
        %dma_wait3A_305 = arith.constant 0 : i32
        %dma_wait3A_306 = tpu.memref_slice %arg2[%dma_wait3A_304, %dma_wait3A_305] : memref<10000x128xf32, #tpu.memory_space<hbm>> -> memref<112x128xf32, #tpu.memory_space<hbm>>
        tpu.wait_dma2 semaphore(%arg12 : memref<!tpu.dma_semaphore, #tpu.memory_space<semaphore_mem>>) src(%dma_wait3A_306 : memref<112x128xf32, #tpu.memory_space<hbm>>) dst(%dma_wait3A_303 : memref<112x128xf32, #tpu.memory_space<vmem>>)
      } else {
      }
      %add3A_279 = arith.constant 3 : i32
      %add3A_280 = arith.addi %scan3A_246, %add3A_279 : i32
      %lt3A = arith.constant 90 : i32
      %lt3A_281 = arith.cmpi slt, %add3A_280, %lt3A : i32
      %convert_element_type3A_282 = arith.extui %lt3A_281 : i1 to i32
      %cond3A_283 = arith.constant 0 : i32
      %cond3A_284 = arith.cmpi ne, %convert_element_type3A_282, %cond3A_283 : i32
      scf.if %cond3A_284 {
        %add3A_292 = arith.constant 3 : i32
        %add3A_293 = arith.addi %scan3A_246, %add3A_292 : i32
        %rem3A_294 = arith.constant 4 : i32
        %rem3A_295 = arith.remsi %add3A_293, %rem3A_294 : i32
        %add3A_296 = arith.addi %mul3A_2, %add3A_293 : i32
        %dma_start3A_297 = arith.constant 0 : i32
        %dma_start3A_298 = arith.constant 0 : i32
        %dma_start3A_299 = tpu.memref_slice %arg7[%rem3A_295, %dma_start3A_297, %dma_start3A_298] : memref<4x1x112xi32, #tpu.memory_space<vmem>> -> memref<1x1x112xi32, #tpu.memory_space<vmem>>
        %dma_start3A_300 = tpu.memref_squeeze %dma_start3A_299 : memref<1x1x112xi32, #tpu.memory_space<vmem>> -> memref<1x112xi32, #tpu.memory_space<vmem>>
        %dma_start3A_301 = arith.constant 0 : i32
        %dma_start3A_302 = arith.constant 0 : i32
        %dma_start3A_303 = tpu.memref_slice %arg3[%add3A_296, %dma_start3A_301, %dma_start3A_302] : memref<2880x1x112xi32, #tpu.memory_space<hbm>> -> memref<1x1x112xi32, #tpu.memory_space<hbm>>
        %dma_start3A_304 = tpu.memref_squeeze %dma_start3A_303 : memref<1x1x112xi32, #tpu.memory_space<hbm>> -> memref<1x112xi32, #tpu.memory_space<hbm>>
        %dma_start3A_305 = arith.constant 0 : i32
        %dma_start3A_306 = arith.constant 0 : i32
        %dma_start3A_307 = tpu.memref_slice %arg7[%rem3A_295, %dma_start3A_305, %dma_start3A_306] : memref<4x1x112xi32, #tpu.memory_space<vmem>> -> memref<1x1x112xi32, #tpu.memory_space<vmem>>
        %dma_start3A_308 = tpu.memref_squeeze %dma_start3A_307 : memref<1x1x112xi32, #tpu.memory_space<vmem>> -> memref<1x112xi32, #tpu.memory_space<vmem>>
        %dma_start3A_309 = arith.constant 0 : i32
        %dma_start3A_310 = arith.constant 0 : i32
        %dma_start3A_311 = tpu.memref_slice %arg3[%add3A_296, %dma_start3A_309, %dma_start3A_310] : memref<2880x1x112xi32, #tpu.memory_space<hbm>> -> memref<1x1x112xi32, #tpu.memory_space<hbm>>
        %dma_start3A_312 = tpu.memref_squeeze %dma_start3A_311 : memref<1x1x112xi32, #tpu.memory_space<hbm>> -> memref<1x112xi32, #tpu.memory_space<hbm>>
        tpu.enqueue_dma source(%dma_start3A_312 : memref<1x112xi32, #tpu.memory_space<hbm>>) target(%dma_start3A_308 : memref<1x112xi32, #tpu.memory_space<vmem>>) target_semaphore(%arg13 : memref<!tpu.dma_semaphore, #tpu.memory_space<semaphore_mem>>)
        %add3A_313 = arith.addi %mul3A_2, %add3A_293 : i32
        %dma_start3A_314 = arith.constant 0 : i32
        %dma_start3A_315 = arith.constant 0 : i32
        %dma_start3A_316 = tpu.memref_slice %arg8[%rem3A_295, %dma_start3A_314, %dma_start3A_315] : memref<4x1x112xi32, #tpu.memory_space<vmem>> -> memref<1x1x112xi32, #tpu.memory_space<vmem>>
        %dma_start3A_317 = tpu.memref_squeeze %dma_start3A_316 : memref<1x1x112xi32, #tpu.memory_space<vmem>> -> memref<1x112xi32, #tpu.memory_space<vmem>>
        %dma_start3A_318 = arith.constant 0 : i32
        %dma_start3A_319 = arith.constant 0 : i32
        %dma_start3A_320 = tpu.memref_slice %arg4[%add3A_313, %dma_start3A_318, %dma_start3A_319] : memref<2880x1x112xi32, #tpu.memory_space<hbm>> -> memref<1x1x112xi32, #tpu.memory_space<hbm>>
        %dma_start3A_321 = tpu.memref_squeeze %dma_start3A_320 : memref<1x1x112xi32, #tpu.memory_space<hbm>> -> memref<1x112xi32, #tpu.memory_space<hbm>>
        %dma_start3A_322 = arith.constant 0 : i32
        %dma_start3A_323 = arith.constant 0 : i32
        %dma_start3A_324 = tpu.memref_slice %arg8[%rem3A_295, %dma_start3A_322, %dma_start3A_323] : memref<4x1x112xi32, #tpu.memory_space<vmem>> -> memref<1x1x112xi32, #tpu.memory_space<vmem>>
        %dma_start3A_325 = tpu.memref_squeeze %dma_start3A_324 : memref<1x1x112xi32, #tpu.memory_space<vmem>> -> memref<1x112xi32, #tpu.memory_space<vmem>>
        %dma_start3A_326 = arith.constant 0 : i32
        %dma_start3A_327 = arith.constant 0 : i32
        %dma_start3A_328 = tpu.memref_slice %arg4[%add3A_313, %dma_start3A_326, %dma_start3A_327] : memref<2880x1x112xi32, #tpu.memory_space<hbm>> -> memref<1x1x112xi32, #tpu.memory_space<hbm>>
        %dma_start3A_329 = tpu.memref_squeeze %dma_start3A_328 : memref<1x1x112xi32, #tpu.memory_space<hbm>> -> memref<1x112xi32, #tpu.memory_space<hbm>>
        tpu.enqueue_dma source(%dma_start3A_329 : memref<1x112xi32, #tpu.memory_space<hbm>>) target(%dma_start3A_325 : memref<1x112xi32, #tpu.memory_space<vmem>>) target_semaphore(%arg13 : memref<!tpu.dma_semaphore, #tpu.memory_space<semaphore_mem>>)
      } else {
      }
      %add3A_285 = arith.constant 2 : i32
      %add3A_286 = arith.addi %scan3A_246, %add3A_285 : i32
      %lt3A_287 = arith.constant 90 : i32
      %lt3A_288 = arith.cmpi slt, %add3A_286, %lt3A_287 : i32
      %convert_element_type3A_289 = arith.extui %lt3A_288 : i1 to i32
      %cond3A_290 = arith.constant 0 : i32
      %cond3A_291 = arith.cmpi ne, %convert_element_type3A_289, %cond3A_290 : i32
      scf.if %cond3A_291 {
        %dma_wait3A_292 = arith.constant 0 : i32
        %dma_wait3A_293 = arith.constant 0 : i32
        %dma_wait3A_294 = arith.constant 0 : i32
        %dma_wait3A_295 = tpu.memref_slice %arg7[%dma_wait3A_292, %dma_wait3A_293, %dma_wait3A_294] : memref<4x1x112xi32, #tpu.memory_space<vmem>> -> memref<1x1x112xi32, #tpu.memory_space<vmem>>
        %dma_wait3A_296 = tpu.memref_squeeze %dma_wait3A_295 : memref<1x1x112xi32, #tpu.memory_space<vmem>> -> memref<1x112xi32, #tpu.memory_space<vmem>>
        %dma_wait3A_297 = arith.constant 0 : i32
        %dma_wait3A_298 = arith.constant 0 : i32
        %dma_wait3A_299 = tpu.memref_slice %arg3[%mul3A_2, %dma_wait3A_297, %dma_wait3A_298] : memref<2880x1x112xi32, #tpu.memory_space<hbm>> -> memref<1x1x112xi32, #tpu.memory_space<hbm>>
        %dma_wait3A_300 = tpu.memref_squeeze %dma_wait3A_299 : memref<1x1x112xi32, #tpu.memory_space<hbm>> -> memref<1x112xi32, #tpu.memory_space<hbm>>
        %dma_wait3A_301 = arith.constant 0 : i32
        %dma_wait3A_302 = arith.constant 0 : i32
        %dma_wait3A_303 = tpu.memref_slice %arg7[%dma_wait3A_292, %dma_wait3A_301, %dma_wait3A_302] : memref<4x1x112xi32, #tpu.memory_space<vmem>> -> memref<1x1x112xi32, #tpu.memory_space<vmem>>
        %dma_wait3A_304 = tpu.memref_squeeze %dma_wait3A_303 : memref<1x1x112xi32, #tpu.memory_space<vmem>> -> memref<1x112xi32, #tpu.memory_space<vmem>>
        %dma_wait3A_305 = arith.constant 0 : i32
        %dma_wait3A_306 = arith.constant 0 : i32
        %dma_wait3A_307 = tpu.memref_slice %arg3[%mul3A_2, %dma_wait3A_305, %dma_wait3A_306] : memref<2880x1x112xi32, #tpu.memory_space<hbm>> -> memref<1x1x112xi32, #tpu.memory_space<hbm>>
        %dma_wait3A_308 = tpu.memref_squeeze %dma_wait3A_307 : memref<1x1x112xi32, #tpu.memory_space<hbm>> -> memref<1x112xi32, #tpu.memory_space<hbm>>
        tpu.wait_dma2 semaphore(%arg13 : memref<!tpu.dma_semaphore, #tpu.memory_space<semaphore_mem>>) src(%dma_wait3A_308 : memref<1x112xi32, #tpu.memory_space<hbm>>) dst(%dma_wait3A_304 : memref<1x112xi32, #tpu.memory_space<vmem>>)
        %dma_wait3A_309 = arith.constant 0 : i32
        %dma_wait3A_310 = arith.constant 0 : i32
        %dma_wait3A_311 = arith.constant 0 : i32
        %dma_wait3A_312 = tpu.memref_slice %arg8[%dma_wait3A_309, %dma_wait3A_310, %dma_wait3A_311] : memref<4x1x112xi32, #tpu.memory_space<vmem>> -> memref<1x1x112xi32, #tpu.memory_space<vmem>>
        %dma_wait3A_313 = tpu.memref_squeeze %dma_wait3A_312 : memref<1x1x112xi32, #tpu.memory_space<vmem>> -> memref<1x112xi32, #tpu.memory_space<vmem>>
        %dma_wait3A_314 = arith.constant 0 : i32
        %dma_wait3A_315 = arith.constant 0 : i32
        %dma_wait3A_316 = tpu.memref_slice %arg3[%mul3A_2, %dma_wait3A_314, %dma_wait3A_315] : memref<2880x1x112xi32, #tpu.memory_space<hbm>> -> memref<1x1x112xi32, #tpu.memory_space<hbm>>
        %dma_wait3A_317 = tpu.memref_squeeze %dma_wait3A_316 : memref<1x1x112xi32, #tpu.memory_space<hbm>> -> memref<1x112xi32, #tpu.memory_space<hbm>>
        %dma_wait3A_318 = arith.constant 0 : i32
        %dma_wait3A_319 = arith.constant 0 : i32
        %dma_wait3A_320 = tpu.memref_slice %arg8[%dma_wait3A_309, %dma_wait3A_318, %dma_wait3A_319] : memref<4x1x112xi32, #tpu.memory_space<vmem>> -> memref<1x1x112xi32, #tpu.memory_space<vmem>>
        %dma_wait3A_321 = tpu.memref_squeeze %dma_wait3A_320 : memref<1x1x112xi32, #tpu.memory_space<vmem>> -> memref<1x112xi32, #tpu.memory_space<vmem>>
        %dma_wait3A_322 = arith.constant 0 : i32
        %dma_wait3A_323 = arith.constant 0 : i32
        %dma_wait3A_324 = tpu.memref_slice %arg3[%mul3A_2, %dma_wait3A_322, %dma_wait3A_323] : memref<2880x1x112xi32, #tpu.memory_space<hbm>> -> memref<1x1x112xi32, #tpu.memory_space<hbm>>
        %dma_wait3A_325 = tpu.memref_squeeze %dma_wait3A_324 : memref<1x1x112xi32, #tpu.memory_space<hbm>> -> memref<1x112xi32, #tpu.memory_space<hbm>>
        tpu.wait_dma2 semaphore(%arg13 : memref<!tpu.dma_semaphore, #tpu.memory_space<semaphore_mem>>) src(%dma_wait3A_325 : memref<1x112xi32, #tpu.memory_space<hbm>>) dst(%dma_wait3A_321 : memref<1x112xi32, #tpu.memory_space<vmem>>)
        %add3A_326 = arith.constant 2 : i32
        %add3A_327 = arith.addi %scan3A_246, %add3A_326 : i32
        %rem3A_328 = arith.constant 4 : i32
        %rem3A_329 = arith.remsi %add3A_327, %rem3A_328 : i32
        %rem3A_330 = arith.constant 3 : i32
        %rem3A_331 = arith.remsi %add3A_327, %rem3A_330 : i32
        %dma_start3A_332 = arith.constant 0 : i32
        %dma_start3A_333 = arith.constant 0 : i32
        %dma_start3A_334 = arith.constant 0 : i32
        %dma_start3A_335 = tpu.memref_slice %arg9[%rem3A_331, %dma_start3A_333, %dma_start3A_334] : memref<3x112x128xf32, #tpu.memory_space<vmem>> -> memref<1x112x128xf32, #tpu.memory_space<vmem>>
        %dma_start3A_336 = tpu.memref_squeeze %dma_start3A_335 : memref<1x112x128xf32, #tpu.memory_space<vmem>> -> memref<112x128xf32, #tpu.memory_space<vmem>>
        %dma_start3A_337 = arith.constant 0 : i32
        %dma_start3A_338 = tpu.memref_slice %arg7[%rem3A_329, %dma_start3A_332, %dma_start3A_337] : memref<4x1x112xi32, #tpu.memory_space<vmem>> -> memref<1x1x112xi32, #tpu.memory_space<vmem>>
        %dma_start3A_339 = tpu.memref_squeeze %dma_start3A_338 : memref<1x1x112xi32, #tpu.memory_space<vmem>> -> memref<112xi32, #tpu.memory_space<vmem>>
        %dma_start3A_340 = arith.constant 0 : i32
        %dma_start3A_341 = arith.constant 0 : i32
        %dma_start3A_342 = tpu.memref_slice %arg2[%dma_start3A_340, %dma_start3A_341] : memref<10000x128xf32, #tpu.memory_space<hbm>> -> memref<10000x128xf32, #tpu.memory_space<hbm>>
        tpu.enqueue_indirect_dma source(%dma_start3A_342 : memref<10000x128xf32, #tpu.memory_space<hbm>>) target(%dma_start3A_336 : memref<112x128xf32, #tpu.memory_space<vmem>>) offsets(%dma_start3A_339 : memref<112xi32, #tpu.memory_space<vmem>>) semaphore(%arg11 : memref<!tpu.dma_semaphore, #tpu.memory_space<semaphore_mem>>)
      } else {
      }
    }
    %scan3A_225 = arith.constant 90 : i32
    %dma_wait3A_226 = arith.constant 0 : i32
    %dma_wait3A_227 = arith.constant 0 : i32
    %dma_wait3A_228 = arith.constant 0 : i32
    %dma_wait3A_229 = tpu.memref_slice %arg9[%dma_wait3A_226, %dma_wait3A_227, %dma_wait3A_228] : memref<3x112x128xf32, #tpu.memory_space<vmem>> -> memref<1x112x128xf32, #tpu.memory_space<vmem>>
    %dma_wait3A_230 = tpu.memref_squeeze %dma_wait3A_229 : memref<1x112x128xf32, #tpu.memory_space<vmem>> -> memref<112x128xf32, #tpu.memory_space<vmem>>
    %dma_wait3A_231 = arith.constant 0 : i32
    %dma_wait3A_232 = arith.constant 0 : i32
    %dma_wait3A_233 = tpu.memref_slice %arg2[%dma_wait3A_231, %dma_wait3A_232] : memref<10000x128xf32, #tpu.memory_space<hbm>> -> memref<112x128xf32, #tpu.memory_space<hbm>>
    %dma_wait3A_234 = arith.constant 0 : i32
    %dma_wait3A_235 = arith.constant 0 : i32
    %dma_wait3A_236 = tpu.memref_slice %arg9[%dma_wait3A_226, %dma_wait3A_234, %dma_wait3A_235] : memref<3x112x128xf32, #tpu.memory_space<vmem>> -> memref<1x112x128xf32, #tpu.memory_space<vmem>>
    %dma_wait3A_237 = tpu.memref_squeeze %dma_wait3A_236 : memref<1x112x128xf32, #tpu.memory_space<vmem>> -> memref<112x128xf32, #tpu.memory_space<vmem>>
    %dma_wait3A_238 = arith.constant 0 : i32
    %dma_wait3A_239 = arith.constant 0 : i32
    %dma_wait3A_240 = tpu.memref_slice %arg2[%dma_wait3A_238, %dma_wait3A_239] : memref<10000x128xf32, #tpu.memory_space<hbm>> -> memref<112x128xf32, #tpu.memory_space<hbm>>
    tpu.wait_dma2 semaphore(%arg12 : memref<!tpu.dma_semaphore, #tpu.memory_space<semaphore_mem>>) src(%dma_wait3A_240 : memref<112x128xf32, #tpu.memory_space<hbm>>) dst(%dma_wait3A_237 : memref<112x128xf32, #tpu.memory_space<vmem>>)
    %barrier3A_241 = arith.constant 0 : index
    tpu.barrier barrier_id(%barrier3A_241)
    %mul3A_242 = arith.constant 632 : i32
    %mul3A_243 = arith.muli %arg1, %mul3A_242 : i32
    %mul3A_244 = arith.constant 632 : i32
    %mul3A_245 = arith.muli %arg1, %mul3A_244 : i32
    "tpu.region"() ({
      %run_scoped3A = tpu.sem_alloc : memref<!tpu.dma_semaphore, #tpu.memory_space<semaphore_mem>>
      %dma_start3A_246 = arith.constant 0 : i32
      %dma_start3A_247 = tpu.memref_slice %arg6[%arg0, %mul3A_245, %dma_start3A_246] : memref<2x10112x128xf32, #tpu.memory_space<hbm>> -> memref<1x632x128xf32, #tpu.memory_space<hbm>>
      %dma_start3A_248 = tpu.memref_squeeze %dma_start3A_247 : memref<1x632x128xf32, #tpu.memory_space<hbm>> -> memref<632x128xf32, #tpu.memory_space<hbm>>
      %dma_start3A_249 = arith.constant 0 : i32
      %dma_start3A_250 = tpu.memref_slice %arg10[%mul3A_243, %dma_start3A_249] : memref<10112x128xf32, #tpu.memory_space<vmem_shared>> -> memref<632x128xf32, #tpu.memory_space<vmem_shared>>
      tpu.enqueue_dma source(%dma_start3A_250 : memref<632x128xf32, #tpu.memory_space<vmem_shared>>) target(%dma_start3A_248 : memref<632x128xf32, #tpu.memory_space<hbm>>) target_semaphore(%run_scoped3A : memref<!tpu.dma_semaphore, #tpu.memory_space<semaphore_mem>>)
      %dma_wait3A_251 = arith.constant 0 : i32
      %dma_wait3A_252 = tpu.memref_slice %arg6[%arg0, %mul3A_245, %dma_wait3A_251] : memref<2x10112x128xf32, #tpu.memory_space<hbm>> -> memref<1x632x128xf32, #tpu.memory_space<hbm>>
      %dma_wait3A_253 = tpu.memref_squeeze %dma_wait3A_252 : memref<1x632x128xf32, #tpu.memory_space<hbm>> -> memref<632x128xf32, #tpu.memory_space<hbm>>
      %dma_wait3A_254 = arith.constant 0 : i32
      %dma_wait3A_255 = tpu.memref_slice %arg10[%mul3A_243, %dma_wait3A_254] : memref<10112x128xf32, #tpu.memory_space<vmem_shared>> -> memref<632x128xf32, #tpu.memory_space<vmem_shared>>
      tpu.wait_dma2 semaphore(%run_scoped3A : memref<!tpu.dma_semaphore, #tpu.memory_space<semaphore_mem>>) src(%dma_wait3A_255 : memref<632x128xf32, #tpu.memory_space<vmem_shared>>) dst(%dma_wait3A_253 : memref<632x128xf32, #tpu.memory_space<hbm>>)
      tpu.yield
    }) : () -> ()
    return
  }
}

#map = affine_map<(d0, d1) -> (0, 0)>
#map1 = affine_map<(d0, d1) -> (0, 0, 0)>
module attributes {stable_mosaic.version = 14 : i64} {
  func.func @_sc_apply_body(%arg0: i32, %arg1: i32, %arg2: memref<10000x128xf32, #tpu.memory_space<hbm>>, %arg3: memref<2880x1x112xi32, #tpu.memory_space<hbm>>, %arg4: memref<2880x1x112xi32, #tpu.memory_space<hbm>>, %arg5: memref<632x128xf32, #tpu.memory_space<hbm>>, %arg6: memref<2x10112x128xf32, #tpu.memory_space<hbm>>, %arg7: memref<4x1x112xi32, #tpu.memory_space<vmem>>, %arg8: memref<4x1x112xi32, #tpu.memory_space<vmem>>, %arg9: memref<3x112x128xf32, #tpu.memory_space<vmem>>, %arg10: memref<10112x128xf32, #tpu.memory_space<vmem_shared>>, %arg11: memref<!tpu.dma_semaphore, #tpu.memory_space<semaphore_mem>>, %arg12: memref<!tpu.dma_semaphore, #tpu.memory_space<semaphore_mem>>, %arg13: memref<!tpu.dma_semaphore, #tpu.memory_space<semaphore_mem>>) attributes {dimension_semantics = [#tpu.dimension_semantics<core_parallel>, #tpu.dimension_semantics<subcore_parallel>], iteration_bounds = array<i64: 2, 16>, scalar_prefetch = 0 : i64, scratch_operands = 7 : i64, tpu.core_type = #tpu.core_type<sc_vector_subcore>, window_params = [{transform_indices = #map}, {transform_indices = #map1}, {transform_indices = #map1}, {transform_indices = #map}, {transform_indices = #map1}]} {
    %mul3A = arith.constant 16 : i32
    %mul3A_0 = arith.muli %arg0, %mul3A : i32
    %add3A = arith.addi %mul3A_0, %arg1 : i32
    %mul3A_1 = arith.constant 90 : i32
    %mul3A_2 = arith.muli %add3A, %mul3A_1 : i32
    %mul3A_3 = arith.constant 632 : i32
    %mul3A_4 = arith.muli %arg1, %mul3A_3 : i32
    "tpu.region"() ({
      %run_scoped3A = tpu.sem_alloc : memref<!tpu.dma_semaphore, #tpu.memory_space<semaphore_mem>>
      %dma_start3A_246 = arith.constant 0 : i32
      %dma_start3A_247 = tpu.memref_slice %arg10[%mul3A_4, %dma_start3A_246] : memref<10112x128xf32, #tpu.memory_space<vmem_shared>> -> memref<632x128xf32, #tpu.memory_space<vmem_shared>>
      tpu.enqueue_dma source(%arg5 : memref<632x128xf32, #tpu.memory_space<hbm>>) target(%dma_start3A_247 : memref<632x128xf32, #tpu.memory_space<vmem_shared>>) target_semaphore(%run_scoped3A : memref<!tpu.dma_semaphore, #tpu.memory_space<semaphore_mem>>)
      %dma_wait3A_248 = arith.constant 0 : i32
      %dma_wait3A_249 = tpu.memref_slice %arg10[%mul3A_4, %dma_wait3A_248] : memref<10112x128xf32, #tpu.memory_space<vmem_shared>> -> memref<632x128xf32, #tpu.memory_space<vmem_shared>>
      tpu.wait_dma2 semaphore(%run_scoped3A : memref<!tpu.dma_semaphore, #tpu.memory_space<semaphore_mem>>) src(%arg5 : memref<632x128xf32, #tpu.memory_space<hbm>>) dst(%dma_wait3A_249 : memref<632x128xf32, #tpu.memory_space<vmem_shared>>)
      tpu.yield
    }) : () -> ()
    %barrier3A = arith.constant 0 : index
    tpu.barrier barrier_id(%barrier3A)
    %rem3A = arith.constant 0 : i32
    %rem3A_5 = arith.constant 4 : i32
    %rem3A_6 = arith.remsi %rem3A, %rem3A_5 : i32
    %add3A_7 = arith.constant 0 : i32
    %add3A_8 = arith.addi %mul3A_2, %add3A_7 : i32
    %dma_start3A = arith.constant 0 : i32
    %dma_start3A_9 = arith.constant 0 : i32
    %dma_start3A_10 = tpu.memref_slice %arg7[%rem3A_6, %dma_start3A, %dma_start3A_9] : memref<4x1x112xi32, #tpu.memory_space<vmem>> -> memref<1x1x112xi32, #tpu.memory_space<vmem>>
    %dma_start3A_11 = tpu.memref_squeeze %dma_start3A_10 : memref<1x1x112xi32, #tpu.memory_space<vmem>> -> memref<1x112xi32, #tpu.memory_space<vmem>>
    %dma_start3A_12 = arith.constant 0 : i32
    %dma_start3A_13 = arith.constant 0 : i32
    %dma_start3A_14 = tpu.memref_slice %arg3[%add3A_8, %dma_start3A_12, %dma_start3A_13] : memref<2880x1x112xi32, #tpu.memory_space<hbm>> -> memref<1x1x112xi32, #tpu.memory_space<hbm>>
    %dma_start3A_15 = tpu.memref_squeeze %dma_start3A_14 : memref<1x1x112xi32, #tpu.memory_space<hbm>> -> memref<1x112xi32, #tpu.memory_space<hbm>>
    %dma_start3A_16 = arith.constant 0 : i32
    %dma_start3A_17 = arith.constant 0 : i32
    %dma_start3A_18 = tpu.memref_slice %arg7[%rem3A_6, %dma_start3A_16, %dma_start3A_17] : memref<4x1x112xi32, #tpu.memory_space<vmem>> -> memref<1x1x112xi32, #tpu.memory_space<vmem>>
    %dma_start3A_19 = tpu.memref_squeeze %dma_start3A_18 : memref<1x1x112xi32, #tpu.memory_space<vmem>> -> memref<1x112xi32, #tpu.memory_space<vmem>>
    %dma_start3A_20 = arith.constant 0 : i32
    %dma_start3A_21 = arith.constant 0 : i32
    %dma_start3A_22 = tpu.memref_slice %arg3[%add3A_8, %dma_start3A_20, %dma_start3A_21] : memref<2880x1x112xi32, #tpu.memory_space<hbm>> -> memref<1x1x112xi32, #tpu.memory_space<hbm>>
    %dma_start3A_23 = tpu.memref_squeeze %dma_start3A_22 : memref<1x1x112xi32, #tpu.memory_space<hbm>> -> memref<1x112xi32, #tpu.memory_space<hbm>>
    tpu.enqueue_dma source(%dma_start3A_23 : memref<1x112xi32, #tpu.memory_space<hbm>>) target(%dma_start3A_19 : memref<1x112xi32, #tpu.memory_space<vmem>>) target_semaphore(%arg13 : memref<!tpu.dma_semaphore, #tpu.memory_space<semaphore_mem>>)
    %add3A_24 = arith.constant 0 : i32
    %add3A_25 = arith.addi %mul3A_2, %add3A_24 : i32
    %dma_start3A_26 = arith.constant 0 : i32
    %dma_start3A_27 = arith.constant 0 : i32
    %dma_start3A_28 = tpu.memref_slice %arg8[%rem3A_6, %dma_start3A_26, %dma_start3A_27] : memref<4x1x112xi32, #tpu.memory_space<vmem>> -> memref<1x1x112xi32, #tpu.memory_space<vmem>>
    %dma_start3A_29 = tpu.memref_squeeze %dma_start3A_28 : memref<1x1x112xi32, #tpu.memory_space<vmem>> -> memref<1x112xi32, #tpu.memory_space<vmem>>
    %dma_start3A_30 = arith.constant 0 : i32
    %dma_start3A_31 = arith.constant 0 : i32
    %dma_start3A_32 = tpu.memref_slice %arg4[%add3A_25, %dma_start3A_30, %dma_start3A_31] : memref<2880x1x112xi32, #tpu.memory_space<hbm>> -> memref<1x1x112xi32, #tpu.memory_space<hbm>>
    %dma_start3A_33 = tpu.memref_squeeze %dma_start3A_32 : memref<1x1x112xi32, #tpu.memory_space<hbm>> -> memref<1x112xi32, #tpu.memory_space<hbm>>
    %dma_start3A_34 = arith.constant 0 : i32
    %dma_start3A_35 = arith.constant 0 : i32
    %dma_start3A_36 = tpu.memref_slice %arg8[%rem3A_6, %dma_start3A_34, %dma_start3A_35] : memref<4x1x112xi32, #tpu.memory_space<vmem>> -> memref<1x1x112xi32, #tpu.memory_space<vmem>>
    %dma_start3A_37 = tpu.memref_squeeze %dma_start3A_36 : memref<1x1x112xi32, #tpu.memory_space<vmem>> -> memref<1x112xi32, #tpu.memory_space<vmem>>
    %dma_start3A_38 = arith.constant 0 : i32
    %dma_start3A_39 = arith.constant 0 : i32
    %dma_start3A_40 = tpu.memref_slice %arg4[%add3A_25, %dma_start3A_38, %dma_start3A_39] : memref<2880x1x112xi32, #tpu.memory_space<hbm>> -> memref<1x1x112xi32, #tpu.memory_space<hbm>>
    %dma_start3A_41 = tpu.memref_squeeze %dma_start3A_40 : memref<1x1x112xi32, #tpu.memory_space<hbm>> -> memref<1x112xi32, #tpu.memory_space<hbm>>
    tpu.enqueue_dma source(%dma_start3A_41 : memref<1x112xi32, #tpu.memory_space<hbm>>) target(%dma_start3A_37 : memref<1x112xi32, #tpu.memory_space<vmem>>) target_semaphore(%arg13 : memref<!tpu.dma_semaphore, #tpu.memory_space<semaphore_mem>>)
    %rem3A_42 = arith.constant 1 : i32
    %rem3A_43 = arith.constant 4 : i32
    %rem3A_44 = arith.remsi %rem3A_42, %rem3A_43 : i32
    %add3A_45 = arith.constant 1 : i32
    %add3A_46 = arith.addi %mul3A_2, %add3A_45 : i32
    %dma_start3A_47 = arith.constant 0 : i32
    %dma_start3A_48 = arith.constant 0 : i32
    %dma_start3A_49 = tpu.memref_slice %arg7[%rem3A_44, %dma_start3A_47, %dma_start3A_48] : memref<4x1x112xi32, #tpu.memory_space<vmem>> -> memref<1x1x112xi32, #tpu.memory_space<vmem>>
    %dma_start3A_50 = tpu.memref_squeeze %dma_start3A_49 : memref<1x1x112xi32, #tpu.memory_space<vmem>> -> memref<1x112xi32, #tpu.memory_space<vmem>>
    %dma_start3A_51 = arith.constant 0 : i32
    %dma_start3A_52 = arith.constant 0 : i32
    %dma_start3A_53 = tpu.memref_slice %arg3[%add3A_46, %dma_start3A_51, %dma_start3A_52] : memref<2880x1x112xi32, #tpu.memory_space<hbm>> -> memref<1x1x112xi32, #tpu.memory_space<hbm>>
    %dma_start3A_54 = tpu.memref_squeeze %dma_start3A_53 : memref<1x1x112xi32, #tpu.memory_space<hbm>> -> memref<1x112xi32, #tpu.memory_space<hbm>>
    %dma_start3A_55 = arith.constant 0 : i32
    %dma_start3A_56 = arith.constant 0 : i32
    %dma_start3A_57 = tpu.memref_slice %arg7[%rem3A_44, %dma_start3A_55, %dma_start3A_56] : memref<4x1x112xi32, #tpu.memory_space<vmem>> -> memref<1x1x112xi32, #tpu.memory_space<vmem>>
    %dma_start3A_58 = tpu.memref_squeeze %dma_start3A_57 : memref<1x1x112xi32, #tpu.memory_space<vmem>> -> memref<1x112xi32, #tpu.memory_space<vmem>>
    %dma_start3A_59 = arith.constant 0 : i32
    %dma_start3A_60 = arith.constant 0 : i32
    %dma_start3A_61 = tpu.memref_slice %arg3[%add3A_46, %dma_start3A_59, %dma_start3A_60] : memref<2880x1x112xi32, #tpu.memory_space<hbm>> -> memref<1x1x112xi32, #tpu.memory_space<hbm>>
    %dma_start3A_62 = tpu.memref_squeeze %dma_start3A_61 : memref<1x1x112xi32, #tpu.memory_space<hbm>> -> memref<1x112xi32, #tpu.memory_space<hbm>>
    tpu.enqueue_dma source(%dma_start3A_62 : memref<1x112xi32, #tpu.memory_space<hbm>>) target(%dma_start3A_58 : memref<1x112xi32, #tpu.memory_space<vmem>>) target_semaphore(%arg13 : memref<!tpu.dma_semaphore, #tpu.memory_space<semaphore_mem>>)
    %add3A_63 = arith.constant 1 : i32
    %add3A_64 = arith.addi %mul3A_2, %add3A_63 : i32
    %dma_start3A_65 = arith.constant 0 : i32
    %dma_start3A_66 = arith.constant 0 : i32
    %dma_start3A_67 = tpu.memref_slice %arg8[%rem3A_44, %dma_start3A_65, %dma_start3A_66] : memref<4x1x112xi32, #tpu.memory_space<vmem>> -> memref<1x1x112xi32, #tpu.memory_space<vmem>>
    %dma_start3A_68 = tpu.memref_squeeze %dma_start3A_67 : memref<1x1x112xi32, #tpu.memory_space<vmem>> -> memref<1x112xi32, #tpu.memory_space<vmem>>
    %dma_start3A_69 = arith.constant 0 : i32
    %dma_start3A_70 = arith.constant 0 : i32
    %dma_start3A_71 = tpu.memref_slice %arg4[%add3A_64, %dma_start3A_69, %dma_start3A_70] : memref<2880x1x112xi32, #tpu.memory_space<hbm>> -> memref<1x1x112xi32, #tpu.memory_space<hbm>>
    %dma_start3A_72 = tpu.memref_squeeze %dma_start3A_71 : memref<1x1x112xi32, #tpu.memory_space<hbm>> -> memref<1x112xi32, #tpu.memory_space<hbm>>
    %dma_start3A_73 = arith.constant 0 : i32
    %dma_start3A_74 = arith.constant 0 : i32
    %dma_start3A_75 = tpu.memref_slice %arg8[%rem3A_44, %dma_start3A_73, %dma_start3A_74] : memref<4x1x112xi32, #tpu.memory_space<vmem>> -> memref<1x1x112xi32, #tpu.memory_space<vmem>>
    %dma_start3A_76 = tpu.memref_squeeze %dma_start3A_75 : memref<1x1x112xi32, #tpu.memory_space<vmem>> -> memref<1x112xi32, #tpu.memory_space<vmem>>
    %dma_start3A_77 = arith.constant 0 : i32
    %dma_start3A_78 = arith.constant 0 : i32
    %dma_start3A_79 = tpu.memref_slice %arg4[%add3A_64, %dma_start3A_77, %dma_start3A_78] : memref<2880x1x112xi32, #tpu.memory_space<hbm>> -> memref<1x1x112xi32, #tpu.memory_space<hbm>>
    %dma_start3A_80 = tpu.memref_squeeze %dma_start3A_79 : memref<1x1x112xi32, #tpu.memory_space<hbm>> -> memref<1x112xi32, #tpu.memory_space<hbm>>
    tpu.enqueue_dma source(%dma_start3A_80 : memref<1x112xi32, #tpu.memory_space<hbm>>) target(%dma_start3A_76 : memref<1x112xi32, #tpu.memory_space<vmem>>) target_semaphore(%arg13 : memref<!tpu.dma_semaphore, #tpu.memory_space<semaphore_mem>>)
    %rem3A_81 = arith.constant 2 : i32
    %rem3A_82 = arith.constant 4 : i32
    %rem3A_83 = arith.remsi %rem3A_81, %rem3A_82 : i32
    %add3A_84 = arith.constant 2 : i32
    %add3A_85 = arith.addi %mul3A_2, %add3A_84 : i32
    %dma_start3A_86 = arith.constant 0 : i32
    %dma_start3A_87 = arith.constant 0 : i32
    %dma_start3A_88 = tpu.memref_slice %arg7[%rem3A_83, %dma_start3A_86, %dma_start3A_87] : memref<4x1x112xi32, #tpu.memory_space<vmem>> -> memref<1x1x112xi32, #tpu.memory_space<vmem>>
    %dma_start3A_89 = tpu.memref_squeeze %dma_start3A_88 : memref<1x1x112xi32, #tpu.memory_space<vmem>> -> memref<1x112xi32, #tpu.memory_space<vmem>>
    %dma_start3A_90 = arith.constant 0 : i32
    %dma_start3A_91 = arith.constant 0 : i32
    %dma_start3A_92 = tpu.memref_slice %arg3[%add3A_85, %dma_start3A_90, %dma_start3A_91] : memref<2880x1x112xi32, #tpu.memory_space<hbm>> -> memref<1x1x112xi32, #tpu.memory_space<hbm>>
    %dma_start3A_93 = tpu.memref_squeeze %dma_start3A_92 : memref<1x1x112xi32, #tpu.memory_space<hbm>> -> memref<1x112xi32, #tpu.memory_space<hbm>>
    %dma_start3A_94 = arith.constant 0 : i32
    %dma_start3A_95 = arith.constant 0 : i32
    %dma_start3A_96 = tpu.memref_slice %arg7[%rem3A_83, %dma_start3A_94, %dma_start3A_95] : memref<4x1x112xi32, #tpu.memory_space<vmem>> -> memref<1x1x112xi32, #tpu.memory_space<vmem>>
    %dma_start3A_97 = tpu.memref_squeeze %dma_start3A_96 : memref<1x1x112xi32, #tpu.memory_space<vmem>> -> memref<1x112xi32, #tpu.memory_space<vmem>>
    %dma_start3A_98 = arith.constant 0 : i32
    %dma_start3A_99 = arith.constant 0 : i32
    %dma_start3A_100 = tpu.memref_slice %arg3[%add3A_85, %dma_start3A_98, %dma_start3A_99] : memref<2880x1x112xi32, #tpu.memory_space<hbm>> -> memref<1x1x112xi32, #tpu.memory_space<hbm>>
    %dma_start3A_101 = tpu.memref_squeeze %dma_start3A_100 : memref<1x1x112xi32, #tpu.memory_space<hbm>> -> memref<1x112xi32, #tpu.memory_space<hbm>>
    tpu.enqueue_dma source(%dma_start3A_101 : memref<1x112xi32, #tpu.memory_space<hbm>>) target(%dma_start3A_97 : memref<1x112xi32, #tpu.memory_space<vmem>>) target_semaphore(%arg13 : memref<!tpu.dma_semaphore, #tpu.memory_space<semaphore_mem>>)
    %add3A_102 = arith.constant 2 : i32
    %add3A_103 = arith.addi %mul3A_2, %add3A_102 : i32
    %dma_start3A_104 = arith.constant 0 : i32
    %dma_start3A_105 = arith.constant 0 : i32
    %dma_start3A_106 = tpu.memref_slice %arg8[%rem3A_83, %dma_start3A_104, %dma_start3A_105] : memref<4x1x112xi32, #tpu.memory_space<vmem>> -> memref<1x1x112xi32, #tpu.memory_space<vmem>>
    %dma_start3A_107 = tpu.memref_squeeze %dma_start3A_106 : memref<1x1x112xi32, #tpu.memory_space<vmem>> -> memref<1x112xi32, #tpu.memory_space<vmem>>
    %dma_start3A_108 = arith.constant 0 : i32
    %dma_start3A_109 = arith.constant 0 : i32
    %dma_start3A_110 = tpu.memref_slice %arg4[%add3A_103, %dma_start3A_108, %dma_start3A_109] : memref<2880x1x112xi32, #tpu.memory_space<hbm>> -> memref<1x1x112xi32, #tpu.memory_space<hbm>>
    %dma_start3A_111 = tpu.memref_squeeze %dma_start3A_110 : memref<1x1x112xi32, #tpu.memory_space<hbm>> -> memref<1x112xi32, #tpu.memory_space<hbm>>
    %dma_start3A_112 = arith.constant 0 : i32
    %dma_start3A_113 = arith.constant 0 : i32
    %dma_start3A_114 = tpu.memref_slice %arg8[%rem3A_83, %dma_start3A_112, %dma_start3A_113] : memref<4x1x112xi32, #tpu.memory_space<vmem>> -> memref<1x1x112xi32, #tpu.memory_space<vmem>>
    %dma_start3A_115 = tpu.memref_squeeze %dma_start3A_114 : memref<1x1x112xi32, #tpu.memory_space<vmem>> -> memref<1x112xi32, #tpu.memory_space<vmem>>
    %dma_start3A_116 = arith.constant 0 : i32
    %dma_start3A_117 = arith.constant 0 : i32
    %dma_start3A_118 = tpu.memref_slice %arg4[%add3A_103, %dma_start3A_116, %dma_start3A_117] : memref<2880x1x112xi32, #tpu.memory_space<hbm>> -> memref<1x1x112xi32, #tpu.memory_space<hbm>>
    %dma_start3A_119 = tpu.memref_squeeze %dma_start3A_118 : memref<1x1x112xi32, #tpu.memory_space<hbm>> -> memref<1x112xi32, #tpu.memory_space<hbm>>
    tpu.enqueue_dma source(%dma_start3A_119 : memref<1x112xi32, #tpu.memory_space<hbm>>) target(%dma_start3A_115 : memref<1x112xi32, #tpu.memory_space<vmem>>) target_semaphore(%arg13 : memref<!tpu.dma_semaphore, #tpu.memory_space<semaphore_mem>>)
    %dma_wait3A = arith.constant 0 : i32
    %dma_wait3A_120 = arith.constant 0 : i32
    %dma_wait3A_121 = arith.constant 0 : i32
    %dma_wait3A_122 = tpu.memref_slice %arg7[%dma_wait3A, %dma_wait3A_120, %dma_wait3A_121] : memref<4x1x112xi32, #tpu.memory_space<vmem>> -> memref<1x1x112xi32, #tpu.memory_space<vmem>>
    %dma_wait3A_123 = tpu.memref_squeeze %dma_wait3A_122 : memref<1x1x112xi32, #tpu.memory_space<vmem>> -> memref<1x112xi32, #tpu.memory_space<vmem>>
    %dma_wait3A_124 = arith.constant 0 : i32
    %dma_wait3A_125 = arith.constant 0 : i32
    %dma_wait3A_126 = tpu.memref_slice %arg3[%mul3A_2, %dma_wait3A_124, %dma_wait3A_125] : memref<2880x1x112xi32, #tpu.memory_space<hbm>> -> memref<1x1x112xi32, #tpu.memory_space<hbm>>
    %dma_wait3A_127 = tpu.memref_squeeze %dma_wait3A_126 : memref<1x1x112xi32, #tpu.memory_space<hbm>> -> memref<1x112xi32, #tpu.memory_space<hbm>>
    %dma_wait3A_128 = arith.constant 0 : i32
    %dma_wait3A_129 = arith.constant 0 : i32
    %dma_wait3A_130 = tpu.memref_slice %arg7[%dma_wait3A, %dma_wait3A_128, %dma_wait3A_129] : memref<4x1x112xi32, #tpu.memory_space<vmem>> -> memref<1x1x112xi32, #tpu.memory_space<vmem>>
    %dma_wait3A_131 = tpu.memref_squeeze %dma_wait3A_130 : memref<1x1x112xi32, #tpu.memory_space<vmem>> -> memref<1x112xi32, #tpu.memory_space<vmem>>
    %dma_wait3A_132 = arith.constant 0 : i32
    %dma_wait3A_133 = arith.constant 0 : i32
    %dma_wait3A_134 = tpu.memref_slice %arg3[%mul3A_2, %dma_wait3A_132, %dma_wait3A_133] : memref<2880x1x112xi32, #tpu.memory_space<hbm>> -> memref<1x1x112xi32, #tpu.memory_space<hbm>>
    %dma_wait3A_135 = tpu.memref_squeeze %dma_wait3A_134 : memref<1x1x112xi32, #tpu.memory_space<hbm>> -> memref<1x112xi32, #tpu.memory_space<hbm>>
    tpu.wait_dma2 semaphore(%arg13 : memref<!tpu.dma_semaphore, #tpu.memory_space<semaphore_mem>>) src(%dma_wait3A_135 : memref<1x112xi32, #tpu.memory_space<hbm>>) dst(%dma_wait3A_131 : memref<1x112xi32, #tpu.memory_space<vmem>>)
    %dma_wait3A_136 = arith.constant 0 : i32
    %dma_wait3A_137 = arith.constant 0 : i32
    %dma_wait3A_138 = arith.constant 0 : i32
    %dma_wait3A_139 = tpu.memref_slice %arg8[%dma_wait3A_136, %dma_wait3A_137, %dma_wait3A_138] : memref<4x1x112xi32, #tpu.memory_space<vmem>> -> memref<1x1x112xi32, #tpu.memory_space<vmem>>
    %dma_wait3A_140 = tpu.memref_squeeze %dma_wait3A_139 : memref<1x1x112xi32, #tpu.memory_space<vmem>> -> memref<1x112xi32, #tpu.memory_space<vmem>>
    %dma_wait3A_141 = arith.constant 0 : i32
    %dma_wait3A_142 = arith.constant 0 : i32
    %dma_wait3A_143 = tpu.memref_slice %arg3[%mul3A_2, %dma_wait3A_141, %dma_wait3A_142] : memref<2880x1x112xi32, #tpu.memory_space<hbm>> -> memref<1x1x112xi32, #tpu.memory_space<hbm>>
    %dma_wait3A_144 = tpu.memref_squeeze %dma_wait3A_143 : memref<1x1x112xi32, #tpu.memory_space<hbm>> -> memref<1x112xi32, #tpu.memory_space<hbm>>
    %dma_wait3A_145 = arith.constant 0 : i32
    %dma_wait3A_146 = arith.constant 0 : i32
    %dma_wait3A_147 = tpu.memref_slice %arg8[%dma_wait3A_136, %dma_wait3A_145, %dma_wait3A_146] : memref<4x1x112xi32, #tpu.memory_space<vmem>> -> memref<1x1x112xi32, #tpu.memory_space<vmem>>
    %dma_wait3A_148 = tpu.memref_squeeze %dma_wait3A_147 : memref<1x1x112xi32, #tpu.memory_space<vmem>> -> memref<1x112xi32, #tpu.memory_space<vmem>>
    %dma_wait3A_149 = arith.constant 0 : i32
    %dma_wait3A_150 = arith.constant 0 : i32
    %dma_wait3A_151 = tpu.memref_slice %arg3[%mul3A_2, %dma_wait3A_149, %dma_wait3A_150] : memref<2880x1x112xi32, #tpu.memory_space<hbm>> -> memref<1x1x112xi32, #tpu.memory_space<hbm>>
    %dma_wait3A_152 = tpu.memref_squeeze %dma_wait3A_151 : memref<1x1x112xi32, #tpu.memory_space<hbm>> -> memref<1x112xi32, #tpu.memory_space<hbm>>
    tpu.wait_dma2 semaphore(%arg13 : memref<!tpu.dma_semaphore, #tpu.memory_space<semaphore_mem>>) src(%dma_wait3A_152 : memref<1x112xi32, #tpu.memory_space<hbm>>) dst(%dma_wait3A_148 : memref<1x112xi32, #tpu.memory_space<vmem>>)
    %rem3A_153 = arith.constant 0 : i32
    %rem3A_154 = arith.constant 4 : i32
    %rem3A_155 = arith.remsi %rem3A_153, %rem3A_154 : i32
    %rem3A_156 = arith.constant 0 : i32
    %rem3A_157 = arith.constant 3 : i32
    %rem3A_158 = arith.remsi %rem3A_156, %rem3A_157 : i32
    %dma_start3A_159 = arith.constant 0 : i32
    %dma_start3A_160 = arith.constant 0 : i32
    %dma_start3A_161 = arith.constant 0 : i32
    %dma_start3A_162 = tpu.memref_slice %arg9[%rem3A_158, %dma_start3A_160, %dma_start3A_161] : memref<3x112x128xf32, #tpu.memory_space<vmem>> -> memref<1x112x128xf32, #tpu.memory_space<vmem>>
    %dma_start3A_163 = tpu.memref_squeeze %dma_start3A_162 : memref<1x112x128xf32, #tpu.memory_space<vmem>> -> memref<112x128xf32, #tpu.memory_space<vmem>>
    %dma_start3A_164 = arith.constant 0 : i32
    %dma_start3A_165 = tpu.memref_slice %arg7[%rem3A_155, %dma_start3A_159, %dma_start3A_164] : memref<4x1x112xi32, #tpu.memory_space<vmem>> -> memref<1x1x112xi32, #tpu.memory_space<vmem>>
    %dma_start3A_166 = tpu.memref_squeeze %dma_start3A_165 : memref<1x1x112xi32, #tpu.memory_space<vmem>> -> memref<112xi32, #tpu.memory_space<vmem>>
    %dma_start3A_167 = arith.constant 0 : i32
    %dma_start3A_168 = arith.constant 0 : i32
    %dma_start3A_169 = tpu.memref_slice %arg2[%dma_start3A_167, %dma_start3A_168] : memref<10000x128xf32, #tpu.memory_space<hbm>> -> memref<10000x128xf32, #tpu.memory_space<hbm>>
    tpu.enqueue_indirect_dma source(%dma_start3A_169 : memref<10000x128xf32, #tpu.memory_space<hbm>>) target(%dma_start3A_163 : memref<112x128xf32, #tpu.memory_space<vmem>>) offsets(%dma_start3A_166 : memref<112xi32, #tpu.memory_space<vmem>>) semaphore(%arg11 : memref<!tpu.dma_semaphore, #tpu.memory_space<semaphore_mem>>)
    %dma_wait3A_170 = arith.constant 0 : i32
    %dma_wait3A_171 = arith.constant 0 : i32
    %dma_wait3A_172 = arith.constant 0 : i32
    %dma_wait3A_173 = tpu.memref_slice %arg7[%dma_wait3A_170, %dma_wait3A_171, %dma_wait3A_172] : memref<4x1x112xi32, #tpu.memory_space<vmem>> -> memref<1x1x112xi32, #tpu.memory_space<vmem>>
    %dma_wait3A_174 = tpu.memref_squeeze %dma_wait3A_173 : memref<1x1x112xi32, #tpu.memory_space<vmem>> -> memref<1x112xi32, #tpu.memory_space<vmem>>
    %dma_wait3A_175 = arith.constant 0 : i32
    %dma_wait3A_176 = arith.constant 0 : i32
    %dma_wait3A_177 = tpu.memref_slice %arg3[%mul3A_2, %dma_wait3A_175, %dma_wait3A_176] : memref<2880x1x112xi32, #tpu.memory_space<hbm>> -> memref<1x1x112xi32, #tpu.memory_space<hbm>>
    %dma_wait3A_178 = tpu.memref_squeeze %dma_wait3A_177 : memref<1x1x112xi32, #tpu.memory_space<hbm>> -> memref<1x112xi32, #tpu.memory_space<hbm>>
    %dma_wait3A_179 = arith.constant 0 : i32
    %dma_wait3A_180 = arith.constant 0 : i32
    %dma_wait3A_181 = tpu.memref_slice %arg7[%dma_wait3A_170, %dma_wait3A_179, %dma_wait3A_180] : memref<4x1x112xi32, #tpu.memory_space<vmem>> -> memref<1x1x112xi32, #tpu.memory_space<vmem>>
    %dma_wait3A_182 = tpu.memref_squeeze %dma_wait3A_181 : memref<1x1x112xi32, #tpu.memory_space<vmem>> -> memref<1x112xi32, #tpu.memory_space<vmem>>
    %dma_wait3A_183 = arith.constant 0 : i32
    %dma_wait3A_184 = arith.constant 0 : i32
    %dma_wait3A_185 = tpu.memref_slice %arg3[%mul3A_2, %dma_wait3A_183, %dma_wait3A_184] : memref<2880x1x112xi32, #tpu.memory_space<hbm>> -> memref<1x1x112xi32, #tpu.memory_space<hbm>>
    %dma_wait3A_186 = tpu.memref_squeeze %dma_wait3A_185 : memref<1x1x112xi32, #tpu.memory_space<hbm>> -> memref<1x112xi32, #tpu.memory_space<hbm>>
    tpu.wait_dma2 semaphore(%arg13 : memref<!tpu.dma_semaphore, #tpu.memory_space<semaphore_mem>>) src(%dma_wait3A_186 : memref<1x112xi32, #tpu.memory_space<hbm>>) dst(%dma_wait3A_182 : memref<1x112xi32, #tpu.memory_space<vmem>>)
    %dma_wait3A_187 = arith.constant 0 : i32
    %dma_wait3A_188 = arith.constant 0 : i32
    %dma_wait3A_189 = arith.constant 0 : i32
    %dma_wait3A_190 = tpu.memref_slice %arg8[%dma_wait3A_187, %dma_wait3A_188, %dma_wait3A_189] : memref<4x1x112xi32, #tpu.memory_space<vmem>> -> memref<1x1x112xi32, #tpu.memory_space<vmem>>
    %dma_wait3A_191 = tpu.memref_squeeze %dma_wait3A_190 : memref<1x1x112xi32, #tpu.memory_space<vmem>> -> memref<1x112xi32, #tpu.memory_space<vmem>>
    %dma_wait3A_192 = arith.constant 0 : i32
    %dma_wait3A_193 = arith.constant 0 : i32
    %dma_wait3A_194 = tpu.memref_slice %arg3[%mul3A_2, %dma_wait3A_192, %dma_wait3A_193] : memref<2880x1x112xi32, #tpu.memory_space<hbm>> -> memref<1x1x112xi32, #tpu.memory_space<hbm>>
    %dma_wait3A_195 = tpu.memref_squeeze %dma_wait3A_194 : memref<1x1x112xi32, #tpu.memory_space<hbm>> -> memref<1x112xi32, #tpu.memory_space<hbm>>
    %dma_wait3A_196 = arith.constant 0 : i32
    %dma_wait3A_197 = arith.constant 0 : i32
    %dma_wait3A_198 = tpu.memref_slice %arg8[%dma_wait3A_187, %dma_wait3A_196, %dma_wait3A_197] : memref<4x1x112xi32, #tpu.memory_space<vmem>> -> memref<1x1x112xi32, #tpu.memory_space<vmem>>
    %dma_wait3A_199 = tpu.memref_squeeze %dma_wait3A_198 : memref<1x1x112xi32, #tpu.memory_space<vmem>> -> memref<1x112xi32, #tpu.memory_space<vmem>>
    %dma_wait3A_200 = arith.constant 0 : i32
    %dma_wait3A_201 = arith.constant 0 : i32
    %dma_wait3A_202 = tpu.memref_slice %arg3[%mul3A_2, %dma_wait3A_200, %dma_wait3A_201] : memref<2880x1x112xi32, #tpu.memory_space<hbm>> -> memref<1x1x112xi32, #tpu.memory_space<hbm>>
    %dma_wait3A_203 = tpu.memref_squeeze %dma_wait3A_202 : memref<1x1x112xi32, #tpu.memory_space<hbm>> -> memref<1x112xi32, #tpu.memory_space<hbm>>
    tpu.wait_dma2 semaphore(%arg13 : memref<!tpu.dma_semaphore, #tpu.memory_space<semaphore_mem>>) src(%dma_wait3A_203 : memref<1x112xi32, #tpu.memory_space<hbm>>) dst(%dma_wait3A_199 : memref<1x112xi32, #tpu.memory_space<vmem>>)
    %rem3A_204 = arith.constant 1 : i32
    %rem3A_205 = arith.constant 4 : i32
    %rem3A_206 = arith.remsi %rem3A_204, %rem3A_205 : i32
    %rem3A_207 = arith.constant 1 : i32
    %rem3A_208 = arith.constant 3 : i32
    %rem3A_209 = arith.remsi %rem3A_207, %rem3A_208 : i32
    %dma_start3A_210 = arith.constant 0 : i32
    %dma_start3A_211 = arith.constant 0 : i32
    %dma_start3A_212 = arith.constant 0 : i32
    %dma_start3A_213 = tpu.memref_slice %arg9[%rem3A_209, %dma_start3A_211, %dma_start3A_212] : memref<3x112x128xf32, #tpu.memory_space<vmem>> -> memref<1x112x128xf32, #tpu.memory_space<vmem>>
    %dma_start3A_214 = tpu.memref_squeeze %dma_start3A_213 : memref<1x112x128xf32, #tpu.memory_space<vmem>> -> memref<112x128xf32, #tpu.memory_space<vmem>>
    %dma_start3A_215 = arith.constant 0 : i32
    %dma_start3A_216 = tpu.memref_slice %arg7[%rem3A_206, %dma_start3A_210, %dma_start3A_215] : memref<4x1x112xi32, #tpu.memory_space<vmem>> -> memref<1x1x112xi32, #tpu.memory_space<vmem>>
    %dma_start3A_217 = tpu.memref_squeeze %dma_start3A_216 : memref<1x1x112xi32, #tpu.memory_space<vmem>> -> memref<112xi32, #tpu.memory_space<vmem>>
    %dma_start3A_218 = arith.constant 0 : i32
    %dma_start3A_219 = arith.constant 0 : i32
    %dma_start3A_220 = tpu.memref_slice %arg2[%dma_start3A_218, %dma_start3A_219] : memref<10000x128xf32, #tpu.memory_space<hbm>> -> memref<10000x128xf32, #tpu.memory_space<hbm>>
    tpu.enqueue_indirect_dma source(%dma_start3A_220 : memref<10000x128xf32, #tpu.memory_space<hbm>>) target(%dma_start3A_214 : memref<112x128xf32, #tpu.memory_space<vmem>>) offsets(%dma_start3A_217 : memref<112xi32, #tpu.memory_space<vmem>>) semaphore(%arg11 : memref<!tpu.dma_semaphore, #tpu.memory_space<semaphore_mem>>)
    %scan3A = arith.constant 0 : i32
    %scan3A_221 = arith.constant 0 : i32
    %scan3A_222 = arith.constant 90 : i32
    %scan3A_223 = arith.addi %scan3A_221, %scan3A_222 : i32
    %scan3A_224 = arith.constant 1 : i32
    scf.for %scan3A_246 = %scan3A_221 to %scan3A_223 step %scan3A_224  : i32 {
      %dma_wait3A_247 = arith.constant 0 : i32
      %dma_wait3A_248 = arith.constant 0 : i32
      %dma_wait3A_249 = arith.constant 0 : i32
      %dma_wait3A_250 = tpu.memref_slice %arg9[%dma_wait3A_247, %dma_wait3A_248, %dma_wait3A_249] : memref<3x112x128xf32, #tpu.memory_space<vmem>> -> memref<1x112x128xf32, #tpu.memory_space<vmem>>
      %dma_wait3A_251 = tpu.memref_squeeze %dma_wait3A_250 : memref<1x112x128xf32, #tpu.memory_space<vmem>> -> memref<112x128xf32, #tpu.memory_space<vmem>>
      %dma_wait3A_252 = arith.constant 0 : i32
      %dma_wait3A_253 = arith.constant 0 : i32
      %dma_wait3A_254 = tpu.memref_slice %arg2[%dma_wait3A_252, %dma_wait3A_253] : memref<10000x128xf32, #tpu.memory_space<hbm>> -> memref<112x128xf32, #tpu.memory_space<hbm>>
      %dma_wait3A_255 = arith.constant 0 : i32
      %dma_wait3A_256 = arith.constant 0 : i32
      %dma_wait3A_257 = tpu.memref_slice %arg9[%dma_wait3A_247, %dma_wait3A_255, %dma_wait3A_256] : memref<3x112x128xf32, #tpu.memory_space<vmem>> -> memref<1x112x128xf32, #tpu.memory_space<vmem>>
      %dma_wait3A_258 = tpu.memref_squeeze %dma_wait3A_257 : memref<1x112x128xf32, #tpu.memory_space<vmem>> -> memref<112x128xf32, #tpu.memory_space<vmem>>
      %dma_wait3A_259 = arith.constant 0 : i32
      %dma_wait3A_260 = arith.constant 0 : i32
      %dma_wait3A_261 = tpu.memref_slice %arg2[%dma_wait3A_259, %dma_wait3A_260] : memref<10000x128xf32, #tpu.memory_space<hbm>> -> memref<112x128xf32, #tpu.memory_space<hbm>>
      tpu.wait_dma2 semaphore(%arg11 : memref<!tpu.dma_semaphore, #tpu.memory_space<semaphore_mem>>) src(%dma_wait3A_261 : memref<112x128xf32, #tpu.memory_space<hbm>>) dst(%dma_wait3A_258 : memref<112x128xf32, #tpu.memory_space<vmem>>)
      %rem3A_262 = arith.constant 3 : i32
      %rem3A_263 = arith.remsi %scan3A_246, %rem3A_262 : i32
      %rem3A_264 = arith.constant 4 : i32
      %rem3A_265 = arith.remsi %scan3A_246, %rem3A_264 : i32
      %dma_start3A_266 = arith.constant 0 : i32
      %dma_start3A_267 = arith.constant 0 : i32
      %dma_start3A_268 = arith.constant 0 : i32
      %dma_start3A_269 = tpu.memref_slice %arg9[%rem3A_263, %dma_start3A_267, %dma_start3A_268] : memref<3x112x128xf32, #tpu.memory_space<vmem>> -> memref<1x112x128xf32, #tpu.memory_space<vmem>>
      %dma_start3A_270 = tpu.memref_squeeze %dma_start3A_269 : memref<1x112x128xf32, #tpu.memory_space<vmem>> -> memref<112x128xf32, #tpu.memory_space<vmem>>
      %dma_start3A_271 = arith.constant 0 : i32
      %dma_start3A_272 = tpu.memref_slice %arg8[%rem3A_265, %dma_start3A_266, %dma_start3A_271] : memref<4x1x112xi32, #tpu.memory_space<vmem>> -> memref<1x1x112xi32, #tpu.memory_space<vmem>>
      %dma_start3A_273 = tpu.memref_squeeze %dma_start3A_272 : memref<1x1x112xi32, #tpu.memory_space<vmem>> -> memref<112xi32, #tpu.memory_space<vmem>>
      %dma_start3A_274 = arith.constant 0 : i32
      %dma_start3A_275 = arith.constant 0 : i32
      %dma_start3A_276 = tpu.memref_slice %arg10[%dma_start3A_274, %dma_start3A_275] : memref<10112x128xf32, #tpu.memory_space<vmem_shared>> -> memref<10112x128xf32, #tpu.memory_space<vmem_shared>>
      tpu.enqueue_indirect_dma source(%dma_start3A_270 : memref<112x128xf32, #tpu.memory_space<vmem>>) target(%dma_start3A_276 : memref<10112x128xf32, #tpu.memory_space<vmem_shared>>) offsets(%dma_start3A_273 : memref<112xi32, #tpu.memory_space<vmem>>) semaphore(%arg12 : memref<!tpu.dma_semaphore, #tpu.memory_space<semaphore_mem>>) {add = true}
      %ge3A = arith.constant 1 : i32
      %ge3A_277 = arith.cmpi sge, %scan3A_246, %ge3A : i32
      %convert_element_type3A = arith.extui %ge3A_277 : i1 to i32
      %cond3A = arith.constant 0 : i32
      %cond3A_278 = arith.cmpi ne, %convert_element_type3A, %cond3A : i32
      scf.if %cond3A_278 {
        %dma_wait3A_292 = arith.constant 0 : i32
        %dma_wait3A_293 = arith.constant 0 : i32
        %dma_wait3A_294 = arith.constant 0 : i32
        %dma_wait3A_295 = tpu.memref_slice %arg9[%dma_wait3A_292, %dma_wait3A_293, %dma_wait3A_294] : memref<3x112x128xf32, #tpu.memory_space<vmem>> -> memref<1x112x128xf32, #tpu.memory_space<vmem>>
        %dma_wait3A_296 = tpu.memref_squeeze %dma_wait3A_295 : memref<1x112x128xf32, #tpu.memory_space<vmem>> -> memref<112x128xf32, #tpu.memory_space<vmem>>
        %dma_wait3A_297 = arith.constant 0 : i32
        %dma_wait3A_298 = arith.constant 0 : i32
        %dma_wait3A_299 = tpu.memref_slice %arg2[%dma_wait3A_297, %dma_wait3A_298] : memref<10000x128xf32, #tpu.memory_space<hbm>> -> memref<112x128xf32, #tpu.memory_space<hbm>>
        %dma_wait3A_300 = arith.constant 0 : i32
        %dma_wait3A_301 = arith.constant 0 : i32
        %dma_wait3A_302 = tpu.memref_slice %arg9[%dma_wait3A_292, %dma_wait3A_300, %dma_wait3A_301] : memref<3x112x128xf32, #tpu.memory_space<vmem>> -> memref<1x112x128xf32, #tpu.memory_space<vmem>>
        %dma_wait3A_303 = tpu.memref_squeeze %dma_wait3A_302 : memref<1x112x128xf32, #tpu.memory_space<vmem>> -> memref<112x128xf32, #tpu.memory_space<vmem>>
        %dma_wait3A_304 = arith.constant 0 : i32
        %dma_wait3A_305 = arith.constant 0 : i32
        %dma_wait3A_306 = tpu.memref_slice %arg2[%dma_wait3A_304, %dma_wait3A_305] : memref<10000x128xf32, #tpu.memory_space<hbm>> -> memref<112x128xf32, #tpu.memory_space<hbm>>
        tpu.wait_dma2 semaphore(%arg12 : memref<!tpu.dma_semaphore, #tpu.memory_space<semaphore_mem>>) src(%dma_wait3A_306 : memref<112x128xf32, #tpu.memory_space<hbm>>) dst(%dma_wait3A_303 : memref<112x128xf32, #tpu.memory_space<vmem>>)
      } else {
      }
      %add3A_279 = arith.constant 3 : i32
      %add3A_280 = arith.addi %scan3A_246, %add3A_279 : i32
      %lt3A = arith.constant 90 : i32
      %lt3A_281 = arith.cmpi slt, %add3A_280, %lt3A : i32
      %convert_element_type3A_282 = arith.extui %lt3A_281 : i1 to i32
      %cond3A_283 = arith.constant 0 : i32
      %cond3A_284 = arith.cmpi ne, %convert_element_type3A_282, %cond3A_283 : i32
      scf.if %cond3A_284 {
        %add3A_292 = arith.constant 3 : i32
        %add3A_293 = arith.addi %scan3A_246, %add3A_292 : i32
        %rem3A_294 = arith.constant 4 : i32
        %rem3A_295 = arith.remsi %add3A_293, %rem3A_294 : i32
        %add3A_296 = arith.addi %mul3A_2, %add3A_293 : i32
        %dma_start3A_297 = arith.constant 0 : i32
        %dma_start3A_298 = arith.constant 0 : i32
        %dma_start3A_299 = tpu.memref_slice %arg7[%rem3A_295, %dma_start3A_297, %dma_start3A_298] : memref<4x1x112xi32, #tpu.memory_space<vmem>> -> memref<1x1x112xi32, #tpu.memory_space<vmem>>
        %dma_start3A_300 = tpu.memref_squeeze %dma_start3A_299 : memref<1x1x112xi32, #tpu.memory_space<vmem>> -> memref<1x112xi32, #tpu.memory_space<vmem>>
        %dma_start3A_301 = arith.constant 0 : i32
        %dma_start3A_302 = arith.constant 0 : i32
        %dma_start3A_303 = tpu.memref_slice %arg3[%add3A_296, %dma_start3A_301, %dma_start3A_302] : memref<2880x1x112xi32, #tpu.memory_space<hbm>> -> memref<1x1x112xi32, #tpu.memory_space<hbm>>
        %dma_start3A_304 = tpu.memref_squeeze %dma_start3A_303 : memref<1x1x112xi32, #tpu.memory_space<hbm>> -> memref<1x112xi32, #tpu.memory_space<hbm>>
        %dma_start3A_305 = arith.constant 0 : i32
        %dma_start3A_306 = arith.constant 0 : i32
        %dma_start3A_307 = tpu.memref_slice %arg7[%rem3A_295, %dma_start3A_305, %dma_start3A_306] : memref<4x1x112xi32, #tpu.memory_space<vmem>> -> memref<1x1x112xi32, #tpu.memory_space<vmem>>
        %dma_start3A_308 = tpu.memref_squeeze %dma_start3A_307 : memref<1x1x112xi32, #tpu.memory_space<vmem>> -> memref<1x112xi32, #tpu.memory_space<vmem>>
        %dma_start3A_309 = arith.constant 0 : i32
        %dma_start3A_310 = arith.constant 0 : i32
        %dma_start3A_311 = tpu.memref_slice %arg3[%add3A_296, %dma_start3A_309, %dma_start3A_310] : memref<2880x1x112xi32, #tpu.memory_space<hbm>> -> memref<1x1x112xi32, #tpu.memory_space<hbm>>
        %dma_start3A_312 = tpu.memref_squeeze %dma_start3A_311 : memref<1x1x112xi32, #tpu.memory_space<hbm>> -> memref<1x112xi32, #tpu.memory_space<hbm>>
        tpu.enqueue_dma source(%dma_start3A_312 : memref<1x112xi32, #tpu.memory_space<hbm>>) target(%dma_start3A_308 : memref<1x112xi32, #tpu.memory_space<vmem>>) target_semaphore(%arg13 : memref<!tpu.dma_semaphore, #tpu.memory_space<semaphore_mem>>)
        %add3A_313 = arith.addi %mul3A_2, %add3A_293 : i32
        %dma_start3A_314 = arith.constant 0 : i32
        %dma_start3A_315 = arith.constant 0 : i32
        %dma_start3A_316 = tpu.memref_slice %arg8[%rem3A_295, %dma_start3A_314, %dma_start3A_315] : memref<4x1x112xi32, #tpu.memory_space<vmem>> -> memref<1x1x112xi32, #tpu.memory_space<vmem>>
        %dma_start3A_317 = tpu.memref_squeeze %dma_start3A_316 : memref<1x1x112xi32, #tpu.memory_space<vmem>> -> memref<1x112xi32, #tpu.memory_space<vmem>>
        %dma_start3A_318 = arith.constant 0 : i32
        %dma_start3A_319 = arith.constant 0 : i32
        %dma_start3A_320 = tpu.memref_slice %arg4[%add3A_313, %dma_start3A_318, %dma_start3A_319] : memref<2880x1x112xi32, #tpu.memory_space<hbm>> -> memref<1x1x112xi32, #tpu.memory_space<hbm>>
        %dma_start3A_321 = tpu.memref_squeeze %dma_start3A_320 : memref<1x1x112xi32, #tpu.memory_space<hbm>> -> memref<1x112xi32, #tpu.memory_space<hbm>>
        %dma_start3A_322 = arith.constant 0 : i32
        %dma_start3A_323 = arith.constant 0 : i32
        %dma_start3A_324 = tpu.memref_slice %arg8[%rem3A_295, %dma_start3A_322, %dma_start3A_323] : memref<4x1x112xi32, #tpu.memory_space<vmem>> -> memref<1x1x112xi32, #tpu.memory_space<vmem>>
        %dma_start3A_325 = tpu.memref_squeeze %dma_start3A_324 : memref<1x1x112xi32, #tpu.memory_space<vmem>> -> memref<1x112xi32, #tpu.memory_space<vmem>>
        %dma_start3A_326 = arith.constant 0 : i32
        %dma_start3A_327 = arith.constant 0 : i32
        %dma_start3A_328 = tpu.memref_slice %arg4[%add3A_313, %dma_start3A_326, %dma_start3A_327] : memref<2880x1x112xi32, #tpu.memory_space<hbm>> -> memref<1x1x112xi32, #tpu.memory_space<hbm>>
        %dma_start3A_329 = tpu.memref_squeeze %dma_start3A_328 : memref<1x1x112xi32, #tpu.memory_space<hbm>> -> memref<1x112xi32, #tpu.memory_space<hbm>>
        tpu.enqueue_dma source(%dma_start3A_329 : memref<1x112xi32, #tpu.memory_space<hbm>>) target(%dma_start3A_325 : memref<1x112xi32, #tpu.memory_space<vmem>>) target_semaphore(%arg13 : memref<!tpu.dma_semaphore, #tpu.memory_space<semaphore_mem>>)
      } else {
      }
      %add3A_285 = arith.constant 2 : i32
      %add3A_286 = arith.addi %scan3A_246, %add3A_285 : i32
      %lt3A_287 = arith.constant 90 : i32
      %lt3A_288 = arith.cmpi slt, %add3A_286, %lt3A_287 : i32
      %convert_element_type3A_289 = arith.extui %lt3A_288 : i1 to i32
      %cond3A_290 = arith.constant 0 : i32
      %cond3A_291 = arith.cmpi ne, %convert_element_type3A_289, %cond3A_290 : i32
      scf.if %cond3A_291 {
        %dma_wait3A_292 = arith.constant 0 : i32
        %dma_wait3A_293 = arith.constant 0 : i32
        %dma_wait3A_294 = arith.constant 0 : i32
        %dma_wait3A_295 = tpu.memref_slice %arg7[%dma_wait3A_292, %dma_wait3A_293, %dma_wait3A_294] : memref<4x1x112xi32, #tpu.memory_space<vmem>> -> memref<1x1x112xi32, #tpu.memory_space<vmem>>
        %dma_wait3A_296 = tpu.memref_squeeze %dma_wait3A_295 : memref<1x1x112xi32, #tpu.memory_space<vmem>> -> memref<1x112xi32, #tpu.memory_space<vmem>>
        %dma_wait3A_297 = arith.constant 0 : i32
        %dma_wait3A_298 = arith.constant 0 : i32
        %dma_wait3A_299 = tpu.memref_slice %arg3[%mul3A_2, %dma_wait3A_297, %dma_wait3A_298] : memref<2880x1x112xi32, #tpu.memory_space<hbm>> -> memref<1x1x112xi32, #tpu.memory_space<hbm>>
        %dma_wait3A_300 = tpu.memref_squeeze %dma_wait3A_299 : memref<1x1x112xi32, #tpu.memory_space<hbm>> -> memref<1x112xi32, #tpu.memory_space<hbm>>
        %dma_wait3A_301 = arith.constant 0 : i32
        %dma_wait3A_302 = arith.constant 0 : i32
        %dma_wait3A_303 = tpu.memref_slice %arg7[%dma_wait3A_292, %dma_wait3A_301, %dma_wait3A_302] : memref<4x1x112xi32, #tpu.memory_space<vmem>> -> memref<1x1x112xi32, #tpu.memory_space<vmem>>
        %dma_wait3A_304 = tpu.memref_squeeze %dma_wait3A_303 : memref<1x1x112xi32, #tpu.memory_space<vmem>> -> memref<1x112xi32, #tpu.memory_space<vmem>>
        %dma_wait3A_305 = arith.constant 0 : i32
        %dma_wait3A_306 = arith.constant 0 : i32
        %dma_wait3A_307 = tpu.memref_slice %arg3[%mul3A_2, %dma_wait3A_305, %dma_wait3A_306] : memref<2880x1x112xi32, #tpu.memory_space<hbm>> -> memref<1x1x112xi32, #tpu.memory_space<hbm>>
        %dma_wait3A_308 = tpu.memref_squeeze %dma_wait3A_307 : memref<1x1x112xi32, #tpu.memory_space<hbm>> -> memref<1x112xi32, #tpu.memory_space<hbm>>
        tpu.wait_dma2 semaphore(%arg13 : memref<!tpu.dma_semaphore, #tpu.memory_space<semaphore_mem>>) src(%dma_wait3A_308 : memref<1x112xi32, #tpu.memory_space<hbm>>) dst(%dma_wait3A_304 : memref<1x112xi32, #tpu.memory_space<vmem>>)
        %dma_wait3A_309 = arith.constant 0 : i32
        %dma_wait3A_310 = arith.constant 0 : i32
        %dma_wait3A_311 = arith.constant 0 : i32
        %dma_wait3A_312 = tpu.memref_slice %arg8[%dma_wait3A_309, %dma_wait3A_310, %dma_wait3A_311] : memref<4x1x112xi32, #tpu.memory_space<vmem>> -> memref<1x1x112xi32, #tpu.memory_space<vmem>>
        %dma_wait3A_313 = tpu.memref_squeeze %dma_wait3A_312 : memref<1x1x112xi32, #tpu.memory_space<vmem>> -> memref<1x112xi32, #tpu.memory_space<vmem>>
        %dma_wait3A_314 = arith.constant 0 : i32
        %dma_wait3A_315 = arith.constant 0 : i32
        %dma_wait3A_316 = tpu.memref_slice %arg3[%mul3A_2, %dma_wait3A_314, %dma_wait3A_315] : memref<2880x1x112xi32, #tpu.memory_space<hbm>> -> memref<1x1x112xi32, #tpu.memory_space<hbm>>
        %dma_wait3A_317 = tpu.memref_squeeze %dma_wait3A_316 : memref<1x1x112xi32, #tpu.memory_space<hbm>> -> memref<1x112xi32, #tpu.memory_space<hbm>>
        %dma_wait3A_318 = arith.constant 0 : i32
        %dma_wait3A_319 = arith.constant 0 : i32
        %dma_wait3A_320 = tpu.memref_slice %arg8[%dma_wait3A_309, %dma_wait3A_318, %dma_wait3A_319] : memref<4x1x112xi32, #tpu.memory_space<vmem>> -> memref<1x1x112xi32, #tpu.memory_space<vmem>>
        %dma_wait3A_321 = tpu.memref_squeeze %dma_wait3A_320 : memref<1x1x112xi32, #tpu.memory_space<vmem>> -> memref<1x112xi32, #tpu.memory_space<vmem>>
        %dma_wait3A_322 = arith.constant 0 : i32
        %dma_wait3A_323 = arith.constant 0 : i32
        %dma_wait3A_324 = tpu.memref_slice %arg3[%mul3A_2, %dma_wait3A_322, %dma_wait3A_323] : memref<2880x1x112xi32, #tpu.memory_space<hbm>> -> memref<1x1x112xi32, #tpu.memory_space<hbm>>
        %dma_wait3A_325 = tpu.memref_squeeze %dma_wait3A_324 : memref<1x1x112xi32, #tpu.memory_space<hbm>> -> memref<1x112xi32, #tpu.memory_space<hbm>>
        tpu.wait_dma2 semaphore(%arg13 : memref<!tpu.dma_semaphore, #tpu.memory_space<semaphore_mem>>) src(%dma_wait3A_325 : memref<1x112xi32, #tpu.memory_space<hbm>>) dst(%dma_wait3A_321 : memref<1x112xi32, #tpu.memory_space<vmem>>)
        %add3A_326 = arith.constant 2 : i32
        %add3A_327 = arith.addi %scan3A_246, %add3A_326 : i32
        %rem3A_328 = arith.constant 4 : i32
        %rem3A_329 = arith.remsi %add3A_327, %rem3A_328 : i32
        %rem3A_330 = arith.constant 3 : i32
        %rem3A_331 = arith.remsi %add3A_327, %rem3A_330 : i32
        %dma_start3A_332 = arith.constant 0 : i32
        %dma_start3A_333 = arith.constant 0 : i32
        %dma_start3A_334 = arith.constant 0 : i32
        %dma_start3A_335 = tpu.memref_slice %arg9[%rem3A_331, %dma_start3A_333, %dma_start3A_334] : memref<3x112x128xf32, #tpu.memory_space<vmem>> -> memref<1x112x128xf32, #tpu.memory_space<vmem>>
        %dma_start3A_336 = tpu.memref_squeeze %dma_start3A_335 : memref<1x112x128xf32, #tpu.memory_space<vmem>> -> memref<112x128xf32, #tpu.memory_space<vmem>>
        %dma_start3A_337 = arith.constant 0 : i32
        %dma_start3A_338 = tpu.memref_slice %arg7[%rem3A_329, %dma_start3A_332, %dma_start3A_337] : memref<4x1x112xi32, #tpu.memory_space<vmem>> -> memref<1x1x112xi32, #tpu.memory_space<vmem>>
        %dma_start3A_339 = tpu.memref_squeeze %dma_start3A_338 : memref<1x1x112xi32, #tpu.memory_space<vmem>> -> memref<112xi32, #tpu.memory_space<vmem>>
        %dma_start3A_340 = arith.constant 0 : i32
        %dma_start3A_341 = arith.constant 0 : i32
        %dma_start3A_342 = tpu.memref_slice %arg2[%dma_start3A_340, %dma_start3A_341] : memref<10000x128xf32, #tpu.memory_space<hbm>> -> memref<10000x128xf32, #tpu.memory_space<hbm>>
        tpu.enqueue_indirect_dma source(%dma_start3A_342 : memref<10000x128xf32, #tpu.memory_space<hbm>>) target(%dma_start3A_336 : memref<112x128xf32, #tpu.memory_space<vmem>>) offsets(%dma_start3A_339 : memref<112xi32, #tpu.memory_space<vmem>>) semaphore(%arg11 : memref<!tpu.dma_semaphore, #tpu.memory_space<semaphore_mem>>)
      } else {
      }
    }
    %scan3A_225 = arith.constant 90 : i32
    %dma_wait3A_226 = arith.constant 0 : i32
    %dma_wait3A_227 = arith.constant 0 : i32
    %dma_wait3A_228 = arith.constant 0 : i32
    %dma_wait3A_229 = tpu.memref_slice %arg9[%dma_wait3A_226, %dma_wait3A_227, %dma_wait3A_228] : memref<3x112x128xf32, #tpu.memory_space<vmem>> -> memref<1x112x128xf32, #tpu.memory_space<vmem>>
    %dma_wait3A_230 = tpu.memref_squeeze %dma_wait3A_229 : memref<1x112x128xf32, #tpu.memory_space<vmem>> -> memref<112x128xf32, #tpu.memory_space<vmem>>
    %dma_wait3A_231 = arith.constant 0 : i32
    %dma_wait3A_232 = arith.constant 0 : i32
    %dma_wait3A_233 = tpu.memref_slice %arg2[%dma_wait3A_231, %dma_wait3A_232] : memref<10000x128xf32, #tpu.memory_space<hbm>> -> memref<112x128xf32, #tpu.memory_space<hbm>>
    %dma_wait3A_234 = arith.constant 0 : i32
    %dma_wait3A_235 = arith.constant 0 : i32
    %dma_wait3A_236 = tpu.memref_slice %arg9[%dma_wait3A_226, %dma_wait3A_234, %dma_wait3A_235] : memref<3x112x128xf32, #tpu.memory_space<vmem>> -> memref<1x112x128xf32, #tpu.memory_space<vmem>>
    %dma_wait3A_237 = tpu.memref_squeeze %dma_wait3A_236 : memref<1x112x128xf32, #tpu.memory_space<vmem>> -> memref<112x128xf32, #tpu.memory_space<vmem>>
    %dma_wait3A_238 = arith.constant 0 : i32
    %dma_wait3A_239 = arith.constant 0 : i32
    %dma_wait3A_240 = tpu.memref_slice %arg2[%dma_wait3A_238, %dma_wait3A_239] : memref<10000x128xf32, #tpu.memory_space<hbm>> -> memref<112x128xf32, #tpu.memory_space<hbm>>
    tpu.wait_dma2 semaphore(%arg12 : memref<!tpu.dma_semaphore, #tpu.memory_space<semaphore_mem>>) src(%dma_wait3A_240 : memref<112x128xf32, #tpu.memory_space<hbm>>) dst(%dma_wait3A_237 : memref<112x128xf32, #tpu.memory_space<vmem>>)
    %barrier3A_241 = arith.constant 0 : index
    tpu.barrier barrier_id(%barrier3A_241)
    %mul3A_242 = arith.constant 632 : i32
    %mul3A_243 = arith.muli %arg1, %mul3A_242 : i32
    %mul3A_244 = arith.constant 632 : i32
    %mul3A_245 = arith.muli %arg1, %mul3A_244 : i32
    "tpu.region"() ({
      %run_scoped3A = tpu.sem_alloc : memref<!tpu.dma_semaphore, #tpu.memory_space<semaphore_mem>>
      %dma_start3A_246 = arith.constant 0 : i32
      %dma_start3A_247 = tpu.memref_slice %arg6[%arg0, %mul3A_245, %dma_start3A_246] : memref<2x10112x128xf32, #tpu.memory_space<hbm>> -> memref<1x632x128xf32, #tpu.memory_space<hbm>>
      %dma_start3A_248 = tpu.memref_squeeze %dma_start3A_247 : memref<1x632x128xf32, #tpu.memory_space<hbm>> -> memref<632x128xf32, #tpu.memory_space<hbm>>
      %dma_start3A_249 = arith.constant 0 : i32
      %dma_start3A_250 = tpu.memref_slice %arg10[%mul3A_243, %dma_start3A_249] : memref<10112x128xf32, #tpu.memory_space<vmem_shared>> -> memref<632x128xf32, #tpu.memory_space<vmem_shared>>
      tpu.enqueue_dma source(%dma_start3A_250 : memref<632x128xf32, #tpu.memory_space<vmem_shared>>) target(%dma_start3A_248 : memref<632x128xf32, #tpu.memory_space<hbm>>) target_semaphore(%run_scoped3A : memref<!tpu.dma_semaphore, #tpu.memory_space<semaphore_mem>>)
      %dma_wait3A_251 = arith.constant 0 : i32
      %dma_wait3A_252 = tpu.memref_slice %arg6[%arg0, %mul3A_245, %dma_wait3A_251] : memref<2x10112x128xf32, #tpu.memory_space<hbm>> -> memref<1x632x128xf32, #tpu.memory_space<hbm>>
      %dma_wait3A_253 = tpu.memref_squeeze %dma_wait3A_252 : memref<1x632x128xf32, #tpu.memory_space<hbm>> -> memref<632x128xf32, #tpu.memory_space<hbm>>
      %dma_wait3A_254 = arith.constant 0 : i32
      %dma_wait3A_255 = tpu.memref_slice %arg10[%mul3A_243, %dma_wait3A_254] : memref<10112x128xf32, #tpu.memory_space<vmem_shared>> -> memref<632x128xf32, #tpu.memory_space<vmem_shared>>
      tpu.wait_dma2 semaphore(%run_scoped3A : memref<!tpu.dma_semaphore, #tpu.memory_space<semaphore_mem>>) src(%dma_wait3A_255 : memref<632x128xf32, #tpu.memory_space<vmem_shared>>) dst(%dma_wait3A_253 : memref<632x128xf32, #tpu.memory_space<hbm>>)
      tpu.yield
    }) : () -> ()
    return
  }
}

module attributes {stable_mosaic.version = 14 : i64} {
  func.func @_mm_body(%arg0: i32, %arg1: memref<1000x128xf32, #tpu.memory_space<vmem>>, %arg2: memref<128x128xf32, #tpu.memory_space<vmem>>, %arg3: memref<1x128xf32, #tpu.memory_space<vmem>>, %arg4: memref<1000x128xf32, #tpu.memory_space<vmem>>) attributes {dimension_semantics = [#tpu.dimension_semantics<arbitrary>], iteration_bounds = array<i64: 10>, scalar_prefetch = 0 : i64, scratch_operands = 0 : i64, tpu.core_type = #tpu.core_type<tc>, window_params = [{transform_indices = @transform_0, window_bounds = array<i64: 1000, 128>}, {pipeline_mode = #tpu.pipeline_mode<synchronous>, transform_indices = @transform_1, window_bounds = array<i64: 128, 128>}, {pipeline_mode = #tpu.pipeline_mode<synchronous>, transform_indices = @transform_2, window_bounds = array<i64: 1, 128>}, {transform_indices = @transform_3, window_bounds = array<i64: 1000, 128>}]} {
    %get3A = arith.constant 0 : index
    %get3A_0 = arith.constant 0 : index
    %get3A_1 = vector.load %arg1[%get3A, %get3A_0] : memref<1000x128xf32, #tpu.memory_space<vmem>>, vector<1000x128xf32>
    %get3A_2 = arith.constant 0 : index
    %get3A_3 = arith.constant 0 : index
    %get3A_4 = vector.load %arg2[%get3A_2, %get3A_3] : memref<128x128xf32, #tpu.memory_space<vmem>>, vector<128x128xf32>
    %dot_general3A = arith.constant dense<0.000000e+00> : vector<1000x128xf32>
    %dot_general3A_5 = tpu.matmul %get3A_1, %get3A_4, %dot_general3A {dimension_numbers = #tpu.dot_dimension_numbers<[1], [0], [0], [1], [0, 0, 1, 1], [], []>, precision = #tpu.contract_precision<fp32>, transpose_lhs_hint = false} : vector<1000x128xf32>, vector<128x128xf32>, vector<1000x128xf32> -> vector<1000x128xf32>
    %get3A_6 = arith.constant 0 : index
    %get3A_7 = arith.constant 0 : index
    %get3A_8 = vector.load %arg3[%get3A_6, %get3A_7] : memref<1x128xf32, #tpu.memory_space<vmem>>, vector<1x128xf32>
    %add3A = vector.broadcast %get3A_8 : vector<1x128xf32> to vector<1000x128xf32>
    %add3A_9 = arith.addf %dot_general3A_5, %add3A : vector<1000x128xf32>
    %swap3A = arith.constant 0 : index
    %swap3A_10 = arith.constant 0 : index
    %swap3A_11 = vector.load %arg4[%swap3A, %swap3A_10] : memref<1000x128xf32, #tpu.memory_space<vmem>>, vector<1000x128xf32>
    tpu.vector_store %arg4[%swap3A, %swap3A_10], %add3A_9 {strides = array<i32>} : memref<1000x128xf32, #tpu.memory_space<vmem>>, vector<1000x128xf32>,
    return
  }
  func.func @transform_0(%arg0: i32) -> (i32, i32) {
    %c0_i32 = arith.constant 0 : i32
    %c0_i32_0 = arith.constant 0 : i32
    return %arg0, %c0_i32 : i32, i32
  }
  func.func @transform_1(%arg0: i32) -> (i32, i32) {
    %c0_i32 = arith.constant 0 : i32
    %c0_i32_0 = arith.constant 0 : i32
    %c0_i32_1 = arith.constant 0 : i32
    return %c0_i32, %c0_i32_0 : i32, i32
  }
  func.func @transform_2(%arg0: i32) -> (i32, i32) {
    %c0_i32 = arith.constant 0 : i32
    %c0_i32_0 = arith.constant 0 : i32
    %c0_i32_1 = arith.constant 0 : i32
    return %c0_i32, %c0_i32_0 : i32, i32
  }
  func.func @transform_3(%arg0: i32) -> (i32, i32) {
    %c0_i32 = arith.constant 0 : i32
    %c0_i32_0 = arith.constant 0 : i32
    return %arg0, %c0_i32 : i32, i32
  }
}

module attributes {stable_mosaic.version = 14 : i64} {
  func.func @_tk1_body(%arg0: i32, %arg1: memref<1000x128xf32, #tpu.memory_space<vmem>>, %arg2: memref<2x1000x128xf32, #tpu.memory_space<vmem>>, %arg3: memref<1x128xf32, #tpu.memory_space<vmem>>, %arg4: memref<1000x128xf32, #tpu.memory_space<vmem>>, %arg5: memref<1000x128xf32, #tpu.memory_space<vmem>>) attributes {dimension_semantics = [#tpu.dimension_semantics<arbitrary>], iteration_bounds = array<i64: 10>, scalar_prefetch = 0 : i64, scratch_operands = 0 : i64, tpu.core_type = #tpu.core_type<tc>, window_params = [{transform_indices = @transform_0, window_bounds = array<i64: 1000, 128>}, {transform_indices = @transform_1, window_bounds = array<i64: 2, 1000, 128>}, {pipeline_mode = #tpu.pipeline_mode<synchronous>, transform_indices = @transform_2, window_bounds = array<i64: 1, 128>}, {transform_indices = @transform_3, window_bounds = array<i64: 1000, 128>}, {transform_indices = @transform_4, window_bounds = array<i64: 1000, 128>}]} {
    %get3A = arith.constant 0 : index
    %get3A_0 = arith.constant 0 : index
    %get3A_1 = arith.constant 0 : index
    %get3A_2 = vector.load %arg2[%get3A, %get3A_0, %get3A_1] : memref<2x1000x128xf32, #tpu.memory_space<vmem>>, vector<1x1000x1xf32>
    %get3A_3 = vector.shape_cast %get3A_2 : vector<1x1000x1xf32> to vector<1000x1xf32>
    %get3A_4 = arith.constant 1 : index
    %get3A_5 = arith.constant 0 : index
    %get3A_6 = arith.constant 0 : index
    %get3A_7 = vector.load %arg2[%get3A_4, %get3A_5, %get3A_6] : memref<2x1000x128xf32, #tpu.memory_space<vmem>>, vector<1x1000x1xf32>
    %get3A_8 = vector.shape_cast %get3A_7 : vector<1x1000x1xf32> to vector<1000x1xf32>
    %add3A = arith.addf %get3A_3, %get3A_8 : vector<1000x1xf32>
    %add3A_9 = arith.constant 1.000000e+00 : f32
    %add3A_10 = vector.broadcast %add3A_9 : f32 to vector<1000x1xf32>
    %add3A_11 = arith.addf %add3A, %add3A_10 : vector<1000x1xf32>
    %max3A = arith.constant 1.000000e+00 : f32
    %max3A_12 = vector.broadcast %max3A : f32 to vector<1000x1xf32>
    %max3A_13 = arith.maximumf %add3A_11, %max3A_12 : vector<1000x1xf32>
    %rsqrt3A = math.rsqrt %max3A_13 : vector<1000x1xf32>
    %get3A_14 = arith.constant 0 : index
    %get3A_15 = arith.constant 0 : index
    %get3A_16 = vector.load %arg1[%get3A_14, %get3A_15] : memref<1000x128xf32, #tpu.memory_space<vmem>>, vector<1000x128xf32>
    %mul3A = vector.broadcast %rsqrt3A : vector<1000x1xf32> to vector<1000x128xf32>
    %mul3A_17 = arith.mulf %mul3A, %get3A_16 : vector<1000x128xf32>
    %swap3A = arith.constant 0 : index
    %swap3A_18 = arith.constant 0 : index
    %swap3A_19 = vector.load %arg4[%swap3A, %swap3A_18] : memref<1000x128xf32, #tpu.memory_space<vmem>>, vector<1000x128xf32>
    tpu.vector_store %arg4[%swap3A, %swap3A_18], %mul3A_17 {strides = array<i32>} : memref<1000x128xf32, #tpu.memory_space<vmem>>, vector<1000x128xf32>,
    %mul3A_20 = arith.mulf %rsqrt3A, %rsqrt3A : vector<1000x1xf32>
    %mul3A_21 = vector.broadcast %mul3A_20 : vector<1000x1xf32> to vector<1000x128xf32>
    %mul3A_22 = arith.mulf %mul3A_21, %get3A_16 : vector<1000x128xf32>
    %get3A_23 = arith.constant 0 : index
    %get3A_24 = arith.constant 0 : index
    %get3A_25 = vector.load %arg3[%get3A_23, %get3A_24] : memref<1x128xf32, #tpu.memory_space<vmem>>, vector<1x128xf32>
    %add3A_26 = vector.broadcast %get3A_25 : vector<1x128xf32> to vector<1000x128xf32>
    %add3A_27 = arith.addf %mul3A_22, %add3A_26 : vector<1000x128xf32>
    %swap3A_28 = arith.constant 0 : index
    %swap3A_29 = arith.constant 0 : index
    %swap3A_30 = vector.load %arg5[%swap3A_28, %swap3A_29] : memref<1000x128xf32, #tpu.memory_space<vmem>>, vector<1000x128xf32>
    tpu.vector_store %arg5[%swap3A_28, %swap3A_29], %add3A_27 {strides = array<i32>} : memref<1000x128xf32, #tpu.memory_space<vmem>>, vector<1000x128xf32>,
    return
  }
  func.func @transform_0(%arg0: i32) -> (i32, i32) {
    %c0_i32 = arith.constant 0 : i32
    %c0_i32_0 = arith.constant 0 : i32
    return %arg0, %c0_i32 : i32, i32
  }
  func.func @transform_1(%arg0: i32) -> (i32, i32, i32) {
    %c0_i32 = arith.constant 0 : i32
    %c0_i32_0 = arith.constant 0 : i32
    %c0_i32_1 = arith.constant 0 : i32
    return %c0_i32, %arg0, %c0_i32_0 : i32, i32, i32
  }
  func.func @transform_2(%arg0: i32) -> (i32, i32) {
    %c0_i32 = arith.constant 0 : i32
    %c0_i32_0 = arith.constant 0 : i32
    %c0_i32_1 = arith.constant 0 : i32
    return %c0_i32, %c0_i32_0 : i32, i32
  }
  func.func @transform_3(%arg0: i32) -> (i32, i32) {
    %c0_i32 = arith.constant 0 : i32
    %c0_i32_0 = arith.constant 0 : i32
    return %arg0, %c0_i32 : i32, i32
  }
  func.func @transform_4(%arg0: i32) -> (i32, i32) {
    %c0_i32 = arith.constant 0 : i32
    %c0_i32_0 = arith.constant 0 : i32
    return %arg0, %c0_i32 : i32, i32
  }
}

module attributes {stable_mosaic.version = 14 : i64} {
  func.func @_tk2_body(%arg0: i32, %arg1: memref<1000x128xf32, #tpu.memory_space<vmem>>, %arg2: memref<2x1000x128xf32, #tpu.memory_space<vmem>>, %arg3: memref<1000x128xf32, #tpu.memory_space<vmem>>, %arg4: memref<128x128xf32, #tpu.memory_space<vmem>>, %arg5: memref<1x128xf32, #tpu.memory_space<vmem>>, %arg6: memref<2x1000x128xf32, #tpu.memory_space<vmem>>, %arg7: memref<1000x128xf32, #tpu.memory_space<vmem>>, %arg8: memref<1000x128xf32, #tpu.memory_space<vmem>>) attributes {dimension_semantics = [#tpu.dimension_semantics<arbitrary>], iteration_bounds = array<i64: 10>, scalar_prefetch = 0 : i64, scratch_operands = 0 : i64, tpu.core_type = #tpu.core_type<tc>, window_params = [{transform_indices = @transform_0, window_bounds = array<i64: 1000, 128>}, {transform_indices = @transform_1, window_bounds = array<i64: 2, 1000, 128>}, {transform_indices = @transform_2, window_bounds = array<i64: 1000, 128>}, {pipeline_mode = #tpu.pipeline_mode<synchronous>, transform_indices = @transform_3, window_bounds = array<i64: 128, 128>}, {pipeline_mode = #tpu.pipeline_mode<synchronous>, transform_indices = @transform_4, window_bounds = array<i64: 1, 128>}, {transform_indices = @transform_5, window_bounds = array<i64: 2, 1000, 128>}, {transform_indices = @transform_6, window_bounds = array<i64: 1000, 128>}, {transform_indices = @transform_7, window_bounds = array<i64: 1000, 128>}]} {
    %get3A = arith.constant 0 : index
    %get3A_0 = arith.constant 0 : index
    %get3A_1 = arith.constant 0 : index
    %get3A_2 = vector.load %arg6[%get3A, %get3A_0, %get3A_1] : memref<2x1000x128xf32, #tpu.memory_space<vmem>>, vector<1x1000x1xf32>
    %get3A_3 = vector.shape_cast %get3A_2 : vector<1x1000x1xf32> to vector<1000x1xf32>
    %get3A_4 = arith.constant 1 : index
    %get3A_5 = arith.constant 0 : index
    %get3A_6 = arith.constant 0 : index
    %get3A_7 = vector.load %arg6[%get3A_4, %get3A_5, %get3A_6] : memref<2x1000x128xf32, #tpu.memory_space<vmem>>, vector<1x1000x1xf32>
    %get3A_8 = vector.shape_cast %get3A_7 : vector<1x1000x1xf32> to vector<1000x1xf32>
    %add3A = arith.addf %get3A_3, %get3A_8 : vector<1000x1xf32>
    %add3A_9 = arith.constant 1.000000e+00 : f32
    %add3A_10 = vector.broadcast %add3A_9 : f32 to vector<1000x1xf32>
    %add3A_11 = arith.addf %add3A, %add3A_10 : vector<1000x1xf32>
    %max3A = arith.constant 1.000000e+00 : f32
    %max3A_12 = vector.broadcast %max3A : f32 to vector<1000x1xf32>
    %max3A_13 = arith.maximumf %add3A_11, %max3A_12 : vector<1000x1xf32>
    %rsqrt3A = math.rsqrt %max3A_13 : vector<1000x1xf32>
    %get3A_14 = arith.constant 0 : index
    %get3A_15 = arith.constant 0 : index
    %get3A_16 = arith.constant 0 : index
    %get3A_17 = vector.load %arg2[%get3A_14, %get3A_15, %get3A_16] : memref<2x1000x128xf32, #tpu.memory_space<vmem>>, vector<1x1000x128xf32>
    %get3A_18 = vector.shape_cast %get3A_17 : vector<1x1000x128xf32> to vector<1000x128xf32>
    %get3A_19 = arith.constant 1 : index
    %get3A_20 = arith.constant 0 : index
    %get3A_21 = arith.constant 0 : index
    %get3A_22 = vector.load %arg2[%get3A_19, %get3A_20, %get3A_21] : memref<2x1000x128xf32, #tpu.memory_space<vmem>>, vector<1x1000x128xf32>
    %get3A_23 = vector.shape_cast %get3A_22 : vector<1x1000x128xf32> to vector<1000x128xf32>
    %add3A_24 = arith.addf %get3A_18, %get3A_23 : vector<1000x128xf32>
    %mul3A = vector.broadcast %rsqrt3A : vector<1000x1xf32> to vector<1000x128xf32>
    %mul3A_25 = arith.mulf %mul3A, %add3A_24 : vector<1000x128xf32>
    %get3A_26 = arith.constant 0 : index
    %get3A_27 = arith.constant 0 : index
    %get3A_28 = vector.load %arg3[%get3A_26, %get3A_27] : memref<1000x128xf32, #tpu.memory_space<vmem>>, vector<1000x128xf32>
    %add3A_29 = arith.addf %mul3A_25, %get3A_28 : vector<1000x128xf32>
    %get3A_30 = arith.constant 0 : index
    %get3A_31 = arith.constant 0 : index
    %get3A_32 = vector.load %arg1[%get3A_30, %get3A_31] : memref<1000x128xf32, #tpu.memory_space<vmem>>, vector<1000x128xf32>
    %get3A_33 = arith.constant 0 : index
    %get3A_34 = arith.constant 0 : index
    %get3A_35 = vector.load %arg4[%get3A_33, %get3A_34] : memref<128x128xf32, #tpu.memory_space<vmem>>, vector<128x128xf32>
    %dot_general3A = arith.constant dense<0.000000e+00> : vector<1000x128xf32>
    %dot_general3A_36 = tpu.matmul %add3A_29, %get3A_35, %dot_general3A {dimension_numbers = #tpu.dot_dimension_numbers<[1], [0], [0], [1], [0, 0, 1, 1], [], []>, precision = #tpu.contract_precision<fp32>, transpose_lhs_hint = false} : vector<1000x128xf32>, vector<128x128xf32>, vector<1000x128xf32> -> vector<1000x128xf32>
    %add3A_37 = arith.addf %get3A_32, %dot_general3A_36 : vector<1000x128xf32>
    %mul3A_38 = vector.broadcast %rsqrt3A : vector<1000x1xf32> to vector<1000x128xf32>
    %mul3A_39 = arith.mulf %mul3A_38, %add3A_37 : vector<1000x128xf32>
    %swap3A = arith.constant 0 : index
    %swap3A_40 = arith.constant 0 : index
    %swap3A_41 = vector.load %arg7[%swap3A, %swap3A_40] : memref<1000x128xf32, #tpu.memory_space<vmem>>, vector<1000x128xf32>
    tpu.vector_store %arg7[%swap3A, %swap3A_40], %mul3A_39 {strides = array<i32>} : memref<1000x128xf32, #tpu.memory_space<vmem>>, vector<1000x128xf32>,
    %mul3A_42 = arith.mulf %rsqrt3A, %rsqrt3A : vector<1000x1xf32>
    %mul3A_43 = vector.broadcast %mul3A_42 : vector<1000x1xf32> to vector<1000x128xf32>
    %mul3A_44 = arith.mulf %mul3A_43, %add3A_37 : vector<1000x128xf32>
    %get3A_45 = arith.constant 0 : index
    %get3A_46 = arith.constant 0 : index
    %get3A_47 = vector.load %arg5[%get3A_45, %get3A_46] : memref<1x128xf32, #tpu.memory_space<vmem>>, vector<1x128xf32>
    %add3A_48 = vector.broadcast %get3A_47 : vector<1x128xf32> to vector<1000x128xf32>
    %add3A_49 = arith.addf %mul3A_44, %add3A_48 : vector<1000x128xf32>
    %swap3A_50 = arith.constant 0 : index
    %swap3A_51 = arith.constant 0 : index
    %swap3A_52 = vector.load %arg8[%swap3A_50, %swap3A_51] : memref<1000x128xf32, #tpu.memory_space<vmem>>, vector<1000x128xf32>
    tpu.vector_store %arg8[%swap3A_50, %swap3A_51], %add3A_49 {strides = array<i32>} : memref<1000x128xf32, #tpu.memory_space<vmem>>, vector<1000x128xf32>,
    return
  }
  func.func @transform_0(%arg0: i32) -> (i32, i32) {
    %c0_i32 = arith.constant 0 : i32
    %c0_i32_0 = arith.constant 0 : i32
    return %arg0, %c0_i32 : i32, i32
  }
  func.func @transform_1(%arg0: i32) -> (i32, i32, i32) {
    %c0_i32 = arith.constant 0 : i32
    %c0_i32_0 = arith.constant 0 : i32
    %c0_i32_1 = arith.constant 0 : i32
    return %c0_i32, %arg0, %c0_i32_0 : i32, i32, i32
  }
  func.func @transform_2(%arg0: i32) -> (i32, i32) {
    %c0_i32 = arith.constant 0 : i32
    %c0_i32_0 = arith.constant 0 : i32
    return %arg0, %c0_i32 : i32, i32
  }
  func.func @transform_3(%arg0: i32) -> (i32, i32) {
    %c0_i32 = arith.constant 0 : i32
    %c0_i32_0 = arith.constant 0 : i32
    %c0_i32_1 = arith.constant 0 : i32
    return %c0_i32, %c0_i32_0 : i32, i32
  }
  func.func @transform_4(%arg0: i32) -> (i32, i32) {
    %c0_i32 = arith.constant 0 : i32
    %c0_i32_0 = arith.constant 0 : i32
    %c0_i32_1 = arith.constant 0 : i32
    return %c0_i32, %c0_i32_0 : i32, i32
  }
  func.func @transform_5(%arg0: i32) -> (i32, i32, i32) {
    %c0_i32 = arith.constant 0 : i32
    %c0_i32_0 = arith.constant 0 : i32
    %c0_i32_1 = arith.constant 0 : i32
    return %c0_i32, %arg0, %c0_i32_0 : i32, i32, i32
  }
  func.func @transform_6(%arg0: i32) -> (i32, i32) {
    %c0_i32 = arith.constant 0 : i32
    %c0_i32_0 = arith.constant 0 : i32
    return %arg0, %c0_i32 : i32, i32
  }
  func.func @transform_7(%arg0: i32) -> (i32, i32) {
    %c0_i32 = arith.constant 0 : i32
    %c0_i32_0 = arith.constant 0 : i32
    return %arg0, %c0_i32 : i32, i32
  }
}

module attributes {stable_mosaic.version = 14 : i64} {
  func.func @_tk3_body(%arg0: i32, %arg1: memref<2x1000x128xf32, #tpu.memory_space<vmem>>, %arg2: memref<1000x128xf32, #tpu.memory_space<vmem>>, %arg3: memref<2x1000x128xf32, #tpu.memory_space<vmem>>, %arg4: memref<1000x16xf32, #tpu.memory_space<vmem>>, %arg5: memref<128x10xf32, #tpu.memory_space<vmem>>, %arg6: memref<1x10xf32, #tpu.memory_space<vmem>>, %arg7: memref<16x10xf32, #tpu.memory_space<vmem>>, %arg8: memref<16x128xf32, #tpu.memory_space<vmem>>, %arg9: memref<16x128xf32, #tpu.memory_space<vmem>>, %arg10: memref<16x128xf32, #tpu.memory_space<vmem>>) attributes {dimension_semantics = [#tpu.dimension_semantics<arbitrary>], iteration_bounds = array<i64: 10>, scalar_prefetch = 0 : i64, scratch_operands = 3 : i64, tpu.core_type = #tpu.core_type<tc>, window_params = [{transform_indices = @transform_0, window_bounds = array<i64: 2, 1000, 128>}, {transform_indices = @transform_1, window_bounds = array<i64: 1000, 128>}, {transform_indices = @transform_2, window_bounds = array<i64: 2, 1000, 128>}, {transform_indices = @transform_3, window_bounds = array<i64: 1000, 16>}, {pipeline_mode = #tpu.pipeline_mode<synchronous>, transform_indices = @transform_4, window_bounds = array<i64: 128, 10>}, {pipeline_mode = #tpu.pipeline_mode<synchronous>, transform_indices = @transform_5, window_bounds = array<i64: 1, 10>}, {pipeline_mode = #tpu.pipeline_mode<synchronous>, transform_indices = @transform_6, window_bounds = array<i64: 16, 10>}]} {
    %eq3A = arith.constant 0 : i32
    %eq3A_0 = arith.cmpi eq, %arg0, %eq3A : i32
    %convert_element_type3A = arith.extui %eq3A_0 : i1 to i32
    %cond3A = arith.constant 0 : i32
    %cond3A_1 = arith.cmpi ne, %convert_element_type3A, %cond3A : i32
    scf.if %cond3A_1 {
      %broadcast_in_dim3A_356 = arith.constant 0.000000e+00 : f32
      %broadcast_in_dim3A_357 = vector.broadcast %broadcast_in_dim3A_356 : f32 to vector<16x128xf32>
      %swap3A_358 = arith.constant 0 : index
      %swap3A_359 = arith.constant 0 : index
      %swap3A_360 = vector.load %arg8[%swap3A_358, %swap3A_359] : memref<16x128xf32, #tpu.memory_space<vmem>>, vector<16x128xf32>
      tpu.vector_store %arg8[%swap3A_358, %swap3A_359], %broadcast_in_dim3A_357 {strides = array<i32>} : memref<16x128xf32, #tpu.memory_space<vmem>>, vector<16x128xf32>,
      %broadcast_in_dim3A_361 = arith.constant 0xFF800000 : f32
      %broadcast_in_dim3A_362 = vector.broadcast %broadcast_in_dim3A_361 : f32 to vector<16x128xf32>
      %swap3A_363 = arith.constant 0 : index
      %swap3A_364 = arith.constant 0 : index
      %swap3A_365 = vector.load %arg9[%swap3A_363, %swap3A_364] : memref<16x128xf32, #tpu.memory_space<vmem>>, vector<16x128xf32>
      tpu.vector_store %arg9[%swap3A_363, %swap3A_364], %broadcast_in_dim3A_362 {strides = array<i32>} : memref<16x128xf32, #tpu.memory_space<vmem>>, vector<16x128xf32>,
      %broadcast_in_dim3A_366 = arith.constant 0.000000e+00 : f32
      %broadcast_in_dim3A_367 = vector.broadcast %broadcast_in_dim3A_366 : f32 to vector<16x128xf32>
      %swap3A_368 = arith.constant 0 : index
      %swap3A_369 = arith.constant 0 : index
      %swap3A_370 = vector.load %arg10[%swap3A_368, %swap3A_369] : memref<16x128xf32, #tpu.memory_space<vmem>>, vector<16x128xf32>
      tpu.vector_store %arg10[%swap3A_368, %swap3A_369], %broadcast_in_dim3A_367 {strides = array<i32>} : memref<16x128xf32, #tpu.memory_space<vmem>>, vector<16x128xf32>,
    } else {
    }
    %get3A = arith.constant 0 : index
    %get3A_2 = arith.constant 0 : index
    %get3A_3 = arith.constant 0 : index
    %get3A_4 = vector.load %arg3[%get3A, %get3A_2, %get3A_3] : memref<2x1000x128xf32, #tpu.memory_space<vmem>>, vector<1x1000x1xf32>
    %get3A_5 = vector.shape_cast %get3A_4 : vector<1x1000x1xf32> to vector<1000x1xf32>
    %get3A_6 = arith.constant 1 : index
    %get3A_7 = arith.constant 0 : index
    %get3A_8 = arith.constant 0 : index
    %get3A_9 = vector.load %arg3[%get3A_6, %get3A_7, %get3A_8] : memref<2x1000x128xf32, #tpu.memory_space<vmem>>, vector<1x1000x1xf32>
    %get3A_10 = vector.shape_cast %get3A_9 : vector<1x1000x1xf32> to vector<1000x1xf32>
    %add3A = arith.addf %get3A_5, %get3A_10 : vector<1000x1xf32>
    %add3A_11 = arith.constant 1.000000e+00 : f32
    %add3A_12 = vector.broadcast %add3A_11 : f32 to vector<1000x1xf32>
    %add3A_13 = arith.addf %add3A, %add3A_12 : vector<1000x1xf32>
    %max3A = arith.constant 1.000000e+00 : f32
    %max3A_14 = vector.broadcast %max3A : f32 to vector<1000x1xf32>
    %max3A_15 = arith.maximumf %add3A_13, %max3A_14 : vector<1000x1xf32>
    %rsqrt3A = math.rsqrt %max3A_15 : vector<1000x1xf32>
    %get3A_16 = arith.constant 0 : index
    %get3A_17 = arith.constant 0 : index
    %get3A_18 = arith.constant 0 : index
    %get3A_19 = vector.load %arg1[%get3A_16, %get3A_17, %get3A_18] : memref<2x1000x128xf32, #tpu.memory_space<vmem>>, vector<1x1000x128xf32>
    %get3A_20 = vector.shape_cast %get3A_19 : vector<1x1000x128xf32> to vector<1000x128xf32>
    %get3A_21 = arith.constant 1 : index
    %get3A_22 = arith.constant 0 : index
    %get3A_23 = arith.constant 0 : index
    %get3A_24 = vector.load %arg1[%get3A_21, %get3A_22, %get3A_23] : memref<2x1000x128xf32, #tpu.memory_space<vmem>>, vector<1x1000x128xf32>
    %get3A_25 = vector.shape_cast %get3A_24 : vector<1x1000x128xf32> to vector<1000x128xf32>
    %add3A_26 = arith.addf %get3A_20, %get3A_25 : vector<1000x128xf32>
    %mul3A = vector.broadcast %rsqrt3A : vector<1000x1xf32> to vector<1000x128xf32>
    %mul3A_27 = arith.mulf %mul3A, %add3A_26 : vector<1000x128xf32>
    %get3A_28 = arith.constant 0 : index
    %get3A_29 = arith.constant 0 : index
    %get3A_30 = vector.load %arg2[%get3A_28, %get3A_29] : memref<1000x128xf32, #tpu.memory_space<vmem>>, vector<1000x128xf32>
    %add3A_31 = arith.addf %mul3A_27, %get3A_30 : vector<1000x128xf32>
    %get3A_32 = arith.constant 0 : index
    %get3A_33 = arith.constant 0 : index
    %get3A_34 = vector.load %arg4[%get3A_32, %get3A_33] : memref<1000x16xf32, #tpu.memory_space<vmem>>, vector<1000x16xf32>
    %get3A_35 = arith.constant 0 : index
    %get3A_36 = arith.constant 0 : index
    %get3A_37 = vector.load %arg8[%get3A_35, %get3A_36] : memref<16x128xf32, #tpu.memory_space<vmem>>, vector<16x128xf32>
    %dot_general3A = arith.constant dense<0.000000e+00> : vector<16x128xf32>
    %dot_general3A_38 = tpu.matmul %get3A_34, %add3A_31, %dot_general3A {dimension_numbers = #tpu.dot_dimension_numbers<[0], [0], [1], [1], [0, 1, 1, 1], [], []>, precision = #tpu.contract_precision<fp32>, transpose_lhs_hint = false} : vector<1000x16xf32>, vector<1000x128xf32>, vector<16x128xf32> -> vector<16x128xf32>
    %add3A_39 = arith.addf %get3A_37, %dot_general3A_38 : vector<16x128xf32>
    %swap3A = arith.constant 0 : index
    %swap3A_40 = arith.constant 0 : index
    %swap3A_41 = vector.load %arg8[%swap3A, %swap3A_40] : memref<16x128xf32, #tpu.memory_space<vmem>>, vector<16x128xf32>
    tpu.vector_store %arg8[%swap3A, %swap3A_40], %add3A_39 {strides = array<i32>} : memref<16x128xf32, #tpu.memory_space<vmem>>, vector<16x128xf32>,
    %get3A_42 = arith.constant 0 : index
    %get3A_43 = arith.constant 0 : index
    %get3A_44 = vector.load %arg10[%get3A_42, %get3A_43] : memref<16x128xf32, #tpu.memory_space<vmem>>, vector<16x128xf32>
    %broadcast_in_dim3A = arith.constant 1.000000e+00 : f32
    %broadcast_in_dim3A_45 = vector.broadcast %broadcast_in_dim3A : f32 to vector<1000x128xf32>
    %dot_general3A_46 = arith.constant dense<0.000000e+00> : vector<16x128xf32>
    %dot_general3A_47 = tpu.matmul %get3A_34, %broadcast_in_dim3A_45, %dot_general3A_46 {dimension_numbers = #tpu.dot_dimension_numbers<[0], [0], [1], [1], [0, 1, 1, 1], [], []>, precision = #tpu.contract_precision<fp32>, transpose_lhs_hint = false} : vector<1000x16xf32>, vector<1000x128xf32>, vector<16x128xf32> -> vector<16x128xf32>
    %add3A_48 = arith.addf %get3A_44, %dot_general3A_47 : vector<16x128xf32>
    %swap3A_49 = arith.constant 0 : index
    %swap3A_50 = arith.constant 0 : index
    %swap3A_51 = vector.load %arg10[%swap3A_49, %swap3A_50] : memref<16x128xf32, #tpu.memory_space<vmem>>, vector<16x128xf32>
    tpu.vector_store %arg10[%swap3A_49, %swap3A_50], %add3A_48 {strides = array<i32>} : memref<16x128xf32, #tpu.memory_space<vmem>>, vector<16x128xf32>,
    %slice3A = vector.extract_strided_slice %get3A_34 {offsets = [0, 0], sizes = [1000, 1], strides = [1, 1]} : vector<1000x16xf32> to vector<1000x1xf32>
    %gt3A = arith.constant 5.000000e-01 : f32
    %gt3A_52 = vector.broadcast %gt3A : f32 to vector<1000x1xf32>
    %gt3A_53 = arith.cmpf ogt, %slice3A, %gt3A_52 : vector<1000x1xf32>
    %jit3A = arith.constant 0xFF800000 : f32
    %broadcast_in_dim3A_54 = vector.shape_cast %gt3A_53 : vector<1000x1xi1> to vector<1000x1xi1>
    %broadcast_in_dim3A_55 = vector.broadcast %broadcast_in_dim3A_54 : vector<1000x1xi1> to vector<1000x128xi1>
    %broadcast_in_dim3A_56 = vector.broadcast %jit3A : f32 to vector<1000x128xf32>
    %select_n3A = arith.select %broadcast_in_dim3A_55, %add3A_31, %broadcast_in_dim3A_56 : vector<1000x128xi1>, vector<1000x128xf32>
    %reduce_max3A = arith.constant dense<0xFF800000> : vector<128xf32>
    %reduce_max3A_57 = vector.multi_reduction <maximumf>, %select_n3A, %reduce_max3A [0] : vector<1000x128xf32> to vector<128xf32>
    %broadcast_in_dim3A_58 = vector.shape_cast %reduce_max3A_57 : vector<128xf32> to vector<1x128xf32>
    %get3A_59 = arith.constant 0 : index
    %get3A_60 = arith.constant 0 : index
    %get3A_61 = vector.load %arg9[%get3A_59, %get3A_60] : memref<16x128xf32, #tpu.memory_space<vmem>>, vector<1x128xf32>
    %max3A_62 = arith.maximumf %get3A_61, %broadcast_in_dim3A_58 : vector<1x128xf32>
    %swap3A_63 = arith.constant 0 : index
    %swap3A_64 = arith.constant 0 : index
    %swap3A_65 = vector.load %arg9[%swap3A_63, %swap3A_64] : memref<16x128xf32, #tpu.memory_space<vmem>>, vector<1x128xf32>
    tpu.vector_store %arg9[%swap3A_63, %swap3A_64], %max3A_62 {strides = array<i32>} : memref<16x128xf32, #tpu.memory_space<vmem>>, vector<1x128xf32>,
    %slice3A_66 = vector.extract_strided_slice %get3A_34 {offsets = [0, 1], sizes = [1000, 1], strides = [1, 1]} : vector<1000x16xf32> to vector<1000x1xf32>
    %gt3A_67 = arith.constant 5.000000e-01 : f32
    %gt3A_68 = vector.broadcast %gt3A_67 : f32 to vector<1000x1xf32>
    %gt3A_69 = arith.cmpf ogt, %slice3A_66, %gt3A_68 : vector<1000x1xf32>
    %jit3A_70 = arith.constant 0xFF800000 : f32
    %broadcast_in_dim3A_71 = vector.shape_cast %gt3A_69 : vector<1000x1xi1> to vector<1000x1xi1>
    %broadcast_in_dim3A_72 = vector.broadcast %broadcast_in_dim3A_71 : vector<1000x1xi1> to vector<1000x128xi1>
    %broadcast_in_dim3A_73 = vector.broadcast %jit3A_70 : f32 to vector<1000x128xf32>
    %select_n3A_74 = arith.select %broadcast_in_dim3A_72, %add3A_31, %broadcast_in_dim3A_73 : vector<1000x128xi1>, vector<1000x128xf32>
    %reduce_max3A_75 = arith.constant dense<0xFF800000> : vector<128xf32>
    %reduce_max3A_76 = vector.multi_reduction <maximumf>, %select_n3A_74, %reduce_max3A_75 [0] : vector<1000x128xf32> to vector<128xf32>
    %broadcast_in_dim3A_77 = vector.shape_cast %reduce_max3A_76 : vector<128xf32> to vector<1x128xf32>
    %get3A_78 = arith.constant 1 : index
    %get3A_79 = arith.constant 0 : index
    %get3A_80 = vector.load %arg9[%get3A_78, %get3A_79] : memref<16x128xf32, #tpu.memory_space<vmem>>, vector<1x128xf32>
    %max3A_81 = arith.maximumf %get3A_80, %broadcast_in_dim3A_77 : vector<1x128xf32>
    %swap3A_82 = arith.constant 1 : index
    %swap3A_83 = arith.constant 0 : index
    %swap3A_84 = vector.load %arg9[%swap3A_82, %swap3A_83] : memref<16x128xf32, #tpu.memory_space<vmem>>, vector<1x128xf32>
    tpu.vector_store %arg9[%swap3A_82, %swap3A_83], %max3A_81 {strides = array<i32>} : memref<16x128xf32, #tpu.memory_space<vmem>>, vector<1x128xf32>,
    %slice3A_85 = vector.extract_strided_slice %get3A_34 {offsets = [0, 2], sizes = [1000, 1], strides = [1, 1]} : vector<1000x16xf32> to vector<1000x1xf32>
    %gt3A_86 = arith.constant 5.000000e-01 : f32
    %gt3A_87 = vector.broadcast %gt3A_86 : f32 to vector<1000x1xf32>
    %gt3A_88 = arith.cmpf ogt, %slice3A_85, %gt3A_87 : vector<1000x1xf32>
    %jit3A_89 = arith.constant 0xFF800000 : f32
    %broadcast_in_dim3A_90 = vector.shape_cast %gt3A_88 : vector<1000x1xi1> to vector<1000x1xi1>
    %broadcast_in_dim3A_91 = vector.broadcast %broadcast_in_dim3A_90 : vector<1000x1xi1> to vector<1000x128xi1>
    %broadcast_in_dim3A_92 = vector.broadcast %jit3A_89 : f32 to vector<1000x128xf32>
    %select_n3A_93 = arith.select %broadcast_in_dim3A_91, %add3A_31, %broadcast_in_dim3A_92 : vector<1000x128xi1>, vector<1000x128xf32>
    %reduce_max3A_94 = arith.constant dense<0xFF800000> : vector<128xf32>
    %reduce_max3A_95 = vector.multi_reduction <maximumf>, %select_n3A_93, %reduce_max3A_94 [0] : vector<1000x128xf32> to vector<128xf32>
    %broadcast_in_dim3A_96 = vector.shape_cast %reduce_max3A_95 : vector<128xf32> to vector<1x128xf32>
    %get3A_97 = arith.constant 2 : index
    %get3A_98 = arith.constant 0 : index
    %get3A_99 = vector.load %arg9[%get3A_97, %get3A_98] : memref<16x128xf32, #tpu.memory_space<vmem>>, vector<1x128xf32>
    %max3A_100 = arith.maximumf %get3A_99, %broadcast_in_dim3A_96 : vector<1x128xf32>
    %swap3A_101 = arith.constant 2 : index
    %swap3A_102 = arith.constant 0 : index
    %swap3A_103 = vector.load %arg9[%swap3A_101, %swap3A_102] : memref<16x128xf32, #tpu.memory_space<vmem>>, vector<1x128xf32>
    tpu.vector_store %arg9[%swap3A_101, %swap3A_102], %max3A_100 {strides = array<i32>} : memref<16x128xf32, #tpu.memory_space<vmem>>, vector<1x128xf32>,
    %slice3A_104 = vector.extract_strided_slice %get3A_34 {offsets = [0, 3], sizes = [1000, 1], strides = [1, 1]} : vector<1000x16xf32> to vector<1000x1xf32>
    %gt3A_105 = arith.constant 5.000000e-01 : f32
    %gt3A_106 = vector.broadcast %gt3A_105 : f32 to vector<1000x1xf32>
    %gt3A_107 = arith.cmpf ogt, %slice3A_104, %gt3A_106 : vector<1000x1xf32>
    %jit3A_108 = arith.constant 0xFF800000 : f32
    %broadcast_in_dim3A_109 = vector.shape_cast %gt3A_107 : vector<1000x1xi1> to vector<1000x1xi1>
    %broadcast_in_dim3A_110 = vector.broadcast %broadcast_in_dim3A_109 : vector<1000x1xi1> to vector<1000x128xi1>
    %broadcast_in_dim3A_111 = vector.broadcast %jit3A_108 : f32 to vector<1000x128xf32>
    %select_n3A_112 = arith.select %broadcast_in_dim3A_110, %add3A_31, %broadcast_in_dim3A_111 : vector<1000x128xi1>, vector<1000x128xf32>
    %reduce_max3A_113 = arith.constant dense<0xFF800000> : vector<128xf32>
    %reduce_max3A_114 = vector.multi_reduction <maximumf>, %select_n3A_112, %reduce_max3A_113 [0] : vector<1000x128xf32> to vector<128xf32>
    %broadcast_in_dim3A_115 = vector.shape_cast %reduce_max3A_114 : vector<128xf32> to vector<1x128xf32>
    %get3A_116 = arith.constant 3 : index
    %get3A_117 = arith.constant 0 : index
    %get3A_118 = vector.load %arg9[%get3A_116, %get3A_117] : memref<16x128xf32, #tpu.memory_space<vmem>>, vector<1x128xf32>
    %max3A_119 = arith.maximumf %get3A_118, %broadcast_in_dim3A_115 : vector<1x128xf32>
    %swap3A_120 = arith.constant 3 : index
    %swap3A_121 = arith.constant 0 : index
    %swap3A_122 = vector.load %arg9[%swap3A_120, %swap3A_121] : memref<16x128xf32, #tpu.memory_space<vmem>>, vector<1x128xf32>
    tpu.vector_store %arg9[%swap3A_120, %swap3A_121], %max3A_119 {strides = array<i32>} : memref<16x128xf32, #tpu.memory_space<vmem>>, vector<1x128xf32>,
    %slice3A_123 = vector.extract_strided_slice %get3A_34 {offsets = [0, 4], sizes = [1000, 1], strides = [1, 1]} : vector<1000x16xf32> to vector<1000x1xf32>
    %gt3A_124 = arith.constant 5.000000e-01 : f32
    %gt3A_125 = vector.broadcast %gt3A_124 : f32 to vector<1000x1xf32>
    %gt3A_126 = arith.cmpf ogt, %slice3A_123, %gt3A_125 : vector<1000x1xf32>
    %jit3A_127 = arith.constant 0xFF800000 : f32
    %broadcast_in_dim3A_128 = vector.shape_cast %gt3A_126 : vector<1000x1xi1> to vector<1000x1xi1>
    %broadcast_in_dim3A_129 = vector.broadcast %broadcast_in_dim3A_128 : vector<1000x1xi1> to vector<1000x128xi1>
    %broadcast_in_dim3A_130 = vector.broadcast %jit3A_127 : f32 to vector<1000x128xf32>
    %select_n3A_131 = arith.select %broadcast_in_dim3A_129, %add3A_31, %broadcast_in_dim3A_130 : vector<1000x128xi1>, vector<1000x128xf32>
    %reduce_max3A_132 = arith.constant dense<0xFF800000> : vector<128xf32>
    %reduce_max3A_133 = vector.multi_reduction <maximumf>, %select_n3A_131, %reduce_max3A_132 [0] : vector<1000x128xf32> to vector<128xf32>
    %broadcast_in_dim3A_134 = vector.shape_cast %reduce_max3A_133 : vector<128xf32> to vector<1x128xf32>
    %get3A_135 = arith.constant 4 : index
    %get3A_136 = arith.constant 0 : index
    %get3A_137 = vector.load %arg9[%get3A_135, %get3A_136] : memref<16x128xf32, #tpu.memory_space<vmem>>, vector<1x128xf32>
    %max3A_138 = arith.maximumf %get3A_137, %broadcast_in_dim3A_134 : vector<1x128xf32>
    %swap3A_139 = arith.constant 4 : index
    %swap3A_140 = arith.constant 0 : index
    %swap3A_141 = vector.load %arg9[%swap3A_139, %swap3A_140] : memref<16x128xf32, #tpu.memory_space<vmem>>, vector<1x128xf32>
    tpu.vector_store %arg9[%swap3A_139, %swap3A_140], %max3A_138 {strides = array<i32>} : memref<16x128xf32, #tpu.memory_space<vmem>>, vector<1x128xf32>,
    %slice3A_142 = vector.extract_strided_slice %get3A_34 {offsets = [0, 5], sizes = [1000, 1], strides = [1, 1]} : vector<1000x16xf32> to vector<1000x1xf32>
    %gt3A_143 = arith.constant 5.000000e-01 : f32
    %gt3A_144 = vector.broadcast %gt3A_143 : f32 to vector<1000x1xf32>
    %gt3A_145 = arith.cmpf ogt, %slice3A_142, %gt3A_144 : vector<1000x1xf32>
    %jit3A_146 = arith.constant 0xFF800000 : f32
    %broadcast_in_dim3A_147 = vector.shape_cast %gt3A_145 : vector<1000x1xi1> to vector<1000x1xi1>
    %broadcast_in_dim3A_148 = vector.broadcast %broadcast_in_dim3A_147 : vector<1000x1xi1> to vector<1000x128xi1>
    %broadcast_in_dim3A_149 = vector.broadcast %jit3A_146 : f32 to vector<1000x128xf32>
    %select_n3A_150 = arith.select %broadcast_in_dim3A_148, %add3A_31, %broadcast_in_dim3A_149 : vector<1000x128xi1>, vector<1000x128xf32>
    %reduce_max3A_151 = arith.constant dense<0xFF800000> : vector<128xf32>
    %reduce_max3A_152 = vector.multi_reduction <maximumf>, %select_n3A_150, %reduce_max3A_151 [0] : vector<1000x128xf32> to vector<128xf32>
    %broadcast_in_dim3A_153 = vector.shape_cast %reduce_max3A_152 : vector<128xf32> to vector<1x128xf32>
    %get3A_154 = arith.constant 5 : index
    %get3A_155 = arith.constant 0 : index
    %get3A_156 = vector.load %arg9[%get3A_154, %get3A_155] : memref<16x128xf32, #tpu.memory_space<vmem>>, vector<1x128xf32>
    %max3A_157 = arith.maximumf %get3A_156, %broadcast_in_dim3A_153 : vector<1x128xf32>
    %swap3A_158 = arith.constant 5 : index
    %swap3A_159 = arith.constant 0 : index
    %swap3A_160 = vector.load %arg9[%swap3A_158, %swap3A_159] : memref<16x128xf32, #tpu.memory_space<vmem>>, vector<1x128xf32>
    tpu.vector_store %arg9[%swap3A_158, %swap3A_159], %max3A_157 {strides = array<i32>} : memref<16x128xf32, #tpu.memory_space<vmem>>, vector<1x128xf32>,
    %slice3A_161 = vector.extract_strided_slice %get3A_34 {offsets = [0, 6], sizes = [1000, 1], strides = [1, 1]} : vector<1000x16xf32> to vector<1000x1xf32>
    %gt3A_162 = arith.constant 5.000000e-01 : f32
    %gt3A_163 = vector.broadcast %gt3A_162 : f32 to vector<1000x1xf32>
    %gt3A_164 = arith.cmpf ogt, %slice3A_161, %gt3A_163 : vector<1000x1xf32>
    %jit3A_165 = arith.constant 0xFF800000 : f32
    %broadcast_in_dim3A_166 = vector.shape_cast %gt3A_164 : vector<1000x1xi1> to vector<1000x1xi1>
    %broadcast_in_dim3A_167 = vector.broadcast %broadcast_in_dim3A_166 : vector<1000x1xi1> to vector<1000x128xi1>
    %broadcast_in_dim3A_168 = vector.broadcast %jit3A_165 : f32 to vector<1000x128xf32>
    %select_n3A_169 = arith.select %broadcast_in_dim3A_167, %add3A_31, %broadcast_in_dim3A_168 : vector<1000x128xi1>, vector<1000x128xf32>
    %reduce_max3A_170 = arith.constant dense<0xFF800000> : vector<128xf32>
    %reduce_max3A_171 = vector.multi_reduction <maximumf>, %select_n3A_169, %reduce_max3A_170 [0] : vector<1000x128xf32> to vector<128xf32>
    %broadcast_in_dim3A_172 = vector.shape_cast %reduce_max3A_171 : vector<128xf32> to vector<1x128xf32>
    %get3A_173 = arith.constant 6 : index
    %get3A_174 = arith.constant 0 : index
    %get3A_175 = vector.load %arg9[%get3A_173, %get3A_174] : memref<16x128xf32, #tpu.memory_space<vmem>>, vector<1x128xf32>
    %max3A_176 = arith.maximumf %get3A_175, %broadcast_in_dim3A_172 : vector<1x128xf32>
    %swap3A_177 = arith.constant 6 : index
    %swap3A_178 = arith.constant 0 : index
    %swap3A_179 = vector.load %arg9[%swap3A_177, %swap3A_178] : memref<16x128xf32, #tpu.memory_space<vmem>>, vector<1x128xf32>
    tpu.vector_store %arg9[%swap3A_177, %swap3A_178], %max3A_176 {strides = array<i32>} : memref<16x128xf32, #tpu.memory_space<vmem>>, vector<1x128xf32>,
    %slice3A_180 = vector.extract_strided_slice %get3A_34 {offsets = [0, 7], sizes = [1000, 1], strides = [1, 1]} : vector<1000x16xf32> to vector<1000x1xf32>
    %gt3A_181 = arith.constant 5.000000e-01 : f32
    %gt3A_182 = vector.broadcast %gt3A_181 : f32 to vector<1000x1xf32>
    %gt3A_183 = arith.cmpf ogt, %slice3A_180, %gt3A_182 : vector<1000x1xf32>
    %jit3A_184 = arith.constant 0xFF800000 : f32
    %broadcast_in_dim3A_185 = vector.shape_cast %gt3A_183 : vector<1000x1xi1> to vector<1000x1xi1>
    %broadcast_in_dim3A_186 = vector.broadcast %broadcast_in_dim3A_185 : vector<1000x1xi1> to vector<1000x128xi1>
    %broadcast_in_dim3A_187 = vector.broadcast %jit3A_184 : f32 to vector<1000x128xf32>
    %select_n3A_188 = arith.select %broadcast_in_dim3A_186, %add3A_31, %broadcast_in_dim3A_187 : vector<1000x128xi1>, vector<1000x128xf32>
    %reduce_max3A_189 = arith.constant dense<0xFF800000> : vector<128xf32>
    %reduce_max3A_190 = vector.multi_reduction <maximumf>, %select_n3A_188, %reduce_max3A_189 [0] : vector<1000x128xf32> to vector<128xf32>
    %broadcast_in_dim3A_191 = vector.shape_cast %reduce_max3A_190 : vector<128xf32> to vector<1x128xf32>
    %get3A_192 = arith.constant 7 : index
    %get3A_193 = arith.constant 0 : index
    %get3A_194 = vector.load %arg9[%get3A_192, %get3A_193] : memref<16x128xf32, #tpu.memory_space<vmem>>, vector<1x128xf32>
    %max3A_195 = arith.maximumf %get3A_194, %broadcast_in_dim3A_191 : vector<1x128xf32>
    %swap3A_196 = arith.constant 7 : index
    %swap3A_197 = arith.constant 0 : index
    %swap3A_198 = vector.load %arg9[%swap3A_196, %swap3A_197] : memref<16x128xf32, #tpu.memory_space<vmem>>, vector<1x128xf32>
    tpu.vector_store %arg9[%swap3A_196, %swap3A_197], %max3A_195 {strides = array<i32>} : memref<16x128xf32, #tpu.memory_space<vmem>>, vector<1x128xf32>,
    %slice3A_199 = vector.extract_strided_slice %get3A_34 {offsets = [0, 8], sizes = [1000, 1], strides = [1, 1]} : vector<1000x16xf32> to vector<1000x1xf32>
    %gt3A_200 = arith.constant 5.000000e-01 : f32
    %gt3A_201 = vector.broadcast %gt3A_200 : f32 to vector<1000x1xf32>
    %gt3A_202 = arith.cmpf ogt, %slice3A_199, %gt3A_201 : vector<1000x1xf32>
    %jit3A_203 = arith.constant 0xFF800000 : f32
    %broadcast_in_dim3A_204 = vector.shape_cast %gt3A_202 : vector<1000x1xi1> to vector<1000x1xi1>
    %broadcast_in_dim3A_205 = vector.broadcast %broadcast_in_dim3A_204 : vector<1000x1xi1> to vector<1000x128xi1>
    %broadcast_in_dim3A_206 = vector.broadcast %jit3A_203 : f32 to vector<1000x128xf32>
    %select_n3A_207 = arith.select %broadcast_in_dim3A_205, %add3A_31, %broadcast_in_dim3A_206 : vector<1000x128xi1>, vector<1000x128xf32>
    %reduce_max3A_208 = arith.constant dense<0xFF800000> : vector<128xf32>
    %reduce_max3A_209 = vector.multi_reduction <maximumf>, %select_n3A_207, %reduce_max3A_208 [0] : vector<1000x128xf32> to vector<128xf32>
    %broadcast_in_dim3A_210 = vector.shape_cast %reduce_max3A_209 : vector<128xf32> to vector<1x128xf32>
    %get3A_211 = arith.constant 8 : index
    %get3A_212 = arith.constant 0 : index
    %get3A_213 = vector.load %arg9[%get3A_211, %get3A_212] : memref<16x128xf32, #tpu.memory_space<vmem>>, vector<1x128xf32>
    %max3A_214 = arith.maximumf %get3A_213, %broadcast_in_dim3A_210 : vector<1x128xf32>
    %swap3A_215 = arith.constant 8 : index
    %swap3A_216 = arith.constant 0 : index
    %swap3A_217 = vector.load %arg9[%swap3A_215, %swap3A_216] : memref<16x128xf32, #tpu.memory_space<vmem>>, vector<1x128xf32>
    tpu.vector_store %arg9[%swap3A_215, %swap3A_216], %max3A_214 {strides = array<i32>} : memref<16x128xf32, #tpu.memory_space<vmem>>, vector<1x128xf32>,
    %slice3A_218 = vector.extract_strided_slice %get3A_34 {offsets = [0, 9], sizes = [1000, 1], strides = [1, 1]} : vector<1000x16xf32> to vector<1000x1xf32>
    %gt3A_219 = arith.constant 5.000000e-01 : f32
    %gt3A_220 = vector.broadcast %gt3A_219 : f32 to vector<1000x1xf32>
    %gt3A_221 = arith.cmpf ogt, %slice3A_218, %gt3A_220 : vector<1000x1xf32>
    %jit3A_222 = arith.constant 0xFF800000 : f32
    %broadcast_in_dim3A_223 = vector.shape_cast %gt3A_221 : vector<1000x1xi1> to vector<1000x1xi1>
    %broadcast_in_dim3A_224 = vector.broadcast %broadcast_in_dim3A_223 : vector<1000x1xi1> to vector<1000x128xi1>
    %broadcast_in_dim3A_225 = vector.broadcast %jit3A_222 : f32 to vector<1000x128xf32>
    %select_n3A_226 = arith.select %broadcast_in_dim3A_224, %add3A_31, %broadcast_in_dim3A_225 : vector<1000x128xi1>, vector<1000x128xf32>
    %reduce_max3A_227 = arith.constant dense<0xFF800000> : vector<128xf32>
    %reduce_max3A_228 = vector.multi_reduction <maximumf>, %select_n3A_226, %reduce_max3A_227 [0] : vector<1000x128xf32> to vector<128xf32>
    %broadcast_in_dim3A_229 = vector.shape_cast %reduce_max3A_228 : vector<128xf32> to vector<1x128xf32>
    %get3A_230 = arith.constant 9 : index
    %get3A_231 = arith.constant 0 : index
    %get3A_232 = vector.load %arg9[%get3A_230, %get3A_231] : memref<16x128xf32, #tpu.memory_space<vmem>>, vector<1x128xf32>
    %max3A_233 = arith.maximumf %get3A_232, %broadcast_in_dim3A_229 : vector<1x128xf32>
    %swap3A_234 = arith.constant 9 : index
    %swap3A_235 = arith.constant 0 : index
    %swap3A_236 = vector.load %arg9[%swap3A_234, %swap3A_235] : memref<16x128xf32, #tpu.memory_space<vmem>>, vector<1x128xf32>
    tpu.vector_store %arg9[%swap3A_234, %swap3A_235], %max3A_233 {strides = array<i32>} : memref<16x128xf32, #tpu.memory_space<vmem>>, vector<1x128xf32>,
    %slice3A_237 = vector.extract_strided_slice %get3A_34 {offsets = [0, 10], sizes = [1000, 1], strides = [1, 1]} : vector<1000x16xf32> to vector<1000x1xf32>
    %gt3A_238 = arith.constant 5.000000e-01 : f32
    %gt3A_239 = vector.broadcast %gt3A_238 : f32 to vector<1000x1xf32>
    %gt3A_240 = arith.cmpf ogt, %slice3A_237, %gt3A_239 : vector<1000x1xf32>
    %jit3A_241 = arith.constant 0xFF800000 : f32
    %broadcast_in_dim3A_242 = vector.shape_cast %gt3A_240 : vector<1000x1xi1> to vector<1000x1xi1>
    %broadcast_in_dim3A_243 = vector.broadcast %broadcast_in_dim3A_242 : vector<1000x1xi1> to vector<1000x128xi1>
    %broadcast_in_dim3A_244 = vector.broadcast %jit3A_241 : f32 to vector<1000x128xf32>
    %select_n3A_245 = arith.select %broadcast_in_dim3A_243, %add3A_31, %broadcast_in_dim3A_244 : vector<1000x128xi1>, vector<1000x128xf32>
    %reduce_max3A_246 = arith.constant dense<0xFF800000> : vector<128xf32>
    %reduce_max3A_247 = vector.multi_reduction <maximumf>, %select_n3A_245, %reduce_max3A_246 [0] : vector<1000x128xf32> to vector<128xf32>
    %broadcast_in_dim3A_248 = vector.shape_cast %reduce_max3A_247 : vector<128xf32> to vector<1x128xf32>
    %get3A_249 = arith.constant 10 : index
    %get3A_250 = arith.constant 0 : index
    %get3A_251 = vector.load %arg9[%get3A_249, %get3A_250] : memref<16x128xf32, #tpu.memory_space<vmem>>, vector<1x128xf32>
    %max3A_252 = arith.maximumf %get3A_251, %broadcast_in_dim3A_248 : vector<1x128xf32>
    %swap3A_253 = arith.constant 10 : index
    %swap3A_254 = arith.constant 0 : index
    %swap3A_255 = vector.load %arg9[%swap3A_253, %swap3A_254] : memref<16x128xf32, #tpu.memory_space<vmem>>, vector<1x128xf32>
    tpu.vector_store %arg9[%swap3A_253, %swap3A_254], %max3A_252 {strides = array<i32>} : memref<16x128xf32, #tpu.memory_space<vmem>>, vector<1x128xf32>,
    %slice3A_256 = vector.extract_strided_slice %get3A_34 {offsets = [0, 11], sizes = [1000, 1], strides = [1, 1]} : vector<1000x16xf32> to vector<1000x1xf32>
    %gt3A_257 = arith.constant 5.000000e-01 : f32
    %gt3A_258 = vector.broadcast %gt3A_257 : f32 to vector<1000x1xf32>
    %gt3A_259 = arith.cmpf ogt, %slice3A_256, %gt3A_258 : vector<1000x1xf32>
    %jit3A_260 = arith.constant 0xFF800000 : f32
    %broadcast_in_dim3A_261 = vector.shape_cast %gt3A_259 : vector<1000x1xi1> to vector<1000x1xi1>
    %broadcast_in_dim3A_262 = vector.broadcast %broadcast_in_dim3A_261 : vector<1000x1xi1> to vector<1000x128xi1>
    %broadcast_in_dim3A_263 = vector.broadcast %jit3A_260 : f32 to vector<1000x128xf32>
    %select_n3A_264 = arith.select %broadcast_in_dim3A_262, %add3A_31, %broadcast_in_dim3A_263 : vector<1000x128xi1>, vector<1000x128xf32>
    %reduce_max3A_265 = arith.constant dense<0xFF800000> : vector<128xf32>
    %reduce_max3A_266 = vector.multi_reduction <maximumf>, %select_n3A_264, %reduce_max3A_265 [0] : vector<1000x128xf32> to vector<128xf32>
    %broadcast_in_dim3A_267 = vector.shape_cast %reduce_max3A_266 : vector<128xf32> to vector<1x128xf32>
    %get3A_268 = arith.constant 11 : index
    %get3A_269 = arith.constant 0 : index
    %get3A_270 = vector.load %arg9[%get3A_268, %get3A_269] : memref<16x128xf32, #tpu.memory_space<vmem>>, vector<1x128xf32>
    %max3A_271 = arith.maximumf %get3A_270, %broadcast_in_dim3A_267 : vector<1x128xf32>
    %swap3A_272 = arith.constant 11 : index
    %swap3A_273 = arith.constant 0 : index
    %swap3A_274 = vector.load %arg9[%swap3A_272, %swap3A_273] : memref<16x128xf32, #tpu.memory_space<vmem>>, vector<1x128xf32>
    tpu.vector_store %arg9[%swap3A_272, %swap3A_273], %max3A_271 {strides = array<i32>} : memref<16x128xf32, #tpu.memory_space<vmem>>, vector<1x128xf32>,
    %slice3A_275 = vector.extract_strided_slice %get3A_34 {offsets = [0, 12], sizes = [1000, 1], strides = [1, 1]} : vector<1000x16xf32> to vector<1000x1xf32>
    %gt3A_276 = arith.constant 5.000000e-01 : f32
    %gt3A_277 = vector.broadcast %gt3A_276 : f32 to vector<1000x1xf32>
    %gt3A_278 = arith.cmpf ogt, %slice3A_275, %gt3A_277 : vector<1000x1xf32>
    %jit3A_279 = arith.constant 0xFF800000 : f32
    %broadcast_in_dim3A_280 = vector.shape_cast %gt3A_278 : vector<1000x1xi1> to vector<1000x1xi1>
    %broadcast_in_dim3A_281 = vector.broadcast %broadcast_in_dim3A_280 : vector<1000x1xi1> to vector<1000x128xi1>
    %broadcast_in_dim3A_282 = vector.broadcast %jit3A_279 : f32 to vector<1000x128xf32>
    %select_n3A_283 = arith.select %broadcast_in_dim3A_281, %add3A_31, %broadcast_in_dim3A_282 : vector<1000x128xi1>, vector<1000x128xf32>
    %reduce_max3A_284 = arith.constant dense<0xFF800000> : vector<128xf32>
    %reduce_max3A_285 = vector.multi_reduction <maximumf>, %select_n3A_283, %reduce_max3A_284 [0] : vector<1000x128xf32> to vector<128xf32>
    %broadcast_in_dim3A_286 = vector.shape_cast %reduce_max3A_285 : vector<128xf32> to vector<1x128xf32>
    %get3A_287 = arith.constant 12 : index
    %get3A_288 = arith.constant 0 : index
    %get3A_289 = vector.load %arg9[%get3A_287, %get3A_288] : memref<16x128xf32, #tpu.memory_space<vmem>>, vector<1x128xf32>
    %max3A_290 = arith.maximumf %get3A_289, %broadcast_in_dim3A_286 : vector<1x128xf32>
    %swap3A_291 = arith.constant 12 : index
    %swap3A_292 = arith.constant 0 : index
    %swap3A_293 = vector.load %arg9[%swap3A_291, %swap3A_292] : memref<16x128xf32, #tpu.memory_space<vmem>>, vector<1x128xf32>
    tpu.vector_store %arg9[%swap3A_291, %swap3A_292], %max3A_290 {strides = array<i32>} : memref<16x128xf32, #tpu.memory_space<vmem>>, vector<1x128xf32>,
    %slice3A_294 = vector.extract_strided_slice %get3A_34 {offsets = [0, 13], sizes = [1000, 1], strides = [1, 1]} : vector<1000x16xf32> to vector<1000x1xf32>
    %gt3A_295 = arith.constant 5.000000e-01 : f32
    %gt3A_296 = vector.broadcast %gt3A_295 : f32 to vector<1000x1xf32>
    %gt3A_297 = arith.cmpf ogt, %slice3A_294, %gt3A_296 : vector<1000x1xf32>
    %jit3A_298 = arith.constant 0xFF800000 : f32
    %broadcast_in_dim3A_299 = vector.shape_cast %gt3A_297 : vector<1000x1xi1> to vector<1000x1xi1>
    %broadcast_in_dim3A_300 = vector.broadcast %broadcast_in_dim3A_299 : vector<1000x1xi1> to vector<1000x128xi1>
    %broadcast_in_dim3A_301 = vector.broadcast %jit3A_298 : f32 to vector<1000x128xf32>
    %select_n3A_302 = arith.select %broadcast_in_dim3A_300, %add3A_31, %broadcast_in_dim3A_301 : vector<1000x128xi1>, vector<1000x128xf32>
    %reduce_max3A_303 = arith.constant dense<0xFF800000> : vector<128xf32>
    %reduce_max3A_304 = vector.multi_reduction <maximumf>, %select_n3A_302, %reduce_max3A_303 [0] : vector<1000x128xf32> to vector<128xf32>
    %broadcast_in_dim3A_305 = vector.shape_cast %reduce_max3A_304 : vector<128xf32> to vector<1x128xf32>
    %get3A_306 = arith.constant 13 : index
    %get3A_307 = arith.constant 0 : index
    %get3A_308 = vector.load %arg9[%get3A_306, %get3A_307] : memref<16x128xf32, #tpu.memory_space<vmem>>, vector<1x128xf32>
    %max3A_309 = arith.maximumf %get3A_308, %broadcast_in_dim3A_305 : vector<1x128xf32>
    %swap3A_310 = arith.constant 13 : index
    %swap3A_311 = arith.constant 0 : index
    %swap3A_312 = vector.load %arg9[%swap3A_310, %swap3A_311] : memref<16x128xf32, #tpu.memory_space<vmem>>, vector<1x128xf32>
    tpu.vector_store %arg9[%swap3A_310, %swap3A_311], %max3A_309 {strides = array<i32>} : memref<16x128xf32, #tpu.memory_space<vmem>>, vector<1x128xf32>,
    %slice3A_313 = vector.extract_strided_slice %get3A_34 {offsets = [0, 14], sizes = [1000, 1], strides = [1, 1]} : vector<1000x16xf32> to vector<1000x1xf32>
    %gt3A_314 = arith.constant 5.000000e-01 : f32
    %gt3A_315 = vector.broadcast %gt3A_314 : f32 to vector<1000x1xf32>
    %gt3A_316 = arith.cmpf ogt, %slice3A_313, %gt3A_315 : vector<1000x1xf32>
    %jit3A_317 = arith.constant 0xFF800000 : f32
    %broadcast_in_dim3A_318 = vector.shape_cast %gt3A_316 : vector<1000x1xi1> to vector<1000x1xi1>
    %broadcast_in_dim3A_319 = vector.broadcast %broadcast_in_dim3A_318 : vector<1000x1xi1> to vector<1000x128xi1>
    %broadcast_in_dim3A_320 = vector.broadcast %jit3A_317 : f32 to vector<1000x128xf32>
    %select_n3A_321 = arith.select %broadcast_in_dim3A_319, %add3A_31, %broadcast_in_dim3A_320 : vector<1000x128xi1>, vector<1000x128xf32>
    %reduce_max3A_322 = arith.constant dense<0xFF800000> : vector<128xf32>
    %reduce_max3A_323 = vector.multi_reduction <maximumf>, %select_n3A_321, %reduce_max3A_322 [0] : vector<1000x128xf32> to vector<128xf32>
    %broadcast_in_dim3A_324 = vector.shape_cast %reduce_max3A_323 : vector<128xf32> to vector<1x128xf32>
    %get3A_325 = arith.constant 14 : index
    %get3A_326 = arith.constant 0 : index
    %get3A_327 = vector.load %arg9[%get3A_325, %get3A_326] : memref<16x128xf32, #tpu.memory_space<vmem>>, vector<1x128xf32>
    %max3A_328 = arith.maximumf %get3A_327, %broadcast_in_dim3A_324 : vector<1x128xf32>
    %swap3A_329 = arith.constant 14 : index
    %swap3A_330 = arith.constant 0 : index
    %swap3A_331 = vector.load %arg9[%swap3A_329, %swap3A_330] : memref<16x128xf32, #tpu.memory_space<vmem>>, vector<1x128xf32>
    tpu.vector_store %arg9[%swap3A_329, %swap3A_330], %max3A_328 {strides = array<i32>} : memref<16x128xf32, #tpu.memory_space<vmem>>, vector<1x128xf32>,
    %slice3A_332 = vector.extract_strided_slice %get3A_34 {offsets = [0, 15], sizes = [1000, 1], strides = [1, 1]} : vector<1000x16xf32> to vector<1000x1xf32>
    %gt3A_333 = arith.constant 5.000000e-01 : f32
    %gt3A_334 = vector.broadcast %gt3A_333 : f32 to vector<1000x1xf32>
    %gt3A_335 = arith.cmpf ogt, %slice3A_332, %gt3A_334 : vector<1000x1xf32>
    %jit3A_336 = arith.constant 0xFF800000 : f32
    %broadcast_in_dim3A_337 = vector.shape_cast %gt3A_335 : vector<1000x1xi1> to vector<1000x1xi1>
    %broadcast_in_dim3A_338 = vector.broadcast %broadcast_in_dim3A_337 : vector<1000x1xi1> to vector<1000x128xi1>
    %broadcast_in_dim3A_339 = vector.broadcast %jit3A_336 : f32 to vector<1000x128xf32>
    %select_n3A_340 = arith.select %broadcast_in_dim3A_338, %add3A_31, %broadcast_in_dim3A_339 : vector<1000x128xi1>, vector<1000x128xf32>
    %reduce_max3A_341 = arith.constant dense<0xFF800000> : vector<128xf32>
    %reduce_max3A_342 = vector.multi_reduction <maximumf>, %select_n3A_340, %reduce_max3A_341 [0] : vector<1000x128xf32> to vector<128xf32>
    %broadcast_in_dim3A_343 = vector.shape_cast %reduce_max3A_342 : vector<128xf32> to vector<1x128xf32>
    %get3A_344 = arith.constant 15 : index
    %get3A_345 = arith.constant 0 : index
    %get3A_346 = vector.load %arg9[%get3A_344, %get3A_345] : memref<16x128xf32, #tpu.memory_space<vmem>>, vector<1x128xf32>
    %max3A_347 = arith.maximumf %get3A_346, %broadcast_in_dim3A_343 : vector<1x128xf32>
    %swap3A_348 = arith.constant 15 : index
    %swap3A_349 = arith.constant 0 : index
    %swap3A_350 = vector.load %arg9[%swap3A_348, %swap3A_349] : memref<16x128xf32, #tpu.memory_space<vmem>>, vector<1x128xf32>
    tpu.vector_store %arg9[%swap3A_348, %swap3A_349], %max3A_347 {strides = array<i32>} : memref<16x128xf32, #tpu.memory_space<vmem>>, vector<1x128xf32>,
    %eq3A_351 = arith.constant 9 : i32
    %eq3A_352 = arith.cmpi eq, %arg0, %eq3A_351 : i32
    %convert_element_type3A_353 = arith.extui %eq3A_352 : i1 to i32
    %cond3A_354 = arith.constant 0 : i32
    %cond3A_355 = arith.cmpi ne, %convert_element_type3A_353, %cond3A_354 : i32
    scf.if %cond3A_355 {
      %get3A_356 = arith.constant 0 : index
      %get3A_357 = arith.constant 0 : index
      %get3A_358 = vector.load %arg8[%get3A_356, %get3A_357] : memref<16x128xf32, #tpu.memory_space<vmem>>, vector<16x128xf32>
      %get3A_359 = arith.constant 0 : index
      %get3A_360 = arith.constant 0 : index
      %get3A_361 = vector.load %arg10[%get3A_359, %get3A_360] : memref<16x128xf32, #tpu.memory_space<vmem>>, vector<16x128xf32>
      %max3A_362 = arith.constant 1.000000e+00 : f32
      %max3A_363 = vector.broadcast %max3A_362 : f32 to vector<16x128xf32>
      %max3A_364 = arith.maximumf %get3A_361, %max3A_363 : vector<16x128xf32>
      %div3A = arith.divf %get3A_358, %max3A_364 : vector<16x128xf32>
      %get3A_365 = arith.constant 0 : index
      %get3A_366 = arith.constant 0 : index
      %get3A_367 = vector.load %arg9[%get3A_365, %get3A_366] : memref<16x128xf32, #tpu.memory_space<vmem>>, vector<16x128xf32>
      %add3A_368 = arith.addf %div3A, %get3A_367 : vector<16x128xf32>
      %get3A_369 = arith.constant 0 : index
      %get3A_370 = arith.constant 0 : index
      %get3A_371 = vector.load %arg5[%get3A_369, %get3A_370] : memref<128x10xf32, #tpu.memory_space<vmem>>, vector<128x10xf32>
      %dot_general3A_372 = arith.constant dense<0.000000e+00> : vector<16x10xf32>
      %dot_general3A_373 = tpu.matmul %add3A_368, %get3A_371, %dot_general3A_372 {dimension_numbers = #tpu.dot_dimension_numbers<[1], [0], [0], [1], [0, 0, 1, 1], [], []>, precision = #tpu.contract_precision<fp32>, transpose_lhs_hint = false} : vector<16x128xf32>, vector<128x10xf32>, vector<16x10xf32> -> vector<16x10xf32>
      %get3A_374 = arith.constant 0 : index
      %get3A_375 = arith.constant 0 : index
      %get3A_376 = vector.load %arg6[%get3A_374, %get3A_375] : memref<1x10xf32, #tpu.memory_space<vmem>>, vector<1x10xf32>
      %add3A_377 = vector.broadcast %get3A_376 : vector<1x10xf32> to vector<16x10xf32>
      %add3A_378 = arith.addf %dot_general3A_373, %add3A_377 : vector<16x10xf32>
      %swap3A_379 = arith.constant 0 : index
      %swap3A_380 = arith.constant 0 : index
      %swap3A_381 = vector.load %arg7[%swap3A_379, %swap3A_380] : memref<16x10xf32, #tpu.memory_space<vmem>>, vector<16x10xf32>
      tpu.vector_store %arg7[%swap3A_379, %swap3A_380], %add3A_378 {strides = array<i32>} : memref<16x10xf32, #tpu.memory_space<vmem>>, vector<16x10xf32>,
    } else {
    }
    return
  }
  func.func @transform_0(%arg0: i32) -> (i32, i32, i32) {
    %c0_i32 = arith.constant 0 : i32
    %c0_i32_0 = arith.constant 0 : i32
    %c0_i32_1 = arith.constant 0 : i32
    return %c0_i32, %arg0, %c0_i32_0 : i32, i32, i32
  }
  func.func @transform_1(%arg0: i32) -> (i32, i32) {
    %c0_i32 = arith.constant 0 : i32
    %c0_i32_0 = arith.constant 0 : i32
    return %arg0, %c0_i32 : i32, i32
  }
  func.func @transform_2(%arg0: i32) -> (i32, i32, i32) {
    %c0_i32 = arith.constant 0 : i32
    %c0_i32_0 = arith.constant 0 : i32
    %c0_i32_1 = arith.constant 0 : i32
    return %c0_i32, %arg0, %c0_i32_0 : i32, i32, i32
  }
  func.func @transform_3(%arg0: i32) -> (i32, i32) {
    %c0_i32 = arith.constant 0 : i32
    %c0_i32_0 = arith.constant 0 : i32
    return %arg0, %c0_i32 : i32, i32
  }
  func.func @transform_4(%arg0: i32) -> (i32, i32) {
    %c0_i32 = arith.constant 0 : i32
    %c0_i32_0 = arith.constant 0 : i32
    %c0_i32_1 = arith.constant 0 : i32
    return %c0_i32, %c0_i32_0 : i32, i32
  }
  func.func @transform_5(%arg0: i32) -> (i32, i32) {
    %c0_i32 = arith.constant 0 : i32
    %c0_i32_0 = arith.constant 0 : i32
    %c0_i32_1 = arith.constant 0 : i32
    return %c0_i32, %c0_i32_0 : i32, i32
  }
  func.func @transform_6(%arg0: i32) -> (i32, i32) {
    %c0_i32 = arith.constant 0 : i32
    %c0_i32_0 = arith.constant 0 : i32
    %c0_i32_1 = arith.constant 0 : i32
    return %c0_i32, %c0_i32_0 : i32, i32
  }
}

</mosaic_0001>

<sc_bundles>
// kernel: kernel.10.cloned.1.call-start
scs
__scs_entry_jumppad:
0x0: {  	(pc) =	sbr.rel $0x88, $3  }
0x1: {  	(tag) =	ssettag $0x0;
	lr =	simm.s32 $0x1  }
0x2: {  	[smem:$0x3F8C] =	sst lr;
	_ =	strace $0xD0000000  }
0x3: {  	_ = 	snop  }
0x4: {  	_ = 	snop  }
0x5: {  	_ = 	snop  }
0x6: {  	_ = 	snop  }
0x7: {  	_ = 	snop  }
__scs_overlays_trampoline_lowered:
0x8: {  	[smem:$0x3F9B] =	sst s0  }
0x9: {  	[smem:$0x3F9C] =	sst s1  }
0xa: {  	[smem:$0x3F9D] =	sst s2  }
0xb: {  	[smem:$0x3F9E] =	sst s3  }
0xc: {  	[smem:$0x3F9F] =	sst s4  }
0xd: {  	[smem:$0x3FA0] =	sst s5  }
0xe: {  	[smem:$0x3FA1] =	sst s6  }
0xf: {  	[smem:$0x3FA2] =	sst s7  }
0x10: {  	[smem:$0x3FA3] =	sst s8  }
0x11: {  	[smem:$0x3FA4] =	sst s9;
	s0 =	simm.s32 @!p0 $0x0  }
0x12: {  	s1 =	sld [smem:$0x3F8A];
	s0 =	simm.s32 @p0 $0x1  }
0x13: {  	[smem:$0x3FA5] =	sst s0;
	s0 =	simm.s32 @!p1 $0x0  }
0x14: {  	s2 =	sld [smem:$0x3F89];
	s0 =	simm.s32 @p1 $0x1  }
0x15: {  	[smem:$0x3FA6] =	sst s0;
	s0 =	simm.s32 @!p2 $0x0  }
0x16: {  	s3 =	sld [smem:$0x3FDB];
	s0 =	simm.s32 @p2 $0x1  }
0x17: {  	s4 =	simm.s32 $0x1BF5;
	[smem:$0x3FA8] =	sst s0  }
0x18: {  	s0 =	sld [smem:$0x3F8B];
	_ =	swait.ge [sflag:s4], $0x0  }
0x19: {  	s7 =	sld [smem:$0x3F8C]  }
0x1a: {  	s8 =	sadd.s32 $0xFFFFE003, lr  }
0x1b: {  	s9 =	sadd.s32 $0xFFFFFEF7, lr;
	s5 =	simm.s32 $0xFFFFFFFF;
	p2 =	slt.u32 s8, $0xFFFFF086  }
0x1c: {  	p1 =	slt.u32 s9, $0xF7A;
	s5 =	simm.s32 @!p2 $0x0  }
0x1d: {  	s5 =	simm.s32 @p1 $0x1;
	p0 =	seq.s32 s7, s2  }
0x1e: {  	s7 =	smul.u32 @!p0 $0xF7A, s2;
	p2 =	seq.s32 @!p0 s5, $0x0  }
0x1f: {  	s9 =	smul.u32 $0xF7A, s1;
	s8 =	simm.s32 @!p0 $0x1BF5;
	p2 =	por !p2, p0  }
0x20: {  	[sflag:s8] =	ssyncset.s32 @!p0 $0xFFFFF086;
	s6 =	sadd.s32 @!p0 s3, s7;
	s7 =	simm.s32 @!p0 $0x108  }
0x21: {  	s3 =	sadd.s32 s3, s9;
	s6 =	sadd.s32 @!p0 $0x88, s6;
	s7 =	simm.s32 @p2 $0x1082  }
0x22: {  	[simem:s7], [sflag:s8] =	dma.local @!p0 [hbm:s6], $0xF7A  }
0x23: {  	s9 =	sor.u32 $0xD0000000, s2;
	s6 =	simm.s32 $0x108;
	_ =	swait.ge @!p0 [sflag:s8], $0x0  }
0x24: {  	s3 =	sadd.s32 $0x88, s3;
	s6 =	simm.s32 @!p1 $0x1082;
	[sflag:s4] =	ssyncset.s32 $0xFFFFF086  }
0x25: {  	[simem:s6], [sflag:s4] =	dma.local [hbm:s3], $0xF7A  }
0x26: {  	[smem:$0x3F8C] =	sst s1;
	(tag) =	ssettag s2;
	_ =	strace s9  }
0x27: {  	s1 =	sld [smem:$0x3F9C]  }
0x28: {  	s2 =	sld [smem:$0x3F9D]  }
0x29: {  	s4 =	sld [smem:$0x3F9F]  }
0x2a: {  	p0 =	seq.s32 s5, $0x0;
	s5 =	sld [smem:$0x3FA0]  }
0x2b: {  	s6 =	sld [smem:$0x3FA1]  }
0x2c: {  	s7 =	sld [smem:$0x3FA2]  }
0x2d: {  	s3 =	simm.s32 $0x108;
	s8 =	sld [smem:$0x3FA3]  }
0x2e: {  	s3 =	simm.s32 @!p0 $0x1082;
	s9 =	sld [smem:$0x3FA4]  }
0x2f: {  	lr =	sadd.s32 s0, s3;
	s0 =	sld [smem:$0x3F9B]  }
0x30: {  	s3 =	sld [smem:$0x3F9E]  }
0x31: {  	[smem:$0x3FA7] =	sst s10  }
0x32: {  	s10 =	sld [smem:$0x3FA5];
	_ =	sdelay $0x3  }
0x33: {  	p0 =	seq.s32 s10, $0x1;
	s10 =	sld [smem:$0x3FA7];
	_ =	sdelay $0x3  }
0x34: {  	[smem:$0x3FA7] =	sst s10  }
0x35: {  	s10 =	sld [smem:$0x3FA6];
	_ =	sdelay $0x3  }
0x36: {  	p1 =	seq.s32 s10, $0x1;
	s10 =	sld [smem:$0x3FA7];
	_ =	sdelay $0x3  }
0x37: {  	[smem:$0x3FA7] =	sst s10  }
0x38: {  	s10 =	sld [smem:$0x3FA8]  }
0x39: {  	_ = 	snop;
	(pc) =	sbr.ind lr, $3  }
0x3a: {  	_ = 	snop  }
0x3b: {  	_ = 	snop  }
0x3c: {  	p2 =	seq.s32 s10, $0x1;
	s10 =	sld [smem:$0x3FA7]  }
0x3d: {  	_ =	shalt  }
0x3e: {  	_ =	shalt  }
0x3f: {  	_ =	shalt  }
0x40: {  	_ =	shalt  }
0x41: {  	_ =	shalt  }
0x42: {  	_ =	shalt  }
0x43: {  	_ =	shalt  }
0x44: {  	_ =	shalt  }
0x45: {  	_ =	shalt  }
0x46: {  	_ =	shalt  }
0x47: {  	_ =	shalt  }
0x48: {  	_ =	shalt  }
0x49: {  	_ =	shalt  }
0x4a: {  	_ =	shalt  }
0x4b: {  	_ =	shalt  }
0x4c: {  	_ =	shalt  }
0x4d: {  	_ =	shalt  }
0x4e: {  	_ =	shalt  }
0x4f: {  	_ =	shalt  }
0x50: {  	_ =	shalt  }
0x51: {  	_ =	shalt  }
0x52: {  	_ =	shalt  }
0x53: {  	_ =	shalt  }
0x54: {  	_ =	shalt  }
0x55: {  	_ =	shalt  }
0x56: {  	_ =	shalt  }
0x57: {  	_ =	shalt  }
0x58: {  	_ =	shalt  }
0x59: {  	_ =	shalt  }
0x5a: {  	_ =	shalt  }
0x5b: {  	_ =	shalt  }
0x5c: {  	_ =	shalt  }
0x5d: {  	_ =	shalt  }
0x5e: {  	_ =	shalt  }
0x5f: {  	_ =	shalt  }
0x60: {  	_ =	shalt  }
0x61: {  	_ =	shalt  }
0x62: {  	_ =	shalt  }
0x63: {  	_ =	shalt  }
0x64: {  	_ =	shalt  }
0x65: {  	_ =	shalt  }
0x66: {  	_ =	shalt  }
0x67: {  	_ =	shalt  }
0x68: {  	_ =	shalt  }
0x69: {  	_ =	shalt  }
0x6a: {  	_ =	shalt  }
0x6b: {  	_ =	shalt  }
0x6c: {  	_ =	shalt  }
0x6d: {  	_ =	shalt  }
0x6e: {  	_ =	shalt  }
0x6f: {  	_ =	shalt  }
0x70: {  	_ =	shalt  }
0x71: {  	_ =	shalt  }
0x72: {  	_ =	shalt  }
0x73: {  	_ =	shalt  }
0x74: {  	_ =	shalt  }
0x75: {  	_ =	shalt  }
0x76: {  	_ =	shalt  }
0x77: {  	_ =	shalt  }
0x78: {  	_ =	shalt  }
0x79: {  	_ =	shalt  }
0x7a: {  	_ =	shalt  }
0x7b: {  	_ =	shalt  }
0x7c: {  	_ =	shalt  }
0x7d: {  	_ =	shalt  }
0x7e: {  	_ =	shalt  }
0x7f: {  	_ =	shalt  }
0x80: {  	_ =	shalt  }
0x81: {  	_ =	shalt  }
0x82: {  	_ =	shalt  }
0x83: {  	_ =	shalt  }
0x84: {  	_ =	shalt  }
0x85: {  	_ =	shalt  }
0x86: {  	_ =	shalt  }
0x87: {  	_ =	shalt  }
.Lfunc_end0:
.L_simem_size_0:
called_computation_lowered:
.L_overlay_start_0:
0x88: {  	s2 =	sld [smem:$0x3FD9]  }
0x89: {  	s3 =	sld [smem:$0x3FFE];
	_ =	sdelay $0x1  }
0x8a: {  	s1 =	srdreg.scid  }
0x8b: {  	s0 =	sand.u32 $0x1, s1  }
0x8c: {  	s16 =	sshll.u32 s0, $0xA;
	s2 =	sadd.s32 s3, s2  }
0x8d: {  	s2 =	sadd.s32 s2, s16  }
0x8e: {  	[smem:$0x3FB3] =	sst s2  }
0x8f: {  	_ = 	snop  }
0x90: {  	(tm) =	ssettm $0x1  }
0x91: {  	s17 =	sld [smem:$0x3FFB];
	_ =	sdelay $0x3  }
0x92: {  	_ =	strace s17  }
0x93: {  	s2 =	sld [smem:$0x3FFC];
	_ =	sdelay $0x3  }
0x94: {  	_ =	strace s2  }
0x95: {  	s2 =	sld [smem:$0x3FFD];
	_ =	sdelay $0x3  }
0x96: {  	_ =	strace s2  }
0x97: {  	_ =	strace $0x8FFFFFFF  }
0x98: {  	s18 =	sld [smem:$0x3FDB];
	_ =	sdelay $0x1  }
0x99: {  	s19 =	simm.s32 $_scs_section_size  }
0x9a: {  	s4 =	simm.s32 $_size__tile_overlayer_lowered;
	s5 =	simm.s32 $_tile_overlayer_lowered  }
0x9b: {  	s22 =	simm.s32 $0x1BFF;
	s21 =	sshll.u32 s5, $0x1;
	s2 =	sadd.s32 s19, s18  }
0x9c: {  	s6 =	simm.s32 $0x0;
	s20 =	sshll.u32 s4, $0x1;
	s4 =	sadd.s32 s21, s2  }
0x9d: {  	[timem:s6], [sflag:s22] =	dma.local [hbm:s4], s20  }
0x9e: {  	_ =	swait.ge [sflag:s22], s20  }
0x9f: {  	s3 =	ssub.s32 $0x0, s20;
	[sflag:s22] =	ssyncset.done $0x0  }
0xa0: {  	[sflag:s22] =	ssyncadd.s32 s3;
	_ =	sdelay $0x1  }
0xa1: {  	s23 =	simm.s32 $0x1B8B  }
0xa2: {  	_ =	swait.ge [sflag:s23], $0x1  }
0xa3: {  	[sflag:s23] =	ssyncset.done $0x0  }
0xa4: {  	s25 =	simm.s32 $0x1B8E;
	s24 =	sld [smem:$0x3FFE];
	[sflag:s23] =	ssyncadd.s32 $0xFFFFFFFF  }
0xa5: {  	s26 =	simm.s32 $execute0_lowered;
	[smem:$0x3FD2] =	sst s25  }
0xa6: {  	s4 =	sshll.u32 s26, $0x1;
	_ =	strace $0x80000046;
	[dreg:$0x1] =	wrdreg $0xFFFFFFFF  }
0xa7: {  	s28 =	simm.s32 $_size_execute0_lowered;
	s2 =	sadd.s32 s2, s4;
	[dreg:$0x0] =	wrdreg $0x0  }
0xa8: {  	s4 =	sshll.u32 s28, $0x1;
	[dreg:$0x2] =	wrdreg s2  }
0xa9: {  	[dreg:$0x3] =	wrdreg s4  }
0xaa: {  	[dreg:$0x4] =	wrdreg $0xC0  }
0xab: {  	_ =	task [dreg:s6], $0x5FFFF  }
0xac: {  	[dreg:$0x1] =	wrdreg $0xFFFFFFFF  }
0xad: {  	[dreg:$0x0] =	wrdreg $0x60  }
0xae: {  	[dreg:$0x2] =	wrdreg s24  }
0xaf: {  	[dreg:$0x3] =	wrdreg $0x65000  }
0xb0: {  	[dreg:$0x4] =	wrdreg $0x9  }
0xb1: {  	_ =	task.clear_ibuf [dreg:s6], $0x5FFFF;
	_ =	strace $0x90000046  }
0xb2: {  	s29 =	simm.s32 $0x9;
	_ =	strace $0x80000048  }
0xb3: {  	_ =	swait.ge [sflag:s29], $0x1  }
0xb4: {  	[sflag:s29] =	ssyncadd.s32 $0xFFFFFFFF  }
0xb5: {  	_ =	strace $0x90000048  }
0xb6: {  	_ =	sfence  }
0xb7: {  	s30 =	sld [smem:$0x0];
	_ =	sdelay $0x2  }
0xb8: {  	s31 =	sshll.u32 s1, $0xD;
	s1 =	sshrl.u32 s1, $0x2  }
0xb9: {  	s3 =	sand.u32 $0x4000, s31;
	s1 =	sadd.s32 s1, s30  }
0xba: {  	s0 =	sor.u32 s3, s0;
	s1 =	sshll.u32 s1, $0x11  }
0xbb: {  	s0 =	sor.u32 s1, s0  }
0xbc: {  	s0 =	sadd.s32 $0x8F2B, s0  }
0xbd: {  	[sflag:s0] =	ssyncadd.remote.s32 $0x1  }
0xbe: {  	_ =	sfence.sel $0xFFFF  }
0xbf: {  	[dreg:$0x0] =	wrdreg $0xFFFFFFFF;
	(pc) =	sbr.abs _section_cstart, $3  }
0xc0: {  	[dreg:$0x1] =	wrdreg $0xFFFFFFFF  }
0xc1: {  	_ =	task.clear_ibuf [dreg:s6], $0x2FFFF;
	_ =	strace $0x9FFFFFFF  }
0xc2: {  	(tm) =	ssettm $0x7FFFFFFF  }
0xc3: {  	_ =	shalt  }
tec
execute0_lowered:
.L_overlay_start_1:
0x0: {  	(tag) =	ssettag $0x1  }
0x1: {  	s7 =	rddreg [dreg:$0x0]  }
0x2: {  	s0 =	srdreg.scid;
	s2 =	rddreg [dreg:$0x1]  }
0x3: {  	s3 =	simm.s32 $0x0;
	s12 =	simm.s32 $0x2D00;
	s13 =	simm.s32 $0x70  }
0x4: {  	s14 =	simm.s32 $0x80;
	s15 =	simm.s32 $0x100;
	s16 =	simm.s32 $0x180  }
0x5: {  	s17 =	simm.s32 $0x200;
	s18 =	simm.s32 $0x280;
	s6 =	sand.u32 $0x1, s0  }
0x6: {  	s19 =	simm.s32 $0x1;
	s0 =	stileid.u32;
	s5 =	smul.u32 $0x140000, s6  }
0x7: {  	s20 =	simm.s32 $0x0;
	[smem:$0x7FF] =	sst s3;
	s8 =	smul.u32 $0x14000, s0  }
0x8: {  	s1 =	sshll.u32 s6, $0x4;
	s10 =	smul.u32 $0x50000, s0;
	s6 =	ssub.s32 $0x2, s6  }
0x9: {  	s31 =	sshll.u32 s0, $0x6;
	s1 =	sor.u32 s0, s1;
	s30 =	sshrl.u32 s6, $0x1  }
0xa: {  	s4 =	smul.u32 $0x5A0, s1;
	s1 =	rddreg [dreg:$0x2];
	_ =	strace $0x80000047  }
0xb: {  	s8 =	sadd.s32 s8, s5;
	s5 =	sadd.s32 $0xF200, s7;
	s10 =	sshrl.u32 s10, $0x2  }
0xc: {  	s11 =	ssub.s32 s6, s30;
	s6 =	sor.u32 $0x1C02, s31;
	s8 =	sshrl.u32 s8, $0x3  }
0xd: {  	s10 =	sadd.s32 s10, s2;
	s9 =	sadd.s32 s4, s7;
	s4 =	sadd.s32 $0x11A00, s7  }
0xe: {  	s8 =	sadd.s32 s8, s7;
	s10 =	sshrl.u32 s10, $0x3;
	s7 =	sadd.s32 $0x3E00, s9  }
0xf: {  	s8 =	sadd.s32 $0x12200, s8;
	s9 =	smax.u32 s11, $0x1;
	s11 =	simm.s32 $0x2  }
.LBB2_1:
0x10: {  	[spmem:s10], [sflag:s6] =	dma.local [hbm:s5], $0x2800  }
0x11: {  	_ =	swait.ge [sflag:s11], $0x2800  }
0x12: {  	[sflag:s11] =	ssyncset.done $0x0  }
0x13: {  	[sflag:s11] =	ssyncadd.s32 $0xFFFFD800  }
0x14: {  	[tilespmem:s3], [sflag:$0x2] =	stream.linear.gather [hbm4b:s7+s3], $0x2D00, $0x38;
	[tilespmem:$0x1A500] =	vst v63  }
0x15: {  	_ =	swait.ge [sflag:s11], $0x2D00  }
0x16: {  	[sflag:s11] =	ssyncset.done $0x0  }
0x17: {  	[sflag:s11] =	ssyncadd.s32 $0xFFFFD300  }
0x18: {  	[tilespmem:s12], [sflag:$0x2] =	stream.linear.gather [hbm4b:s4+s3], $0x3800, $0x38;
	[tilespmem:$0x1A500] =	vst v63  }
0x19: {  	_ =	swait.ge [sflag:s11], $0x3800  }
0x1a: {  	[sflag:s11] =	ssyncset.done $0x0  }
0x1b: {  	[sflag:s11] =	ssyncadd.s32 $0xFFFFC800  }
0x1c: {  	[bflag:$0x0] =	sbarrier.arrive $0xFFFF  }
0x1d: {  	[spmem:s2] =	stream.indirect.scatter.add.f32 [tilespmem:s12], [sflag:$0x1], $0x80, s3, s13, $0xb8;
	[tilespmem:$0x1A500] =	vst v63  }
0x1e: {  	_ = 	snop  }
0x1f: {  	[spmem:s2] =	stream.indirect.scatter.add.f32 [tilespmem:s12], [sflag:$0x1], $0x80, s14, s13, $0xb8;
	[tilespmem:$0x1A500] =	vst v63  }
0x20: {  	_ = 	snop  }
0x21: {  	[spmem:s2] =	stream.indirect.scatter.add.f32 [tilespmem:s12], [sflag:$0x1], $0x80, s15, s13, $0xb8;
	[tilespmem:$0x1A500] =	vst v63  }
0x22: {  	_ = 	snop  }
0x23: {  	[spmem:s2] =	stream.indirect.scatter.add.f32 [tilespmem:s12], [sflag:$0x1], $0x80, s16, s13, $0xb8;
	[tilespmem:$0x1A500] =	vst v63  }
0x24: {  	_ = 	snop  }
0x25: {  	[spmem:s2] =	stream.indirect.scatter.add.f32 [tilespmem:s12], [sflag:$0x1], $0x80, s17, s13, $0xb8;
	[tilespmem:$0x1A500] =	vst v63  }
0x26: {  	_ = 	snop  }
0x27: {  	[spmem:s2] =	stream.indirect.scatter.add.f32 [tilespmem:s12], [sflag:$0x1], $0x80, s18, s13, $0xb8;
	[tilespmem:$0x1A500] =	vst v63  }
0x28: {  	s21 =	simm.s32 $0x300  }
0x29: {  	[spmem:s2] =	stream.indirect.scatter.add.f32 [tilespmem:s12], [sflag:$0x1], $0x80, s21, s13, $0xb8;
	[tilespmem:$0x1A500] =	vst v63  }
0x2a: {  	_ =	swait.ge [sflag:s19], $0x3800  }
0x2b: {  	s21 =	simm.s32 $0xE00;
	[sflag:s19] =	ssyncset.done $0x0  }
.LBB2_2:
0x2c: {  	s22 =	sshra.s32 s21, $0x2;
	[sflag:s19] =	ssyncadd.s32 $0xFFFFC800;
	p0 =	sne.s32 s21, $0xB200  }
0x2d: {  	[spmem:s2] =	stream.indirect.scatter.add.f32 [tilespmem:s12], [sflag:$0x1], $0x80, s22, s13, $0xb8;
	[tilespmem:$0x1A500] =	vst v63  }
.Ltmp0:
0x2e: {  	_ = 	snop;
	(pc) =	sbr.rel @p0 .LBB2_2-.Ltmp0, $4  }
0x2f: {  	_ = 	snop  }
0x30: {  	s21 =	sadd.s32 $0x200, s21  }
0x31: {  	_ =	swait.ge [sflag:s19], $0x3800  }
0x32: {  	[sflag:s19] =	ssyncset.done $0x0  }
0x33: {  	[sflag:s19] =	ssyncadd.s32 $0xFFFFC800  }
0x34: {  	_ =	swait.ge [sflag:s19], $0x3800  }
0x35: {  	[sflag:s19] =	ssyncset.done $0x0  }
0x36: {  	[sflag:s19] =	ssyncadd.s32 $0xFFFFC800  }
0x37: {  	_ =	swait.ge [sflag:s19], $0x3800  }
0x38: {  	[sflag:s19] =	ssyncset.done $0x0  }
0x39: {  	[sflag:s19] =	ssyncadd.s32 $0xFFFFC800  }
0x3a: {  	_ =	swait.ge [sflag:s19], $0x3800  }
0x3b: {  	[sflag:s19] =	ssyncset.done $0x0  }
0x3c: {  	[sflag:s19] =	ssyncadd.s32 $0xFFFFC800  }
0x3d: {  	_ =	swait.ge [sflag:s19], $0x3800  }
0x3e: {  	[sflag:s19] =	ssyncset.done $0x0  }
0x3f: {  	[sflag:s19] =	ssyncadd.s32 $0xFFFFC800  }
0x40: {  	_ =	swait.ge [sflag:s19], $0x3800  }
0x41: {  	[sflag:s19] =	ssyncset.done $0x0  }
0x42: {  	[sflag:s19] =	ssyncadd.s32 $0xFFFFC800  }
0x43: {  	_ =	swait.ge [sflag:s19], $0x3800  }
0x44: {  	s20 =	sadd.s32 $0x1, s20;
	[sflag:s19] =	ssyncset.done $0x0  }
0x45: {  	p0 =	sne.s32 s20, s9;
	[sflag:s19] =	ssyncadd.s32 $0xFFFFC800  }
.Ltmp1:
0x46: {  	[bflag:$0x0] =	sbarrier.arrive $0xFFFF;
	(pc) =	sbr.rel @p0 .LBB2_1-.Ltmp1, $4  }
0x47: {  	[hbm:s8], [sflag:s6] =	dma.local [spmem:s10], $0x2800  }
0x48: {  	_ =	swait.ge [sflag:s11], $0x2800  }
0x49: {  	[sflag:s11] =	ssyncset.done $0x0  }
0x4a: {  	[sflag:s11] =	ssyncadd.s32 $0xFFFFD800  }
0x4b: {  	_ =	sfence.sel $0x180000  }
0x4c: {  	[bflag:$0x0] =	sbarrier.arrive $0xFFFF  }
0x4d: {  	p0 =	sne.s32 s0, $0x0;
	_ =	strace $0x90000047  }
0x4e: {  	s0 =	sadd.s32 @!p0 $0x100000, s1;
	[bflag:$0x2] =	sbarrier.arrive $0xFFFF  }
0x4f: {  	[sflag:s0] =	ssyncadd.tile.s32 @!p0 $0x1;
	_ =	shalt  }
.Lfunc_end2:
_tile_overlayer_lowered:
.L_overlay_start_2:
0x50: {  	(tag) =	ssettag $0x2  }
0x51: {  	s0 =	rddreg [dreg:$0x0];
	s2 =	stileid.u32  }
0x52: {  	s1 =	rddreg [dreg:$0x1];
	p0 =	sne.s32 s2, $0x0  }
0x53: {  	s3 =	rddreg [dreg:$0x2];
	[bflag:$0x3] =	sbarrier.arrive $0xFFFF;
	s2 =	simm.s32 @!p0 $0x1C02  }
0x54: {  	[timem:s3], [sflag:s2] =	dma.local @!p0 [hbm:s0], s1  }
0x55: {  	s0 =	simm.s32 @!p0 $0x2  }
0x56: {  	_ =	swait.ge @!p0 [sflag:s0], s1  }
0x57: {  	s1 =	ssub.s32 @!p0 $0x0, s1;
	[sflag:s0] =	ssyncset.done @!p0 $0x0  }
0x58: {  	[sflag:s0] =	ssyncadd.s32 @!p0 s1  }
0x59: {  	[bflag:$0x3] =	sbarrier.arrive $0xFFFF  }
0x5a: {  	_ =	shalt  }

// kernel: kernel.13.cloned.1.call-start
scs
__scs_entry_jumppad:
0x0: {  	(pc) =	sbr.rel $0x88, $3  }
0x1: {  	(tag) =	ssettag $0x0;
	lr =	simm.s32 $0x1  }
0x2: {  	[smem:$0x3F8C] =	sst lr;
	_ =	strace $0xD0000000  }
0x3: {  	_ = 	snop  }
0x4: {  	_ = 	snop  }
0x5: {  	_ = 	snop  }
0x6: {  	_ = 	snop  }
0x7: {  	_ = 	snop  }
__scs_overlays_trampoline_lowered:
0x8: {  	[smem:$0x3F9B] =	sst s0  }
0x9: {  	[smem:$0x3F9C] =	sst s1  }
0xa: {  	[smem:$0x3F9D] =	sst s2  }
0xb: {  	[smem:$0x3F9E] =	sst s3  }
0xc: {  	[smem:$0x3F9F] =	sst s4  }
0xd: {  	[smem:$0x3FA0] =	sst s5  }
0xe: {  	[smem:$0x3FA1] =	sst s6  }
0xf: {  	[smem:$0x3FA2] =	sst s7  }
0x10: {  	[smem:$0x3FA3] =	sst s8  }
0x11: {  	[smem:$0x3FA4] =	sst s9;
	s0 =	simm.s32 @!p0 $0x0  }
0x12: {  	s1 =	sld [smem:$0x3F8A];
	s0 =	simm.s32 @p0 $0x1  }
0x13: {  	[smem:$0x3FA5] =	sst s0;
	s0 =	simm.s32 @!p1 $0x0  }
0x14: {  	s2 =	sld [smem:$0x3F89];
	s0 =	simm.s32 @p1 $0x1  }
0x15: {  	[smem:$0x3FA6] =	sst s0;
	s0 =	simm.s32 @!p2 $0x0  }
0x16: {  	s3 =	sld [smem:$0x3FDB];
	s0 =	simm.s32 @p2 $0x1  }
0x17: {  	s4 =	simm.s32 $0x1BF5;
	[smem:$0x3FA8] =	sst s0  }
0x18: {  	s0 =	sld [smem:$0x3F8B];
	_ =	swait.ge [sflag:s4], $0x0  }
0x19: {  	s7 =	sld [smem:$0x3F8C]  }
0x1a: {  	s8 =	sadd.s32 $0xFFFFE003, lr  }
0x1b: {  	s9 =	sadd.s32 $0xFFFFFEF7, lr;
	s5 =	simm.s32 $0xFFFFFFFF;
	p2 =	slt.u32 s8, $0xFFFFF086  }
0x1c: {  	p1 =	slt.u32 s9, $0xF7A;
	s5 =	simm.s32 @!p2 $0x0  }
0x1d: {  	s5 =	simm.s32 @p1 $0x1;
	p0 =	seq.s32 s7, s2  }
0x1e: {  	s7 =	smul.u32 @!p0 $0xF7A, s2;
	p2 =	seq.s32 @!p0 s5, $0x0  }
0x1f: {  	s9 =	smul.u32 $0xF7A, s1;
	s8 =	simm.s32 @!p0 $0x1BF5;
	p2 =	por !p2, p0  }
0x20: {  	[sflag:s8] =	ssyncset.s32 @!p0 $0xFFFFF086;
	s6 =	sadd.s32 @!p0 s3, s7;
	s7 =	simm.s32 @!p0 $0x108  }
0x21: {  	s3 =	sadd.s32 s3, s9;
	s6 =	sadd.s32 @!p0 $0x88, s6;
	s7 =	simm.s32 @p2 $0x1082  }
0x22: {  	[simem:s7], [sflag:s8] =	dma.local @!p0 [hbm:s6], $0xF7A  }
0x23: {  	s9 =	sor.u32 $0xD0000000, s2;
	s6 =	simm.s32 $0x108;
	_ =	swait.ge @!p0 [sflag:s8], $0x0  }
0x24: {  	s3 =	sadd.s32 $0x88, s3;
	s6 =	simm.s32 @!p1 $0x1082;
	[sflag:s4] =	ssyncset.s32 $0xFFFFF086  }
0x25: {  	[simem:s6], [sflag:s4] =	dma.local [hbm:s3], $0xF7A  }
0x26: {  	[smem:$0x3F8C] =	sst s1;
	(tag) =	ssettag s2;
	_ =	strace s9  }
0x27: {  	s1 =	sld [smem:$0x3F9C]  }
0x28: {  	s2 =	sld [smem:$0x3F9D]  }
0x29: {  	s4 =	sld [smem:$0x3F9F]  }
0x2a: {  	p0 =	seq.s32 s5, $0x0;
	s5 =	sld [smem:$0x3FA0]  }
0x2b: {  	s6 =	sld [smem:$0x3FA1]  }
0x2c: {  	s7 =	sld [smem:$0x3FA2]  }
0x2d: {  	s3 =	simm.s32 $0x108;
	s8 =	sld [smem:$0x3FA3]  }
0x2e: {  	s3 =	simm.s32 @!p0 $0x1082;
	s9 =	sld [smem:$0x3FA4]  }
0x2f: {  	lr =	sadd.s32 s0, s3;
	s0 =	sld [smem:$0x3F9B]  }
0x30: {  	s3 =	sld [smem:$0x3F9E]  }
0x31: {  	[smem:$0x3FA7] =	sst s10  }
0x32: {  	s10 =	sld [smem:$0x3FA5];
	_ =	sdelay $0x3  }
0x33: {  	p0 =	seq.s32 s10, $0x1;
	s10 =	sld [smem:$0x3FA7];
	_ =	sdelay $0x3  }
0x34: {  	[smem:$0x3FA7] =	sst s10  }
0x35: {  	s10 =	sld [smem:$0x3FA6];
	_ =	sdelay $0x3  }
0x36: {  	p1 =	seq.s32 s10, $0x1;
	s10 =	sld [smem:$0x3FA7];
	_ =	sdelay $0x3  }
0x37: {  	[smem:$0x3FA7] =	sst s10  }
0x38: {  	s10 =	sld [smem:$0x3FA8]  }
0x39: {  	_ = 	snop;
	(pc) =	sbr.ind lr, $3  }
0x3a: {  	_ = 	snop  }
0x3b: {  	_ = 	snop  }
0x3c: {  	p2 =	seq.s32 s10, $0x1;
	s10 =	sld [smem:$0x3FA7]  }
0x3d: {  	_ =	shalt  }
0x3e: {  	_ =	shalt  }
0x3f: {  	_ =	shalt  }
0x40: {  	_ =	shalt  }
0x41: {  	_ =	shalt  }
0x42: {  	_ =	shalt  }
0x43: {  	_ =	shalt  }
0x44: {  	_ =	shalt  }
0x45: {  	_ =	shalt  }
0x46: {  	_ =	shalt  }
0x47: {  	_ =	shalt  }
0x48: {  	_ =	shalt  }
0x49: {  	_ =	shalt  }
0x4a: {  	_ =	shalt  }
0x4b: {  	_ =	shalt  }
0x4c: {  	_ =	shalt  }
0x4d: {  	_ =	shalt  }
0x4e: {  	_ =	shalt  }
0x4f: {  	_ =	shalt  }
0x50: {  	_ =	shalt  }
0x51: {  	_ =	shalt  }
0x52: {  	_ =	shalt  }
0x53: {  	_ =	shalt  }
0x54: {  	_ =	shalt  }
0x55: {  	_ =	shalt  }
0x56: {  	_ =	shalt  }
0x57: {  	_ =	shalt  }
0x58: {  	_ =	shalt  }
0x59: {  	_ =	shalt  }
0x5a: {  	_ =	shalt  }
0x5b: {  	_ =	shalt  }
0x5c: {  	_ =	shalt  }
0x5d: {  	_ =	shalt  }
0x5e: {  	_ =	shalt  }
0x5f: {  	_ =	shalt  }
0x60: {  	_ =	shalt  }
0x61: {  	_ =	shalt  }
0x62: {  	_ =	shalt  }
0x63: {  	_ =	shalt  }
0x64: {  	_ =	shalt  }
0x65: {  	_ =	shalt  }
0x66: {  	_ =	shalt  }
0x67: {  	_ =	shalt  }
0x68: {  	_ =	shalt  }
0x69: {  	_ =	shalt  }
0x6a: {  	_ =	shalt  }
0x6b: {  	_ =	shalt  }
0x6c: {  	_ =	shalt  }
0x6d: {  	_ =	shalt  }
0x6e: {  	_ =	shalt  }
0x6f: {  	_ =	shalt  }
0x70: {  	_ =	shalt  }
0x71: {  	_ =	shalt  }
0x72: {  	_ =	shalt  }
0x73: {  	_ =	shalt  }
0x74: {  	_ =	shalt  }
0x75: {  	_ =	shalt  }
0x76: {  	_ =	shalt  }
0x77: {  	_ =	shalt  }
0x78: {  	_ =	shalt  }
0x79: {  	_ =	shalt  }
0x7a: {  	_ =	shalt  }
0x7b: {  	_ =	shalt  }
0x7c: {  	_ =	shalt  }
0x7d: {  	_ =	shalt  }
0x7e: {  	_ =	shalt  }
0x7f: {  	_ =	shalt  }
0x80: {  	_ =	shalt  }
0x81: {  	_ =	shalt  }
0x82: {  	_ =	shalt  }
0x83: {  	_ =	shalt  }
0x84: {  	_ =	shalt  }
0x85: {  	_ =	shalt  }
0x86: {  	_ =	shalt  }
0x87: {  	_ =	shalt  }
.Lfunc_end0:
.L_simem_size_0:
called_computation.1_lowered:
.L_overlay_start_0:
0x88: {  	s2 =	sld [smem:$0x3FD9]  }
0x89: {  	s3 =	sld [smem:$0x3FFE];
	_ =	sdelay $0x1  }
0x8a: {  	s1 =	srdreg.scid  }
0x8b: {  	s0 =	sand.u32 $0x1, s1  }
0x8c: {  	s16 =	sshll.u32 s0, $0xA;
	s2 =	sadd.s32 s3, s2  }
0x8d: {  	s2 =	sadd.s32 s2, s16  }
0x8e: {  	[smem:$0x3FB3] =	sst s2  }
0x8f: {  	_ = 	snop  }
0x90: {  	(tm) =	ssettm $0x1  }
0x91: {  	s17 =	sld [smem:$0x3FFB];
	_ =	sdelay $0x3  }
0x92: {  	_ =	strace s17  }
0x93: {  	s2 =	sld [smem:$0x3FFC];
	_ =	sdelay $0x3  }
0x94: {  	_ =	strace s2  }
0x95: {  	s2 =	sld [smem:$0x3FFD];
	_ =	sdelay $0x3  }
0x96: {  	_ =	strace s2  }
0x97: {  	_ =	strace $0x8FFFFFFF  }
0x98: {  	s18 =	sld [smem:$0x3FDB];
	_ =	sdelay $0x1  }
0x99: {  	s19 =	simm.s32 $_scs_section_size  }
0x9a: {  	s4 =	simm.s32 $_size__tile_overlayer_lowered;
	s5 =	simm.s32 $_tile_overlayer_lowered  }
0x9b: {  	s22 =	simm.s32 $0x1BFF;
	s21 =	sshll.u32 s5, $0x1;
	s2 =	sadd.s32 s19, s18  }
0x9c: {  	s6 =	simm.s32 $0x0;
	s20 =	sshll.u32 s4, $0x1;
	s4 =	sadd.s32 s21, s2  }
0x9d: {  	[timem:s6], [sflag:s22] =	dma.local [hbm:s4], s20  }
0x9e: {  	_ =	swait.ge [sflag:s22], s20  }
0x9f: {  	s3 =	ssub.s32 $0x0, s20;
	[sflag:s22] =	ssyncset.done $0x0  }
0xa0: {  	[sflag:s22] =	ssyncadd.s32 s3;
	_ =	sdelay $0x1  }
0xa1: {  	s23 =	simm.s32 $0x1B8B  }
0xa2: {  	_ =	swait.ge [sflag:s23], $0x1  }
0xa3: {  	[sflag:s23] =	ssyncset.done $0x0  }
0xa4: {  	s25 =	simm.s32 $0x1B8E;
	s24 =	sld [smem:$0x3FFE];
	[sflag:s23] =	ssyncadd.s32 $0xFFFFFFFF  }
0xa5: {  	s26 =	simm.s32 $execute0_lowered;
	[smem:$0x3FD2] =	sst s25  }
0xa6: {  	s4 =	sshll.u32 s26, $0x1;
	_ =	strace $0x80000049;
	[dreg:$0x1] =	wrdreg $0xFFFFFFFF  }
0xa7: {  	s28 =	simm.s32 $_size_execute0_lowered;
	s2 =	sadd.s32 s2, s4;
	[dreg:$0x0] =	wrdreg $0x0  }
0xa8: {  	s4 =	sshll.u32 s28, $0x1;
	[dreg:$0x2] =	wrdreg s2  }
0xa9: {  	[dreg:$0x3] =	wrdreg s4  }
0xaa: {  	[dreg:$0x4] =	wrdreg $0xC0  }
0xab: {  	_ =	task [dreg:s6], $0x5FFFF  }
0xac: {  	[dreg:$0x1] =	wrdreg $0xFFFFFFFF  }
0xad: {  	[dreg:$0x0] =	wrdreg $0x60  }
0xae: {  	[dreg:$0x2] =	wrdreg s24  }
0xaf: {  	[dreg:$0x3] =	wrdreg $0xAC000  }
0xb0: {  	[dreg:$0x4] =	wrdreg $0x9  }
0xb1: {  	_ =	task.clear_ibuf [dreg:s6], $0x5FFFF;
	_ =	strace $0x90000049  }
0xb2: {  	s29 =	simm.s32 $0x9;
	_ =	strace $0x8000004B  }
0xb3: {  	_ =	swait.ge [sflag:s29], $0x1  }
0xb4: {  	[sflag:s29] =	ssyncadd.s32 $0xFFFFFFFF  }
0xb5: {  	_ =	strace $0x9000004B  }
0xb6: {  	_ =	sfence  }
0xb7: {  	s30 =	sld [smem:$0x0];
	_ =	sdelay $0x2  }
0xb8: {  	s31 =	sshll.u32 s1, $0xD;
	s1 =	sshrl.u32 s1, $0x2  }
0xb9: {  	s3 =	sand.u32 $0x4000, s31;
	s1 =	sadd.s32 s1, s30  }
0xba: {  	s0 =	sor.u32 s3, s0;
	s1 =	sshll.u32 s1, $0x11  }
0xbb: {  	s0 =	sor.u32 s1, s0  }
0xbc: {  	s0 =	sadd.s32 $0x8F2B, s0  }
0xbd: {  	[sflag:s0] =	ssyncadd.remote.s32 $0x1  }
0xbe: {  	_ =	sfence.sel $0xFFFF  }
0xbf: {  	[dreg:$0x0] =	wrdreg $0xFFFFFFFF;
	(pc) =	sbr.abs _section_cstart, $3  }
0xc0: {  	[dreg:$0x1] =	wrdreg $0xFFFFFFFF  }
0xc1: {  	_ =	task.clear_ibuf [dreg:s6], $0x2FFFF;
	_ =	strace $0x9FFFFFFF  }
0xc2: {  	(tm) =	ssettm $0x7FFFFFFF  }
0xc3: {  	_ =	shalt  }
tec
execute0_lowered:
.L_overlay_start_1:
0x0: {  	(tag) =	ssettag $0x1  }
0x1: {  	s0 =	rddreg [dreg:$0x0]  }
0x2: {  	s1 =	rddreg [dreg:$0x1]  }
0x3: {  	s2 =	srdreg.scid;
	s3 =	simm.s32 $0x0;
	s11 =	stileid.u32  }
0x4: {  	s18 =	simm.s32 $0x4;
	s20 =	simm.s32 $0x80;
	s28 =	simm.s32 $0x1  }
0x5: {  	s29 =	simm.s32 $0x2;
	s30 =	simm.s32 $0x0;
	s2 =	sand.u32 $0x1, s2  }
0x6: {  	[smem:$0x7FF] =	sst s3;
	s6 =	smul.u32 $0x13C00, s11;
	s4 =	sadd.s32 $0x6D600, s0  }
0x7: {  	s15 =	sadd.s32 $0x62200, s0;
	s16 =	sadd.s32 $0x3E00, s0;
	s9 =	smul.u32 $0x4F000, s11  }
0x8: {  	s26 =	sshll.u32 s11, $0x6;
	s5 =	smul.u32 $0x13C000, s2;
	_ =	strace $0x8000004A  }
0x9: {  	s7 =	sshll.u32 s2, $0x4;
	s8 =	ssub.s32 $0x2, s2;
	s2 =	smul.u32 $0x5A0, s2  }
0xa: {  	s7 =	sor.u32 s11, s7;
	s23 =	sshrl.u32 s8, $0x1;
	s11 =	smul.u32 $0x5A, s11  }
0xb: {  	s24 =	sshrl.u32 s9, $0x2;
	s6 =	sadd.s32 s6, s5;
	s10 =	smul.u32 $0x5A0, s7  }
0xc: {  	s5 =	sadd.s32 $0xF200, s0;
	s14 =	ssub.s32 s8, s23;
	s25 =	smul.u32 $0x2D00, s7  }
0xd: {  	s17 =	sadd.s32 s24, s1;
	s24 =	simm.s32 $0x3;
	s6 =	sshrl.u32 s6, $0x3  }
0xe: {  	s2 =	sadd.s32 s11, s2;
	s14 =	smax.u32 s14, $0x1;
	s17 =	sshrl.u32 s17, $0x3  }
0xf: {  	s0 =	sadd.s32 s6, s0;
	s6 =	sor.u32 $0x1C04, s26;
	s7 =	sadd.s32 s15, s10  }
0x10: {  	s8 =	sadd.s32 s16, s10;
	s10 =	sor.u32 $0x10, s10;
	s12 =	sshrl.u32 s25, $0x3  }
.Ltmp0:
0x11: {  	s2 =	sshll.u32 s2, $0x4;
	s25 =	simm.s32 $0x70;
	(pc) =	sbr.rel .LBB2_1-.Ltmp0, $4  }
0x12: {  	s26 =	simm.s32 $0x3C00;
	s9 =	sadd.s32 s15, s10;
	s12 =	sadd.s32 $0x20, s12  }
0x13: {  	s10 =	sadd.s32 s16, s10;
	s13 =	sadd.s32 $0x94800, s0;
	s31 =	sadd.s32 $0x20, s2  }
0x14: {  	s11 =	sadd.s32 s15, s12;
	s2 =	sadd.s32 s31, s15;
	s0 =	sadd.s32 s31, s16  }
0x15: {  	s12 =	sadd.s32 s16, s12;
	s19 =	sadd.s32 $0x10, s2;
	s2 =	sadd.s32 $0x10, s0  }
.LBB2_7:
0x16: {  	_ =	swait.ge [sflag:s29], $0x3800  }
0x17: {  	s30 =	sadd.s32 $0x1, s30;
	[sflag:s29] =	ssyncset.done $0x0  }
0x18: {  	p0 =	sne.s32 s30, s14;
	[sflag:s29] =	ssyncadd.s32 $0xFFFFC800  }
.Ltmp1:
0x19: {  	[bflag:$0x0] =	sbarrier.arrive $0xFFFF;
	(pc) =	sbr.rel @!p0 .LBB2_8-.Ltmp1, $4  }
0x1a: {  	[hbm:s13], [sflag:s6] =	dma.local [spmem:s17], $0x2780  }
0x1b: {  	_ =	swait.ge [sflag:s18], $0x2780  }
0x1c: {  	[sflag:s18] =	ssyncset.done $0x0  }
0x1d: {  	[sflag:s18] =	ssyncadd.s32 $0xFFFFD880  }
.LBB2_1:
0x1e: {  	[spmem:s17], [sflag:s6] =	dma.local [hbm:s5], $0x2780  }
0x1f: {  	_ =	swait.ge [sflag:s18], $0x2780  }
0x20: {  	[sflag:s18] =	ssyncset.done $0x0  }
0x21: {  	[sflag:s18] =	ssyncadd.s32 $0xFFFFD880  }
0x22: {  	[bflag:$0x0] =	sbarrier.arrive $0xFFFF  }
0x23: {  	[tilespmem:s3], [sflag:$0x3] =	stream.linear.gather [hbm4b:s7+s3], $0x80, $0x38;
	[tilespmem:$0x1E800] =	vst v63  }
0x24: {  	s0 =	simm.s32 $0x200  }
0x25: {  	[tilespmem:s0], [sflag:$0x3] =	stream.linear.gather [hbm4b:s8+s3], $0x80, $0x38;
	[tilespmem:$0x1E800] =	vst v63  }
0x26: {  	_ = 	snop  }
0x27: {  	[tilespmem:s20], [sflag:$0x3] =	stream.linear.gather [hbm4b:s9+s3], $0x80, $0x38;
	[tilespmem:$0x1E800] =	vst v63  }
0x28: {  	s21 =	simm.s32 $0x280  }
0x29: {  	[tilespmem:s21], [sflag:$0x3] =	stream.linear.gather [hbm4b:s10+s3], $0x80, $0x38;
	[tilespmem:$0x1E800] =	vst v63  }
0x2a: {  	s22 =	simm.s32 $0x100  }
0x2b: {  	[tilespmem:s22], [sflag:$0x3] =	stream.linear.gather [hbm4b:s11+s3], $0x80, $0x38;
	[tilespmem:$0x1E800] =	vst v63  }
0x2c: {  	s23 =	simm.s32 $0x300  }
0x2d: {  	[tilespmem:s23], [sflag:$0x3] =	stream.linear.gather [hbm4b:s12+s3], $0x80, $0x38;
	[tilespmem:$0x1E800] =	vst v63  }
0x2e: {  	_ =	swait.ge [sflag:s24], $0x80  }
0x2f: {  	[sflag:s24] =	ssyncset.done $0x0  }
0x30: {  	[sflag:s24] =	ssyncadd.s32 $0xFFFFFF80  }
0x31: {  	_ =	swait.ge [sflag:s24], $0x80  }
0x32: {  	[sflag:s24] =	ssyncset.done $0x0  }
0x33: {  	s31 =	simm.s32 $0x400;
	[sflag:s24] =	ssyncadd.s32 $0xFFFFFF80  }
0x34: {  	[tilespmem:s31], [sflag:$0x1] =	stream.indirect.gather [hbm4b:s4+s25], $0x80, s3, s25, $0xb8;
	[tilespmem:$0x1E800] =	vst v63  }
0x35: {  	_ =	swait.ge [sflag:s24], $0x80  }
0x36: {  	[sflag:s24] =	ssyncset.done $0x0  }
.Ltmp2:
0x37: {  	[sflag:s24] =	ssyncadd.s32 $0xFFFFFF80;
	(pc) =	sbr.rel .LBB2_2-.Ltmp2, $4  }
0x38: {  	_ =	swait.ge [sflag:s24], $0x80  }
0x39: {  	s16 =	smov.u32 s2;
	s15 =	smov.u32 s19;
	[sflag:s24] =	ssyncset.done $0x0  }
0x3a: {  	s0 =	simm.s32 $0x180;
	s21 =	simm.s32 $0x0;
	[sflag:s24] =	ssyncadd.s32 $0xFFFFFF80  }
0x3b: {  	[tilespmem:s26], [sflag:$0x1] =	stream.indirect.gather [hbm4b:s4+s25], $0x80, s20, s25, $0xb8;
	[tilespmem:$0x1E800] =	vst v63  }
.LBB2_3:
0x3c: {  	s22 =	sand.u32 $0x180, s0  }
0x3d: {  	[tilespmem:s22], [sflag:$0x3] =	stream.linear.gather [hbm4b:s15+s3], $0x80, $0x38;
	[tilespmem:$0x1E800] =	vst v63  }
0x3e: {  	s22 =	sor.u32 $0x200, s22  }
0x3f: {  	[tilespmem:s22], [sflag:$0x3] =	stream.linear.gather [hbm4b:s16+s3], $0x80, $0x38;
	[tilespmem:$0x1E800] =	vst v63  }
.LBB2_5:
0x40: {  	s22 =	sadd.s32 $0x2, s21  }
0x41: {  	s23 =	smul.u32 $0xAB, s22;
	_ =	sdelay $0x1  }
0x42: {  	s23 =	sshrl.u32 s23, $0x9  }
0x43: {  	s23 =	sand.u32 $0x7F, s23  }
0x44: {  	s23 =	smul.u32 $0x3, s23;
	_ =	sdelay $0x1  }
0x45: {  	_ =	swait.ge [sflag:s24], $0x80;
	s22 =	ssub.s32 s22, s23  }
0x46: {  	[sflag:s24] =	ssyncset.done $0x0;
	s22 =	sand.u32 $0xFF, s22  }
0x47: {  	[sflag:s24] =	ssyncadd.s32 $0xFFFFFF80;
	s22 =	smul.u32 $0xE000, s22  }
0x48: {  	_ =	swait.ge [sflag:s24], $0x80  }
0x49: {  	[sflag:s24] =	ssyncset.done $0x0;
	s23 =	sand.u32 $0x600, s31;
	s22 =	sshrl.u32 s22, $0x2  }
0x4a: {  	[sflag:s24] =	ssyncadd.s32 $0xFFFFFF80;
	s23 =	sshrl.u32 s23, $0x2;
	s22 =	sor.u32 $0x400, s22  }
0x4b: {  	[tilespmem:s22], [sflag:$0x1] =	stream.indirect.gather [hbm4b:s4+s25], $0x80, s23, s25, $0xb8;
	[tilespmem:$0x1E800] =	vst v63  }
.LBB2_6:
0x4c: {  	s21 =	sadd.s32 $0x1, s21  }
0x4d: {  	p0 =	sne.s32 s21, $0x5A  }
.Ltmp3:
0x4e: {  	_ = 	snop;
	(pc) =	sbr.rel @!p0 .LBB2_7-.Ltmp3, $3  }
0x4f: {  	_ =	sdelay $0x1  }
0x50: {  	s31 =	sadd.s32 $0x200, s31  }
0x51: {  	s0 =	sadd.s32 $0x80, s0;
	s15 =	sadd.s32 $0x10, s15;
	s16 =	sadd.s32 $0x10, s16  }
.LBB2_2:
0x52: {  	s22 =	smul.u32 $0xAB, s21;
	_ =	sdelay $0x1  }
0x53: {  	s22 =	sshrl.u32 s22, $0x9  }
0x54: {  	s22 =	sand.u32 $0x7F, s22  }
0x55: {  	s22 =	smul.u32 $0x3, s22;
	_ =	sdelay $0x1  }
0x56: {  	s22 =	ssub.s32 s21, s22  }
0x57: {  	s23 =	sadd.s32 $0xFFFFFC00, s31;
	s22 =	sand.u32 $0xFF, s22  }
0x58: {  	_ =	swait.ge [sflag:s28], $0x3800;
	p0 =	seq.s32 s21, $0x0;
	s22 =	smul.u32 $0xE000, s22  }
0x59: {  	s23 =	sand.u32 $0x600, s23;
	[sflag:s28] =	ssyncset.done $0x0;
	p1 =	sgt.u32 @!p0 s21, $0x56  }
0x5a: {  	s23 =	sshrl.u32 s23, $0x2;
	[sflag:s28] =	ssyncadd.s32 $0xFFFFC800;
	s22 =	sshrl.u32 s22, $0x2  }
0x5b: {  	p1 =	por p0, !p1;
	s23 =	sor.u32 $0x200, s23;
	s22 =	sor.u32 $0x400, s22  }
0x5c: {  	[spmem:s1] =	stream.indirect.scatter.add.f32 [tilespmem:s22], [sflag:$0x2], $0x80, s23, s25, $0xb8;
	[tilespmem:$0x1E800] =	vst v63  }
.Ltmp4:
0x5d: {  	_ = 	snop;
	(pc) =	sbr.rel @p1 .LBB2_3-.Ltmp4, $4  }
0x5e: {  	s22 =	simm.s32 @!p0 $0x2  }
0x5f: {  	_ =	swait.ge @!p0 [sflag:s22], $0x3800  }
0x60: {  	[sflag:s22] =	ssyncset.done @!p0 $0x0  }
0x61: {  	[sflag:s22] =	ssyncadd.s32 @!p0 $0xFFFFC800  }
0x62: {  	p0 =	sne.s32 s21, $0x57  }
.Ltmp5:
0x63: {  	_ = 	snop;
	(pc) =	sbr.rel @p0 .LBB2_6-.Ltmp5, $4  }
.Ltmp6:
0x64: {  	_ = 	snop;
	(pc) =	sbr.rel @!p0 .LBB2_5-.Ltmp6, $4  }
0x65: {  	_ = 	snop  }
0x66: {  	_ = 	snop  }
0x67: {  	_ = 	snop  }
0x68: {  	_ = 	snop  }
.LBB2_8:
0x69: {  	_ =	sfence.sel $0x180000  }
0x6a: {  	[bflag:$0x0] =	sbarrier.arrive $0xFFFF  }
0x6b: {  	_ =	strace $0x9000004A  }
0x6c: {  	s0 =	stileid.u32;
	[bflag:$0x2] =	sbarrier.arrive $0xFFFF  }
0x6d: {  	p0 =	sne.s32 s0, $0x0;
	s0 =	rddreg [dreg:$0x2]  }
0x6e: {  	s0 =	sadd.s32 @!p0 $0x100000, s0  }
0x6f: {  	[sflag:s0] =	ssyncadd.tile.s32 @!p0 $0x1;
	_ =	shalt  }
.Lfunc_end2:
_tile_overlayer_lowered:
.L_overlay_start_2:
0x70: {  	(tag) =	ssettag $0x2  }
0x71: {  	s0 =	rddreg [dreg:$0x0];
	s2 =	stileid.u32  }
0x72: {  	s1 =	rddreg [dreg:$0x1];
	p0 =	sne.s32 s2, $0x0  }
0x73: {  	s3 =	rddreg [dreg:$0x2];
	[bflag:$0x3] =	sbarrier.arrive $0xFFFF;
	s2 =	simm.s32 @!p0 $0x1C04  }
0x74: {  	[timem:s3], [sflag:s2] =	dma.local @!p0 [hbm:s0], s1  }
0x75: {  	s0 =	simm.s32 @!p0 $0x4  }
0x76: {  	_ =	swait.ge @!p0 [sflag:s0], s1  }
0x77: {  	s1 =	ssub.s32 @!p0 $0x0, s1;
	[sflag:s0] =	ssyncset.done @!p0 $0x0  }
0x78: {  	[sflag:s0] =	ssyncadd.s32 @!p0 s1  }
0x79: {  	[bflag:$0x3] =	sbarrier.arrive $0xFFFF  }
0x7a: {  	_ =	shalt  }

// kernel: kernel.16.cloned.1.call-start
scs
__scs_entry_jumppad:
0x0: {  	(pc) =	sbr.rel $0x88, $3  }
0x1: {  	(tag) =	ssettag $0x0;
	lr =	simm.s32 $0x1  }
0x2: {  	[smem:$0x3F8C] =	sst lr;
	_ =	strace $0xD0000000  }
0x3: {  	_ = 	snop  }
0x4: {  	_ = 	snop  }
0x5: {  	_ = 	snop  }
0x6: {  	_ = 	snop  }
0x7: {  	_ = 	snop  }
__scs_overlays_trampoline_lowered:
0x8: {  	[smem:$0x3F9B] =	sst s0  }
0x9: {  	[smem:$0x3F9C] =	sst s1  }
0xa: {  	[smem:$0x3F9D] =	sst s2  }
0xb: {  	[smem:$0x3F9E] =	sst s3  }
0xc: {  	[smem:$0x3F9F] =	sst s4  }
0xd: {  	[smem:$0x3FA0] =	sst s5  }
0xe: {  	[smem:$0x3FA1] =	sst s6  }
0xf: {  	[smem:$0x3FA2] =	sst s7  }
0x10: {  	[smem:$0x3FA3] =	sst s8  }
0x11: {  	[smem:$0x3FA4] =	sst s9;
	s0 =	simm.s32 @!p0 $0x0  }
0x12: {  	s1 =	sld [smem:$0x3F8A];
	s0 =	simm.s32 @p0 $0x1  }
0x13: {  	[smem:$0x3FA5] =	sst s0;
	s0 =	simm.s32 @!p1 $0x0  }
0x14: {  	s2 =	sld [smem:$0x3F89];
	s0 =	simm.s32 @p1 $0x1  }
0x15: {  	[smem:$0x3FA6] =	sst s0;
	s0 =	simm.s32 @!p2 $0x0  }
0x16: {  	s3 =	sld [smem:$0x3FDB];
	s0 =	simm.s32 @p2 $0x1  }
0x17: {  	s4 =	simm.s32 $0x1BF5;
	[smem:$0x3FA8] =	sst s0  }
0x18: {  	s0 =	sld [smem:$0x3F8B];
	_ =	swait.ge [sflag:s4], $0x0  }
0x19: {  	s7 =	sld [smem:$0x3F8C]  }
0x1a: {  	s8 =	sadd.s32 $0xFFFFE003, lr  }
0x1b: {  	s9 =	sadd.s32 $0xFFFFFEF7, lr;
	s5 =	simm.s32 $0xFFFFFFFF;
	p2 =	slt.u32 s8, $0xFFFFF086  }
0x1c: {  	p1 =	slt.u32 s9, $0xF7A;
	s5 =	simm.s32 @!p2 $0x0  }
0x1d: {  	s5 =	simm.s32 @p1 $0x1;
	p0 =	seq.s32 s7, s2  }
0x1e: {  	s7 =	smul.u32 @!p0 $0xF7A, s2;
	p2 =	seq.s32 @!p0 s5, $0x0  }
0x1f: {  	s9 =	smul.u32 $0xF7A, s1;
	s8 =	simm.s32 @!p0 $0x1BF5;
	p2 =	por !p2, p0  }
0x20: {  	[sflag:s8] =	ssyncset.s32 @!p0 $0xFFFFF086;
	s6 =	sadd.s32 @!p0 s3, s7;
	s7 =	simm.s32 @!p0 $0x108  }
0x21: {  	s3 =	sadd.s32 s3, s9;
	s6 =	sadd.s32 @!p0 $0x88, s6;
	s7 =	simm.s32 @p2 $0x1082  }
0x22: {  	[simem:s7], [sflag:s8] =	dma.local @!p0 [hbm:s6], $0xF7A  }
0x23: {  	s9 =	sor.u32 $0xD0000000, s2;
	s6 =	simm.s32 $0x108;
	_ =	swait.ge @!p0 [sflag:s8], $0x0  }
0x24: {  	s3 =	sadd.s32 $0x88, s3;
	s6 =	simm.s32 @!p1 $0x1082;
	[sflag:s4] =	ssyncset.s32 $0xFFFFF086  }
0x25: {  	[simem:s6], [sflag:s4] =	dma.local [hbm:s3], $0xF7A  }
0x26: {  	[smem:$0x3F8C] =	sst s1;
	(tag) =	ssettag s2;
	_ =	strace s9  }
0x27: {  	s1 =	sld [smem:$0x3F9C]  }
0x28: {  	s2 =	sld [smem:$0x3F9D]  }
0x29: {  	s4 =	sld [smem:$0x3F9F]  }
0x2a: {  	p0 =	seq.s32 s5, $0x0;
	s5 =	sld [smem:$0x3FA0]  }
0x2b: {  	s6 =	sld [smem:$0x3FA1]  }
0x2c: {  	s7 =	sld [smem:$0x3FA2]  }
0x2d: {  	s3 =	simm.s32 $0x108;
	s8 =	sld [smem:$0x3FA3]  }
0x2e: {  	s3 =	simm.s32 @!p0 $0x1082;
	s9 =	sld [smem:$0x3FA4]  }
0x2f: {  	lr =	sadd.s32 s0, s3;
	s0 =	sld [smem:$0x3F9B]  }
0x30: {  	s3 =	sld [smem:$0x3F9E]  }
0x31: {  	[smem:$0x3FA7] =	sst s10  }
0x32: {  	s10 =	sld [smem:$0x3FA5];
	_ =	sdelay $0x3  }
0x33: {  	p0 =	seq.s32 s10, $0x1;
	s10 =	sld [smem:$0x3FA7];
	_ =	sdelay $0x3  }
0x34: {  	[smem:$0x3FA7] =	sst s10  }
0x35: {  	s10 =	sld [smem:$0x3FA6];
	_ =	sdelay $0x3  }
0x36: {  	p1 =	seq.s32 s10, $0x1;
	s10 =	sld [smem:$0x3FA7];
	_ =	sdelay $0x3  }
0x37: {  	[smem:$0x3FA7] =	sst s10  }
0x38: {  	s10 =	sld [smem:$0x3FA8]  }
0x39: {  	_ = 	snop;
	(pc) =	sbr.ind lr, $3  }
0x3a: {  	_ = 	snop  }
0x3b: {  	_ = 	snop  }
0x3c: {  	p2 =	seq.s32 s10, $0x1;
	s10 =	sld [smem:$0x3FA7]  }
0x3d: {  	_ =	shalt  }
0x3e: {  	_ =	shalt  }
0x3f: {  	_ =	shalt  }
0x40: {  	_ =	shalt  }
0x41: {  	_ =	shalt  }
0x42: {  	_ =	shalt  }
0x43: {  	_ =	shalt  }
0x44: {  	_ =	shalt  }
0x45: {  	_ =	shalt  }
0x46: {  	_ =	shalt  }
0x47: {  	_ =	shalt  }
0x48: {  	_ =	shalt  }
0x49: {  	_ =	shalt  }
0x4a: {  	_ =	shalt  }
0x4b: {  	_ =	shalt  }
0x4c: {  	_ =	shalt  }
0x4d: {  	_ =	shalt  }
0x4e: {  	_ =	shalt  }
0x4f: {  	_ =	shalt  }
0x50: {  	_ =	shalt  }
0x51: {  	_ =	shalt  }
0x52: {  	_ =	shalt  }
0x53: {  	_ =	shalt  }
0x54: {  	_ =	shalt  }
0x55: {  	_ =	shalt  }
0x56: {  	_ =	shalt  }
0x57: {  	_ =	shalt  }
0x58: {  	_ =	shalt  }
0x59: {  	_ =	shalt  }
0x5a: {  	_ =	shalt  }
0x5b: {  	_ =	shalt  }
0x5c: {  	_ =	shalt  }
0x5d: {  	_ =	shalt  }
0x5e: {  	_ =	shalt  }
0x5f: {  	_ =	shalt  }
0x60: {  	_ =	shalt  }
0x61: {  	_ =	shalt  }
0x62: {  	_ =	shalt  }
0x63: {  	_ =	shalt  }
0x64: {  	_ =	shalt  }
0x65: {  	_ =	shalt  }
0x66: {  	_ =	shalt  }
0x67: {  	_ =	shalt  }
0x68: {  	_ =	shalt  }
0x69: {  	_ =	shalt  }
0x6a: {  	_ =	shalt  }
0x6b: {  	_ =	shalt  }
0x6c: {  	_ =	shalt  }
0x6d: {  	_ =	shalt  }
0x6e: {  	_ =	shalt  }
0x6f: {  	_ =	shalt  }
0x70: {  	_ =	shalt  }
0x71: {  	_ =	shalt  }
0x72: {  	_ =	shalt  }
0x73: {  	_ =	shalt  }
0x74: {  	_ =	shalt  }
0x75: {  	_ =	shalt  }
0x76: {  	_ =	shalt  }
0x77: {  	_ =	shalt  }
0x78: {  	_ =	shalt  }
0x79: {  	_ =	shalt  }
0x7a: {  	_ =	shalt  }
0x7b: {  	_ =	shalt  }
0x7c: {  	_ =	shalt  }
0x7d: {  	_ =	shalt  }
0x7e: {  	_ =	shalt  }
0x7f: {  	_ =	shalt  }
0x80: {  	_ =	shalt  }
0x81: {  	_ =	shalt  }
0x82: {  	_ =	shalt  }
0x83: {  	_ =	shalt  }
0x84: {  	_ =	shalt  }
0x85: {  	_ =	shalt  }
0x86: {  	_ =	shalt  }
0x87: {  	_ =	shalt  }
.Lfunc_end0:
.L_simem_size_0:
called_computation.2_lowered:
.L_overlay_start_0:
0x88: {  	s2 =	sld [smem:$0x3FD9]  }
0x89: {  	s3 =	sld [smem:$0x3FFE];
	_ =	sdelay $0x1  }
0x8a: {  	s1 =	srdreg.scid  }
0x8b: {  	s0 =	sand.u32 $0x1, s1  }
0x8c: {  	s16 =	sshll.u32 s0, $0xA;
	s2 =	sadd.s32 s3, s2  }
0x8d: {  	s2 =	sadd.s32 s2, s16  }
0x8e: {  	[smem:$0x3FB3] =	sst s2  }
0x8f: {  	_ = 	snop  }
0x90: {  	(tm) =	ssettm $0x1  }
0x91: {  	s17 =	sld [smem:$0x3FFB];
	_ =	sdelay $0x3  }
0x92: {  	_ =	strace s17  }
0x93: {  	s2 =	sld [smem:$0x3FFC];
	_ =	sdelay $0x3  }
0x94: {  	_ =	strace s2  }
0x95: {  	s2 =	sld [smem:$0x3FFD];
	_ =	sdelay $0x3  }
0x96: {  	_ =	strace s2  }
0x97: {  	_ =	strace $0x8FFFFFFF  }
0x98: {  	s18 =	sld [smem:$0x3FDB];
	_ =	sdelay $0x1  }
0x99: {  	s19 =	simm.s32 $_scs_section_size  }
0x9a: {  	s4 =	simm.s32 $_size__tile_overlayer_lowered;
	s5 =	simm.s32 $_tile_overlayer_lowered  }
0x9b: {  	s22 =	simm.s32 $0x1BFF;
	s21 =	sshll.u32 s5, $0x1;
	s2 =	sadd.s32 s19, s18  }
0x9c: {  	s6 =	simm.s32 $0x0;
	s20 =	sshll.u32 s4, $0x1;
	s4 =	sadd.s32 s21, s2  }
0x9d: {  	[timem:s6], [sflag:s22] =	dma.local [hbm:s4], s20  }
0x9e: {  	_ =	swait.ge [sflag:s22], s20  }
0x9f: {  	s3 =	ssub.s32 $0x0, s20;
	[sflag:s22] =	ssyncset.done $0x0  }
0xa0: {  	[sflag:s22] =	ssyncadd.s32 s3;
	_ =	sdelay $0x1  }
0xa1: {  	s23 =	simm.s32 $0x1B8B  }
0xa2: {  	_ =	swait.ge [sflag:s23], $0x1  }
0xa3: {  	[sflag:s23] =	ssyncset.done $0x0  }
0xa4: {  	s25 =	simm.s32 $0x1B8E;
	s24 =	sld [smem:$0x3FFE];
	[sflag:s23] =	ssyncadd.s32 $0xFFFFFFFF  }
0xa5: {  	s26 =	simm.s32 $execute0_lowered;
	[smem:$0x3FD2] =	sst s25  }
0xa6: {  	s4 =	sshll.u32 s26, $0x1;
	_ =	strace $0x8000004C;
	[dreg:$0x1] =	wrdreg $0xFFFFFFFF  }
0xa7: {  	s28 =	simm.s32 $_size_execute0_lowered;
	s2 =	sadd.s32 s2, s4;
	[dreg:$0x0] =	wrdreg $0x0  }
0xa8: {  	s4 =	sshll.u32 s28, $0x1;
	[dreg:$0x2] =	wrdreg s2  }
0xa9: {  	[dreg:$0x3] =	wrdreg s4  }
0xaa: {  	[dreg:$0x4] =	wrdreg $0xC0  }
0xab: {  	_ =	task [dreg:s6], $0x5FFFF  }
0xac: {  	[dreg:$0x1] =	wrdreg $0xFFFFFFFF  }
0xad: {  	[dreg:$0x0] =	wrdreg $0x60  }
0xae: {  	[dreg:$0x2] =	wrdreg s24  }
0xaf: {  	[dreg:$0x3] =	wrdreg $0xAC000  }
0xb0: {  	[dreg:$0x4] =	wrdreg $0x9  }
0xb1: {  	_ =	task.clear_ibuf [dreg:s6], $0x5FFFF;
	_ =	strace $0x9000004C  }
0xb2: {  	s29 =	simm.s32 $0x9;
	_ =	strace $0x8000004E  }
0xb3: {  	_ =	swait.ge [sflag:s29], $0x1  }
0xb4: {  	[sflag:s29] =	ssyncadd.s32 $0xFFFFFFFF  }
0xb5: {  	_ =	strace $0x9000004E  }
0xb6: {  	_ =	sfence  }
0xb7: {  	s30 =	sld [smem:$0x0];
	_ =	sdelay $0x2  }
0xb8: {  	s31 =	sshll.u32 s1, $0xD;
	s1 =	sshrl.u32 s1, $0x2  }
0xb9: {  	s3 =	sand.u32 $0x4000, s31;
	s1 =	sadd.s32 s1, s30  }
0xba: {  	s0 =	sor.u32 s3, s0;
	s1 =	sshll.u32 s1, $0x11  }
0xbb: {  	s0 =	sor.u32 s1, s0  }
0xbc: {  	s0 =	sadd.s32 $0x8F2B, s0  }
0xbd: {  	[sflag:s0] =	ssyncadd.remote.s32 $0x1  }
0xbe: {  	_ =	sfence.sel $0xFFFF  }
0xbf: {  	[dreg:$0x0] =	wrdreg $0xFFFFFFFF;
	(pc) =	sbr.abs _section_cstart, $3  }
0xc0: {  	[dreg:$0x1] =	wrdreg $0xFFFFFFFF  }
0xc1: {  	_ =	task.clear_ibuf [dreg:s6], $0x2FFFF;
	_ =	strace $0x9FFFFFFF  }
0xc2: {  	(tm) =	ssettm $0x7FFFFFFF  }
0xc3: {  	_ =	shalt  }
tec
execute0_lowered:
.L_overlay_start_1:
0x0: {  	(tag) =	ssettag $0x1  }
0x1: {  	s0 =	rddreg [dreg:$0x0]  }
0x2: {  	s1 =	rddreg [dreg:$0x1]  }
0x3: {  	s2 =	srdreg.scid;
	s3 =	simm.s32 $0x0;
	s11 =	stileid.u32  }
0x4: {  	s18 =	simm.s32 $0x4;
	s20 =	simm.s32 $0x80;
	s28 =	simm.s32 $0x1  }
0x5: {  	s29 =	simm.s32 $0x2;
	s30 =	simm.s32 $0x0;
	s2 =	sand.u32 $0x1, s2  }
0x6: {  	[smem:$0x7FF] =	sst s3;
	s6 =	smul.u32 $0x13C00, s11;
	s4 =	sadd.s32 $0x6D600, s0  }
0x7: {  	s15 =	sadd.s32 $0x62200, s0;
	s16 =	sadd.s32 $0x3E00, s0;
	s9 =	smul.u32 $0x4F000, s11  }
0x8: {  	s26 =	sshll.u32 s11, $0x6;
	s5 =	smul.u32 $0x13C000, s2;
	_ =	strace $0x8000004D  }
0x9: {  	s7 =	sshll.u32 s2, $0x4;
	s8 =	ssub.s32 $0x2, s2;
	s2 =	smul.u32 $0x5A0, s2  }
0xa: {  	s7 =	sor.u32 s11, s7;
	s23 =	sshrl.u32 s8, $0x1;
	s11 =	smul.u32 $0x5A, s11  }
0xb: {  	s24 =	sshrl.u32 s9, $0x2;
	s6 =	sadd.s32 s6, s5;
	s10 =	smul.u32 $0x5A0, s7  }
0xc: {  	s5 =	sadd.s32 $0xF200, s0;
	s14 =	ssub.s32 s8, s23;
	s25 =	smul.u32 $0x2D00, s7  }
0xd: {  	s17 =	sadd.s32 s24, s1;
	s24 =	simm.s32 $0x3;
	s6 =	sshrl.u32 s6, $0x3  }
0xe: {  	s2 =	sadd.s32 s11, s2;
	s14 =	smax.u32 s14, $0x1;
	s17 =	sshrl.u32 s17, $0x3  }
0xf: {  	s0 =	sadd.s32 s6, s0;
	s6 =	sor.u32 $0x1C04, s26;
	s7 =	sadd.s32 s15, s10  }
0x10: {  	s8 =	sadd.s32 s16, s10;
	s10 =	sor.u32 $0x10, s10;
	s12 =	sshrl.u32 s25, $0x3  }
.Ltmp0:
0x11: {  	s2 =	sshll.u32 s2, $0x4;
	s25 =	simm.s32 $0x70;
	(pc) =	sbr.rel .LBB2_1-.Ltmp0, $4  }
0x12: {  	s26 =	simm.s32 $0x3C00;
	s9 =	sadd.s32 s15, s10;
	s12 =	sadd.s32 $0x20, s12  }
0x13: {  	s10 =	sadd.s32 s16, s10;
	s13 =	sadd.s32 $0x94800, s0;
	s31 =	sadd.s32 $0x20, s2  }
0x14: {  	s11 =	sadd.s32 s15, s12;
	s2 =	sadd.s32 s31, s15;
	s0 =	sadd.s32 s31, s16  }
0x15: {  	s12 =	sadd.s32 s16, s12;
	s19 =	sadd.s32 $0x10, s2;
	s2 =	sadd.s32 $0x10, s0  }
.LBB2_7:
0x16: {  	_ =	swait.ge [sflag:s29], $0x3800  }
0x17: {  	s30 =	sadd.s32 $0x1, s30;
	[sflag:s29] =	ssyncset.done $0x0  }
0x18: {  	p0 =	sne.s32 s30, s14;
	[sflag:s29] =	ssyncadd.s32 $0xFFFFC800  }
.Ltmp1:
0x19: {  	[bflag:$0x0] =	sbarrier.arrive $0xFFFF;
	(pc) =	sbr.rel @!p0 .LBB2_8-.Ltmp1, $4  }
0x1a: {  	[hbm:s13], [sflag:s6] =	dma.local [spmem:s17], $0x2780  }
0x1b: {  	_ =	swait.ge [sflag:s18], $0x2780  }
0x1c: {  	[sflag:s18] =	ssyncset.done $0x0  }
0x1d: {  	[sflag:s18] =	ssyncadd.s32 $0xFFFFD880  }
.LBB2_1:
0x1e: {  	[spmem:s17], [sflag:s6] =	dma.local [hbm:s5], $0x2780  }
0x1f: {  	_ =	swait.ge [sflag:s18], $0x2780  }
0x20: {  	[sflag:s18] =	ssyncset.done $0x0  }
0x21: {  	[sflag:s18] =	ssyncadd.s32 $0xFFFFD880  }
0x22: {  	[bflag:$0x0] =	sbarrier.arrive $0xFFFF  }
0x23: {  	[tilespmem:s3], [sflag:$0x3] =	stream.linear.gather [hbm4b:s7+s3], $0x80, $0x38;
	[tilespmem:$0x1E800] =	vst v63  }
0x24: {  	s0 =	simm.s32 $0x200  }
0x25: {  	[tilespmem:s0], [sflag:$0x3] =	stream.linear.gather [hbm4b:s8+s3], $0x80, $0x38;
	[tilespmem:$0x1E800] =	vst v63  }
0x26: {  	_ = 	snop  }
0x27: {  	[tilespmem:s20], [sflag:$0x3] =	stream.linear.gather [hbm4b:s9+s3], $0x80, $0x38;
	[tilespmem:$0x1E800] =	vst v63  }
0x28: {  	s21 =	simm.s32 $0x280  }
0x29: {  	[tilespmem:s21], [sflag:$0x3] =	stream.linear.gather [hbm4b:s10+s3], $0x80, $0x38;
	[tilespmem:$0x1E800] =	vst v63  }
0x2a: {  	s22 =	simm.s32 $0x100  }
0x2b: {  	[tilespmem:s22], [sflag:$0x3] =	stream.linear.gather [hbm4b:s11+s3], $0x80, $0x38;
	[tilespmem:$0x1E800] =	vst v63  }
0x2c: {  	s23 =	simm.s32 $0x300  }
0x2d: {  	[tilespmem:s23], [sflag:$0x3] =	stream.linear.gather [hbm4b:s12+s3], $0x80, $0x38;
	[tilespmem:$0x1E800] =	vst v63  }
0x2e: {  	_ =	swait.ge [sflag:s24], $0x80  }
0x2f: {  	[sflag:s24] =	ssyncset.done $0x0  }
0x30: {  	[sflag:s24] =	ssyncadd.s32 $0xFFFFFF80  }
0x31: {  	_ =	swait.ge [sflag:s24], $0x80  }
0x32: {  	[sflag:s24] =	ssyncset.done $0x0  }
0x33: {  	s31 =	simm.s32 $0x400;
	[sflag:s24] =	ssyncadd.s32 $0xFFFFFF80  }
0x34: {  	[tilespmem:s31], [sflag:$0x1] =	stream.indirect.gather [hbm4b:s4+s25], $0x80, s3, s25, $0xb8;
	[tilespmem:$0x1E800] =	vst v63  }
0x35: {  	_ =	swait.ge [sflag:s24], $0x80  }
0x36: {  	[sflag:s24] =	ssyncset.done $0x0  }
.Ltmp2:
0x37: {  	[sflag:s24] =	ssyncadd.s32 $0xFFFFFF80;
	(pc) =	sbr.rel .LBB2_2-.Ltmp2, $4  }
0x38: {  	_ =	swait.ge [sflag:s24], $0x80  }
0x39: {  	s16 =	smov.u32 s2;
	s15 =	smov.u32 s19;
	[sflag:s24] =	ssyncset.done $0x0  }
0x3a: {  	s0 =	simm.s32 $0x180;
	s21 =	simm.s32 $0x0;
	[sflag:s24] =	ssyncadd.s32 $0xFFFFFF80  }
0x3b: {  	[tilespmem:s26], [sflag:$0x1] =	stream.indirect.gather [hbm4b:s4+s25], $0x80, s20, s25, $0xb8;
	[tilespmem:$0x1E800] =	vst v63  }
.LBB2_3:
0x3c: {  	s22 =	sand.u32 $0x180, s0  }
0x3d: {  	[tilespmem:s22], [sflag:$0x3] =	stream.linear.gather [hbm4b:s15+s3], $0x80, $0x38;
	[tilespmem:$0x1E800] =	vst v63  }
0x3e: {  	s22 =	sor.u32 $0x200, s22  }
0x3f: {  	[tilespmem:s22], [sflag:$0x3] =	stream.linear.gather [hbm4b:s16+s3], $0x80, $0x38;
	[tilespmem:$0x1E800] =	vst v63  }
.LBB2_5:
0x40: {  	s22 =	sadd.s32 $0x2, s21  }
0x41: {  	s23 =	smul.u32 $0xAB, s22;
	_ =	sdelay $0x1  }
0x42: {  	s23 =	sshrl.u32 s23, $0x9  }
0x43: {  	s23 =	sand.u32 $0x7F, s23  }
0x44: {  	s23 =	smul.u32 $0x3, s23;
	_ =	sdelay $0x1  }
0x45: {  	_ =	swait.ge [sflag:s24], $0x80;
	s22 =	ssub.s32 s22, s23  }
0x46: {  	[sflag:s24] =	ssyncset.done $0x0;
	s22 =	sand.u32 $0xFF, s22  }
0x47: {  	[sflag:s24] =	ssyncadd.s32 $0xFFFFFF80;
	s22 =	smul.u32 $0xE000, s22  }
0x48: {  	_ =	swait.ge [sflag:s24], $0x80  }
0x49: {  	[sflag:s24] =	ssyncset.done $0x0;
	s23 =	sand.u32 $0x600, s31;
	s22 =	sshrl.u32 s22, $0x2  }
0x4a: {  	[sflag:s24] =	ssyncadd.s32 $0xFFFFFF80;
	s23 =	sshrl.u32 s23, $0x2;
	s22 =	sor.u32 $0x400, s22  }
0x4b: {  	[tilespmem:s22], [sflag:$0x1] =	stream.indirect.gather [hbm4b:s4+s25], $0x80, s23, s25, $0xb8;
	[tilespmem:$0x1E800] =	vst v63  }
.LBB2_6:
0x4c: {  	s21 =	sadd.s32 $0x1, s21  }
0x4d: {  	p0 =	sne.s32 s21, $0x5A  }
.Ltmp3:
0x4e: {  	_ = 	snop;
	(pc) =	sbr.rel @!p0 .LBB2_7-.Ltmp3, $3  }
0x4f: {  	_ =	sdelay $0x1  }
0x50: {  	s31 =	sadd.s32 $0x200, s31  }
0x51: {  	s0 =	sadd.s32 $0x80, s0;
	s15 =	sadd.s32 $0x10, s15;
	s16 =	sadd.s32 $0x10, s16  }
.LBB2_2:
0x52: {  	s22 =	smul.u32 $0xAB, s21;
	_ =	sdelay $0x1  }
0x53: {  	s22 =	sshrl.u32 s22, $0x9  }
0x54: {  	s22 =	sand.u32 $0x7F, s22  }
0x55: {  	s22 =	smul.u32 $0x3, s22;
	_ =	sdelay $0x1  }
0x56: {  	s22 =	ssub.s32 s21, s22  }
0x57: {  	s23 =	sadd.s32 $0xFFFFFC00, s31;
	s22 =	sand.u32 $0xFF, s22  }
0x58: {  	_ =	swait.ge [sflag:s28], $0x3800;
	p0 =	seq.s32 s21, $0x0;
	s22 =	smul.u32 $0xE000, s22  }
0x59: {  	s23 =	sand.u32 $0x600, s23;
	[sflag:s28] =	ssyncset.done $0x0;
	p1 =	sgt.u32 @!p0 s21, $0x56  }
0x5a: {  	s23 =	sshrl.u32 s23, $0x2;
	[sflag:s28] =	ssyncadd.s32 $0xFFFFC800;
	s22 =	sshrl.u32 s22, $0x2  }
0x5b: {  	p1 =	por p0, !p1;
	s23 =	sor.u32 $0x200, s23;
	s22 =	sor.u32 $0x400, s22  }
0x5c: {  	[spmem:s1] =	stream.indirect.scatter.add.f32 [tilespmem:s22], [sflag:$0x2], $0x80, s23, s25, $0xb8;
	[tilespmem:$0x1E800] =	vst v63  }
.Ltmp4:
0x5d: {  	_ = 	snop;
	(pc) =	sbr.rel @p1 .LBB2_3-.Ltmp4, $4  }
0x5e: {  	s22 =	simm.s32 @!p0 $0x2  }
0x5f: {  	_ =	swait.ge @!p0 [sflag:s22], $0x3800  }
0x60: {  	[sflag:s22] =	ssyncset.done @!p0 $0x0  }
0x61: {  	[sflag:s22] =	ssyncadd.s32 @!p0 $0xFFFFC800  }
0x62: {  	p0 =	sne.s32 s21, $0x57  }
.Ltmp5:
0x63: {  	_ = 	snop;
	(pc) =	sbr.rel @p0 .LBB2_6-.Ltmp5, $4  }
.Ltmp6:
0x64: {  	_ = 	snop;
	(pc) =	sbr.rel @!p0 .LBB2_5-.Ltmp6, $4  }
0x65: {  	_ = 	snop  }
0x66: {  	_ = 	snop  }
0x67: {  	_ = 	snop  }
0x68: {  	_ = 	snop  }
.LBB2_8:
0x69: {  	_ =	sfence.sel $0x180000  }
0x6a: {  	[bflag:$0x0] =	sbarrier.arrive $0xFFFF  }
0x6b: {  	_ =	strace $0x9000004D  }
0x6c: {  	s0 =	stileid.u32;
	[bflag:$0x2] =	sbarrier.arrive $0xFFFF  }
0x6d: {  	p0 =	sne.s32 s0, $0x0;
	s0 =	rddreg [dreg:$0x2]  }
0x6e: {  	s0 =	sadd.s32 @!p0 $0x100000, s0  }
0x6f: {  	[sflag:s0] =	ssyncadd.tile.s32 @!p0 $0x1;
	_ =	shalt  }
.Lfunc_end2:
_tile_overlayer_lowered:
.L_overlay_start_2:
0x70: {  	(tag) =	ssettag $0x2  }
0x71: {  	s0 =	rddreg [dreg:$0x0];
	s2 =	stileid.u32  }
0x72: {  	s1 =	rddreg [dreg:$0x1];
	p0 =	sne.s32 s2, $0x0  }
0x73: {  	s3 =	rddreg [dreg:$0x2];
	[bflag:$0x3] =	sbarrier.arrive $0xFFFF;
	s2 =	simm.s32 @!p0 $0x1C04  }
0x74: {  	[timem:s3], [sflag:s2] =	dma.local @!p0 [hbm:s0], s1  }
0x75: {  	s0 =	simm.s32 @!p0 $0x4  }
0x76: {  	_ =	swait.ge @!p0 [sflag:s0], s1  }
0x77: {  	s1 =	ssub.s32 @!p0 $0x0, s1;
	[sflag:s0] =	ssyncset.done @!p0 $0x0  }
0x78: {  	[sflag:s0] =	ssyncadd.s32 @!p0 s1  }
0x79: {  	[bflag:$0x3] =	sbarrier.arrive $0xFFFF  }
0x7a: {  	_ =	shalt  }

</sc_bundles>
